<compile_context>
chip_gen: v7x
topology: tpu7x:2x2x1
jax: 0.10.2.dev20260603
libtpu: 0.0.44.dev20260713+nightly
codegen_flags: <defaults>
</compile_context>

<pallas_src>
import functools
import jax
import jax.numpy as jnp
from jax import lax
from jax.experimental import pallas as pl
from jax.experimental.pallas import tpu as pltpu
from jax.experimental.pallas import tpu_sc as plsc

_TAPS8 = [(s0, s1, s2) for s0 in (0, 1) for s1 in (0, 1) for s2 in (0, 1)]
_BF = jnp.bfloat16



def _s2d(xp):
    n, d, h, w, c = xp.shape
    x = xp.reshape(n, d // 2, 2, h // 2, 2, w // 2, 2, c)
    x = x.transpose(0, 1, 3, 5, 2, 4, 6, 7)
    return x.reshape(n, d // 2, h // 2, w // 2, 8 * c)


def _enc_w(w):
    o, c = w.shape[:2]
    wr = w.reshape(o, c, 2, 2, 2, 2, 2, 2)
    wr = wr.transpose(2, 4, 6, 3, 5, 7, 1, 0)
    return wr.reshape(8, 8 * c, o)


def _dec_w(w):
    c, o = w.shape[:2]
    wf = w.reshape(c, o, 2, 2, 2, 2, 2, 2)
    wr = wf.transpose(3, 5, 7, 2, 4, 6, 0, 1)
    return wr.reshape(8, 8, c, o)


def _win8(x, o):
    views = [x[:, s0:s0 + o, s1:s1 + o, s2:s2 + o, :] for s0, s1, s2 in _TAPS8]
    return jnp.stack(views, axis=4)


def _interleave(y, n, g, c):
    y = y.reshape(2, 2, 2, n, g, g, g, c)
    y = y.transpose(3, 4, 0, 5, 1, 6, 2, 7)
    return y.reshape(n, 2 * g, 2 * g, 2 * g, c)



def _conv1_body(x_ref, w_ref, b_ref, o_ref, *, g):
    x = x_ref[0]
    c = x.shape[-1]
    acc = None
    for t, (s0, s1, s2) in enumerate(_TAPS8):
        a = x[s0:s0 + g, s1:s1 + g, s2:s2 + g, :].reshape(g ** 3, c)
        p = jnp.dot(a, w_ref[t], preferred_element_type=jnp.float32)
        acc = p if acc is None else acc + p
    o_ref[0] = jnp.maximum(acc + b_ref[...], 0.0).astype(o_ref.dtype)


def _conv1(x, w, b2d, out_dtype):
    n, gp = x.shape[0], x.shape[1]
    g = gp - 1
    c = x.shape[-1]
    o = w.shape[2]
    return pl.pallas_call(
        functools.partial(_conv1_body, g=g),
        grid=(n,),
        in_specs=[
            pl.BlockSpec((1, gp, gp, gp, c), lambda i: (i, 0, 0, 0, 0)),
            pl.BlockSpec((8, c, o), lambda i: (0, 0, 0)),
            pl.BlockSpec((1, o), lambda i: (0, 0)),
        ],
        out_specs=pl.BlockSpec((1, g ** 3, o), lambda i: (i, 0, 0)),
        out_shape=jax.ShapeDtypeStruct((n, g ** 3, o), out_dtype),
    )(x, w, b2d)


def _sconv_body(x_ref, w_ref, b_ref, o_ref, *, g, relu, nb):
    x = x_ref[...]
    c = x.shape[-1]
    acc = None
    for t, (s0, s1, s2) in enumerate(_TAPS8):
        a = x[:, s0:s0 + g, s1:s1 + g, s2:s2 + g, :].reshape(nb * g ** 3, c)
        p = jnp.dot(a, w_ref[t], preferred_element_type=jnp.float32)
        acc = p if acc is None else acc + p
    acc = acc + b_ref[...]
    if relu:
        acc = jnp.maximum(acc, 0.0)
    o_ref[...] = acc.astype(o_ref.dtype)


def _sconv(x, w, b2d, relu, out_dtype, nb=2):
    n, gp = x.shape[0], x.shape[1]
    g = gp - 1
    c, o = w.shape[1], w.shape[2]
    return pl.pallas_call(
        functools.partial(_sconv_body, g=g, relu=relu, nb=nb),
        grid=(n // nb,),
        in_specs=[
            pl.BlockSpec((nb, gp, gp, gp, c), lambda i: (i, 0, 0, 0, 0)),
            pl.BlockSpec((8, c, o), lambda i: (0, 0, 0)),
            pl.BlockSpec((1, o), lambda i: (0, 0)),
        ],
        out_specs=pl.BlockSpec((nb * g ** 3, o), lambda i: (i, 0)),
        out_shape=jax.ShapeDtypeStruct((n * g ** 3, o), out_dtype),
    )(x, w, b2d)


def _dconvp_body(x_ref, w_ref, b_ref, o_ref, *, g, relu, nb):
    x = x_ref[...]
    c = x.shape[-1]
    for r, (r0, r1, r2) in enumerate(_TAPS8):
        acc = None
        for t, (s0, s1, s2) in enumerate(_TAPS8):
            a = x[:, r0 + s0:r0 + s0 + g, r1 + s1:r1 + s1 + g,
                  r2 + s2:r2 + s2 + g, :].reshape(nb * g ** 3, c)
            p = jnp.dot(a, w_ref[7 - r, 7 - t],
                        preferred_element_type=jnp.float32)
            acc = p if acc is None else acc + p
        acc = acc + b_ref[...]
        if relu:
            acc = jnp.maximum(acc, 0.0)
        o_ref[r] = acc.astype(o_ref.dtype)


def _dconvp(x, w, b2d, relu, out_dtype, nb=2):
    n, gp = x.shape[0], x.shape[1]
    g = gp - 2
    c, o = w.shape[2], w.shape[3]
    return pl.pallas_call(
        functools.partial(_dconvp_body, g=g, relu=relu, nb=nb),
        grid=(n // nb,),
        in_specs=[
            pl.BlockSpec((nb, gp, gp, gp, c), lambda i: (i, 0, 0, 0, 0)),
            pl.BlockSpec((8, 8, c, o), lambda i: (0, 0, 0, 0)),
            pl.BlockSpec((1, o), lambda i: (0, 0)),
        ],
        out_specs=pl.BlockSpec((8, nb * g ** 3, o), lambda i: (0, i, 0)),
        out_shape=jax.ShapeDtypeStruct((8, n * g ** 3, o), out_dtype),
    )(x, w, b2d)


def _dconv3_body(x_ref, w_ref, b_ref, o_ref, *, g):
    x = x_ref[0]
    c = x.shape[-1]
    acc = None
    i = 0
    for a0 in range(3):
        for a1 in range(3):
            for a2 in range(3):
                a = x[a0:a0 + g, a1:a1 + g, a2:a2 + g, :].reshape(g ** 3, c)
                p = jnp.dot(a, w_ref[i], preferred_element_type=jnp.float32)
                acc = p if acc is None else acc + p
                i += 1
    o_ref[0] = acc + b_ref[...]


def _dconv3(x, w27, b2d):
    n, gp = x.shape[0], x.shape[1]
    g = gp - 2
    c = x.shape[-1]
    return pl.pallas_call(
        functools.partial(_dconv3_body, g=g),
        grid=(n,),
        in_specs=[
            pl.BlockSpec((1, gp, gp, gp, c), lambda i: (i, 0, 0, 0, 0)),
            pl.BlockSpec((27, c, 8), lambda i: (0, 0, 0)),
            pl.BlockSpec((1, 8), lambda i: (0, 0)),
        ],
        out_specs=pl.BlockSpec((1, g * g * g, 8), lambda i: (i, 0, 0)),
        out_shape=jax.ShapeDtypeStruct((n, g * g * g, 8), jnp.float32),
    )(x, w27, b2d)


def _loss_body(flat_ref, quant_ref, loss_ref):
    d = quant_ref[...] - flat_ref[...]
    loss_ref[...] = jnp.reshape(1.25 * jnp.sum(d * d) / d.size, (1, 1))


def _vq_loss(flat, quant):
    loss = pl.pallas_call(
        _loss_body,
        out_shape=jax.ShapeDtypeStruct((1, 1), jnp.float32),
    )(flat, quant)
    return loss[0, 0]


def _sc_gather(emb, idx):
    info = plsc.get_sparse_core_info()
    nw = info.num_cores * info.num_subcores
    b = idx.shape[0]
    d = emb.shape[1]
    bpw = b // nw
    nc = info.num_cores
    mesh = plsc.VectorSubcoreMesh(core_axis_name="c", subcore_axis_name="s")

    @functools.partial(
        pl.kernel, mesh=mesh,
        out_type=jax.ShapeDtypeStruct((b, d), jnp.float32),
        scratch_types=[
            pltpu.VMEM((bpw,), jnp.int32),
            pltpu.VMEM((bpw, d), jnp.float32),
            pltpu.SemaphoreType.DMA,
        ],
    )
    def k(emb_hbm, idx_hbm, out_hbm, idx_v, rows_v, sem):
        wid = lax.axis_index("s") * nc + lax.axis_index("c")
        base = wid * bpw
        pltpu.sync_copy(idx_hbm.at[pl.ds(base, bpw)], idx_v)
        pltpu.async_copy(emb_hbm.at[idx_v], rows_v, sem).wait()
        pltpu.sync_copy(rows_v, out_hbm.at[pl.ds(base, bpw)])

    return k(emb, idx)



def kernel(x, emb, w1, b1, w2, b2, w3, b3, dw1, db1, dw2, db2, dw3, db3, wo, bo):
    n = x.shape[0]

    xl = x.reshape(n, 32, 32, 32, 1)
    xp = jnp.pad(xl, ((0, 0), (1, 1), (1, 1), (1, 1), (0, 0)))
    x2 = _s2d(xp)
    h1 = _conv1(x2, _enc_w(w1), b1.reshape(1, 128), jnp.float32)
    h1 = h1.reshape(n, 16, 16, 16, 128)

    h1p = jnp.pad(h1, ((0, 0), (1, 1), (1, 1), (1, 1), (0, 0)))
    h1s = _s2d(h1p)
    h2 = _sconv(h1s, _enc_w(w2), b2.reshape(1, 256), True, jnp.float32)
    h2 = h2.reshape(n, 8, 8, 8, 256)

    h2p = jnp.pad(h2, ((0, 0), (1, 1), (1, 1), (1, 1), (0, 0)))
    h2s = _s2d(h2p)
    h3 = _sconv(h2s, _enc_w(w3), b3.reshape(1, 256), False, jnp.float32)

    flat = h3.reshape(-1, emb.shape[1])
    dist = (jnp.sum(flat ** 2, axis=1, keepdims=True)
            + jnp.sum(emb ** 2, axis=1)
            - 2.0 * jnp.matmul(flat, emb.T))
    idx = jnp.argmin(dist, axis=1).astype(jnp.int32)
    quant = _sc_gather(emb, idx)
    eq_loss = _vq_loss(flat, quant)

    q5 = quant.reshape(n, 4, 4, 4, 256)
    qp = jnp.pad(q5, ((0, 0), (1, 1), (1, 1), (1, 1), (0, 0)))
    y1 = _dconvp(qp, _dec_w(dw1), db1.reshape(1, 256),
                 True, jnp.float32)
    r1 = _interleave(y1, n, 4, 256)

    r1p = jnp.pad(r1, ((0, 0), (1, 1), (1, 1), (1, 1), (0, 0)))
    y2 = _dconvp(r1p, _dec_w(dw2), db2.reshape(1, 128),
                 True, jnp.float32)
    r2 = _interleave(y2, n, 8, 128)

    wov = wo[0, :, 0, 0, 0]
    dw3f = jnp.einsum('icdhw,c->idhw', dw3, wov)[:, None]
    db3f = jnp.dot(wov, db3) + bo[0]
    wd3 = _dec_w(dw3f)
    w27 = jnp.zeros((3, 3, 3, 128, 8), jnp.float32)
    for ph, (p0, p1, p2) in enumerate(_TAPS8):
        for sh, (t0, t1, t2) in enumerate(_TAPS8):
            w27 = w27.at[p0 + t0, p1 + t1, p2 + t2, :, ph].set(
                wd3[7 - ph, 7 - sh, :, 0])
    w27 = w27.reshape(27, 128, 8)
    r2p = jnp.pad(r2, ((0, 0), (1, 1), (1, 1), (1, 1), (0, 0)))
    b27 = jnp.full((1, 8), db3f, jnp.float32)
    y3 = _dconv3(r2p, w27, b27)
    y3 = y3.reshape(n, 16, 16, 16, 2, 2, 2)
    y3 = y3.transpose(0, 1, 4, 2, 5, 3, 6).reshape(n, 32, 32, 32)
    r_out = y3[:, None]

    return (eq_loss, r_out)

# --- scband reference (transcript-rebuilt; emitter-appended) ---
"""Pipeline reference for scband-vq-single-10634339025166 (READ-ONLY COPY).

The authoritative reference and input builder live on the scoring server;
editing this copy changes nothing except your own understanding.
"""

import jax, jax.numpy as jnp
import numpy as np
from jax import lax


def conv3d(x, w, b, stride, padding):
    y = lax.conv_general_dilated(x, w, (stride, stride, stride), [(padding, padding)] * 3,
                                 dimension_numbers=('NCDHW', 'OIDHW', 'NCDHW'))
    return y + b.reshape(1, -1, 1, 1, 1)


def conv_transpose3d(x, w, b, stride, padding):
    # w in pytorch ConvTranspose3d layout (Cin, Cout, kD, kH, kW)
    k = w.shape[2]
    w_t = jnp.transpose(jnp.flip(w, axis=(2, 3, 4)), (1, 0, 2, 3, 4))
    pad = k - 1 - padding
    y = lax.conv_general_dilated(x, w_t, (1, 1, 1), [(pad, pad)] * 3,
                                 lhs_dilation=(stride, stride, stride),
                                 dimension_numbers=('NCDHW', 'OIDHW', 'NCDHW'))
    return y + b.reshape(1, -1, 1, 1, 1)


def setup_inputs(seed: int = 0):
    key = jax.random.key(seed)
    ks = jax.random.split(key, 20)
    ne, ed = 1024, 128
    def u(k, shape, fan_in):
        s = 1.0 / np.sqrt(fan_in)
        return jax.random.uniform(k, shape, jnp.float32, -s, s)
    d = {}
    d['x'] = jax.random.normal(ks[0], (8, 1, 32, 32, 32), jnp.float32)
    d['emb'] = jax.random.uniform(ks[1], (ne, ed), jnp.float32, -1.0 / ne, 1.0 / ne)
    d['w1'] = u(ks[2], (128, 1, 4, 4, 4), 1 * 64);    d['b1'] = u(ks[3], (128,), 1 * 64)
    d['w2'] = u(ks[4], (256, 128, 4, 4, 4), 128 * 64); d['b2'] = u(ks[5], (256,), 128 * 64)
    d['w3'] = u(ks[6], (256, 256, 4, 4, 4), 256 * 64); d['b3'] = u(ks[7], (256,), 256 * 64)
    d['dw1'] = u(ks[8], (256, 256, 4, 4, 4), 256 * 64); d['db1'] = u(ks[9], (256,), 256 * 64)
    d['dw2'] = u(ks[10], (256, 128, 4, 4, 4), 256 * 64); d['db2'] = u(ks[11], (128,), 256 * 64)
    d['dw3'] = u(ks[12], (128, 128, 4, 4, 4), 128 * 64); d['db3'] = u(ks[13], (128,), 128 * 64)
    d['wo'] = u(ks[14], (1, 128, 1, 1, 1), 128);       d['bo'] = u(ks[15], (1,), 128)
    return d


def reference(x, emb, w1, b1, w2, b2, w3, b3, dw1, db1, dw2, db2, dw3, db3, wo, bo):
    commitment_cost = 0.25
    h = jax.nn.relu(conv3d(x, w1, b1, 2, 1))
    h = jax.nn.relu(conv3d(h, w2, b2, 2, 1))
    h = conv3d(h, w3, b3, 2, 1)
    h = jnp.transpose(h, (0, 2, 3, 4, 1))
    input_shape = h.shape
    ed = emb.shape[1]
    flat = h.reshape(-1, ed)
    dist = (jnp.sum(flat ** 2, axis=1, keepdims=True)
            + jnp.sum(emb ** 2, axis=1)
            - 2.0 * jnp.matmul(flat, emb.T))
    idx = jnp.argmin(dist, axis=1)
    quant = jnp.take(emb, idx, axis=0).reshape(input_shape)
    e_latent_loss = jnp.mean((lax.stop_gradient(quant) - h) ** 2)
    q_latent_loss = jnp.mean((quant - lax.stop_gradient(h)) ** 2)
    eq_loss = q_latent_loss + commitment_cost * e_latent_loss
    quant = h + lax.stop_gradient(quant - h)
    quant = jnp.transpose(quant, (0, 4, 1, 2, 3))
    r = jax.nn.relu(conv_transpose3d(quant, dw1, db1, 2, 1))
    r = jax.nn.relu(conv_transpose3d(r, dw2, db2, 2, 1))
    r = conv_transpose3d(r, dw3, db3, 2, 1)
    r = conv3d(r, wo, bo, 1, 0)
    return (eq_loss, r)

if __name__ == "__main__":
    import jax
    _d = setup_inputs()
    print(jax.jit(kernel)(*tuple(_d.values())))

</pallas_src>

<mosaic_0001>
#map = affine_map<(d0, d1) -> (0, 0)>
#map1 = affine_map<(d0, d1) -> (0)>
module attributes {stable_mosaic.version = 14 : i64} {
  func.func @k(%arg0: i32, %arg1: i32, %arg2: memref<1024x128xf32, #tpu.memory_space<hbm>>, %arg3: memref<1024xi32, #tpu.memory_space<hbm>>, %arg4: memref<1024x128xf32, #tpu.memory_space<hbm>>, %arg5: memref<32xi32, #tpu.memory_space<vmem>>, %arg6: memref<32x128xf32, #tpu.memory_space<vmem>>, %arg7: memref<!tpu.dma_semaphore, #tpu.memory_space<semaphore_mem>>) attributes {dimension_semantics = [#tpu.dimension_semantics<core_parallel>, #tpu.dimension_semantics<subcore_parallel>], iteration_bounds = array<i64: 2, 16>, scalar_prefetch = 0 : i64, scratch_operands = 3 : i64, tpu.core_type = #tpu.core_type<sc_vector_subcore>, window_params = [{transform_indices = #map}, {transform_indices = #map1}, {transform_indices = #map}]} {
    %mul3A = arith.constant 2 : i32
    %mul3A_0 = arith.muli %arg1, %mul3A : i32
    %add3A = arith.addi %mul3A_0, %arg0 : i32
    %mul3A_1 = arith.constant 32 : i32
    %mul3A_2 = arith.muli %add3A, %mul3A_1 : i32
    "tpu.region"() ({
      %run_scoped3A = tpu.sem_alloc : memref<!tpu.dma_semaphore, #tpu.memory_space<semaphore_mem>>
      %dma_start3A_7 = tpu.memref_slice %arg3[%mul3A_2] : memref<1024xi32, #tpu.memory_space<hbm>> -> memref<32xi32, #tpu.memory_space<hbm>>
      %dma_start3A_8 = tpu.memref_slice %arg3[%mul3A_2] : memref<1024xi32, #tpu.memory_space<hbm>> -> memref<32xi32, #tpu.memory_space<hbm>>
      tpu.enqueue_dma source(%dma_start3A_8 : memref<32xi32, #tpu.memory_space<hbm>>) target(%arg5 : memref<32xi32, #tpu.memory_space<vmem>>) target_semaphore(%run_scoped3A : memref<!tpu.dma_semaphore, #tpu.memory_space<semaphore_mem>>)
      %dma_wait3A_9 = tpu.memref_slice %arg3[%mul3A_2] : memref<1024xi32, #tpu.memory_space<hbm>> -> memref<32xi32, #tpu.memory_space<hbm>>
      %dma_wait3A_10 = tpu.memref_slice %arg3[%mul3A_2] : memref<1024xi32, #tpu.memory_space<hbm>> -> memref<32xi32, #tpu.memory_space<hbm>>
      tpu.wait_dma2 semaphore(%run_scoped3A : memref<!tpu.dma_semaphore, #tpu.memory_space<semaphore_mem>>) src(%dma_wait3A_10 : memref<32xi32, #tpu.memory_space<hbm>>) dst(%arg5 : memref<32xi32, #tpu.memory_space<vmem>>)
      tpu.yield
    }) : () -> ()
    %dma_start3A = arith.constant 0 : i32
    %dma_start3A_3 = arith.constant 0 : i32
    %dma_start3A_4 = tpu.memref_slice %arg2[%dma_start3A, %dma_start3A_3] : memref<1024x128xf32, #tpu.memory_space<hbm>> -> memref<1024x128xf32, #tpu.memory_space<hbm>>
    tpu.enqueue_indirect_dma source(%dma_start3A_4 : memref<1024x128xf32, #tpu.memory_space<hbm>>) target(%arg6 : memref<32x128xf32, #tpu.memory_space<vmem>>) offsets(%arg5 : memref<32xi32, #tpu.memory_space<vmem>>) semaphore(%arg7 : memref<!tpu.dma_semaphore, #tpu.memory_space<semaphore_mem>>)
    %dma_wait3A = arith.constant 0 : i32
    %dma_wait3A_5 = arith.constant 0 : i32
    %dma_wait3A_6 = tpu.memref_slice %arg2[%dma_wait3A, %dma_wait3A_5] : memref<1024x128xf32, #tpu.memory_space<hbm>> -> memref<1024x128xf32, #tpu.memory_space<hbm>>
    tpu.wait_indirect_dma semaphore(%arg7 : memref<!tpu.dma_semaphore, #tpu.memory_space<semaphore_mem>>) src(%dma_wait3A_6 : memref<1024x128xf32, #tpu.memory_space<hbm>>) dst(%arg6 : memref<32x128xf32, #tpu.memory_space<vmem>>)
    "tpu.region"() ({
      %run_scoped3A = tpu.sem_alloc : memref<!tpu.dma_semaphore, #tpu.memory_space<semaphore_mem>>
      %dma_start3A_7 = arith.constant 0 : i32
      %dma_start3A_8 = tpu.memref_slice %arg4[%mul3A_2, %dma_start3A_7] : memref<1024x128xf32, #tpu.memory_space<hbm>> -> memref<32x128xf32, #tpu.memory_space<hbm>>
      %dma_start3A_9 = arith.constant 0 : i32
      %dma_start3A_10 = tpu.memref_slice %arg4[%mul3A_2, %dma_start3A_9] : memref<1024x128xf32, #tpu.memory_space<hbm>> -> memref<32x128xf32, #tpu.memory_space<hbm>>
      tpu.enqueue_dma source(%arg6 : memref<32x128xf32, #tpu.memory_space<vmem>>) target(%dma_start3A_10 : memref<32x128xf32, #tpu.memory_space<hbm>>) target_semaphore(%run_scoped3A : memref<!tpu.dma_semaphore, #tpu.memory_space<semaphore_mem>>)
      %dma_wait3A_11 = arith.constant 0 : i32
      %dma_wait3A_12 = tpu.memref_slice %arg4[%mul3A_2, %dma_wait3A_11] : memref<1024x128xf32, #tpu.memory_space<hbm>> -> memref<32x128xf32, #tpu.memory_space<hbm>>
      %dma_wait3A_13 = arith.constant 0 : i32
      %dma_wait3A_14 = tpu.memref_slice %arg4[%mul3A_2, %dma_wait3A_13] : memref<1024x128xf32, #tpu.memory_space<hbm>> -> memref<32x128xf32, #tpu.memory_space<hbm>>
      tpu.wait_dma2 semaphore(%run_scoped3A : memref<!tpu.dma_semaphore, #tpu.memory_space<semaphore_mem>>) src(%arg6 : memref<32x128xf32, #tpu.memory_space<vmem>>) dst(%dma_wait3A_14 : memref<32x128xf32, #tpu.memory_space<hbm>>)
      tpu.yield
    }) : () -> ()
    return
  }
}

module attributes {stable_mosaic.version = 14 : i64} {
  func.func @_conv1_body(%arg0: i32, %arg1: memref<1x17x17x17x8xf32, #tpu.memory_space<vmem>>, %arg2: memref<8x8x128xf32, #tpu.memory_space<vmem>>, %arg3: memref<1x128xf32, #tpu.memory_space<vmem>>, %arg4: memref<1x4096x128xf32, #tpu.memory_space<vmem>>) attributes {dimension_semantics = [#tpu.dimension_semantics<arbitrary>], iteration_bounds = array<i64: 8>, scalar_prefetch = 0 : i64, scratch_operands = 0 : i64, tpu.core_type = #tpu.core_type<tc>, window_params = [{transform_indices = @transform_0, window_bounds = array<i64: 1, 17, 17, 17, 8>}, {pipeline_mode = #tpu.pipeline_mode<synchronous>, transform_indices = @transform_1, window_bounds = array<i64: 8, 8, 128>}, {pipeline_mode = #tpu.pipeline_mode<synchronous>, transform_indices = @transform_2, window_bounds = array<i64: 1, 128>}, {transform_indices = @transform_3, window_bounds = array<i64: 1, 4096, 128>}]} {
    %get3A = arith.constant 0 : index
    %get3A_0 = arith.constant 0 : index
    %get3A_1 = arith.constant 0 : index
    %get3A_2 = arith.constant 0 : index
    %get3A_3 = arith.constant 0 : index
    %get3A_4 = vector.load %arg1[%get3A, %get3A_0, %get3A_1, %get3A_2, %get3A_3] : memref<1x17x17x17x8xf32, #tpu.memory_space<vmem>>, vector<1x17x17x17x8xf32>
    %get3A_5 = vector.shape_cast %get3A_4 : vector<1x17x17x17x8xf32> to vector<17x17x17x8xf32>
    %slice3A = vector.extract_strided_slice %get3A_5 {offsets = [0, 0, 0, 0], sizes = [16, 16, 16, 8], strides = [1, 1, 1, 1]} : vector<17x17x17x8xf32> to vector<16x16x16x8xf32>
    %reshape3A = vector.shape_cast %slice3A : vector<16x16x16x8xf32> to vector<4096x8xf32>
    %get3A_6 = arith.constant 0 : index
    %get3A_7 = arith.constant 0 : index
    %get3A_8 = arith.constant 0 : index
    %get3A_9 = vector.load %arg2[%get3A_6, %get3A_7, %get3A_8] : memref<8x8x128xf32, #tpu.memory_space<vmem>>, vector<1x8x128xf32>
    %get3A_10 = vector.shape_cast %get3A_9 : vector<1x8x128xf32> to vector<8x128xf32>
    %dot_general3A = arith.constant dense<0.000000e+00> : vector<4096x128xf32>
    %dot_general3A_11 = tpu.matmul %reshape3A, %get3A_10, %dot_general3A {dimension_numbers = #tpu.dot_dimension_numbers<[1], [0], [0], [1], [0, 0, 1, 1], [], []>, transpose_lhs_hint = false} : vector<4096x8xf32>, vector<8x128xf32>, vector<4096x128xf32> -> vector<4096x128xf32>
    %slice3A_12 = vector.extract_strided_slice %get3A_5 {offsets = [0, 0, 1, 0], sizes = [16, 16, 16, 8], strides = [1, 1, 1, 1]} : vector<17x17x17x8xf32> to vector<16x16x16x8xf32>
    %reshape3A_13 = vector.shape_cast %slice3A_12 : vector<16x16x16x8xf32> to vector<4096x8xf32>
    %get3A_14 = arith.constant 1 : index
    %get3A_15 = arith.constant 0 : index
    %get3A_16 = arith.constant 0 : index
    %get3A_17 = vector.load %arg2[%get3A_14, %get3A_15, %get3A_16] : memref<8x8x128xf32, #tpu.memory_space<vmem>>, vector<1x8x128xf32>
    %get3A_18 = vector.shape_cast %get3A_17 : vector<1x8x128xf32> to vector<8x128xf32>
    %dot_general3A_19 = arith.constant dense<0.000000e+00> : vector<4096x128xf32>
    %dot_general3A_20 = tpu.matmul %reshape3A_13, %get3A_18, %dot_general3A_19 {dimension_numbers = #tpu.dot_dimension_numbers<[1], [0], [0], [1], [0, 0, 1, 1], [], []>, transpose_lhs_hint = false} : vector<4096x8xf32>, vector<8x128xf32>, vector<4096x128xf32> -> vector<4096x128xf32>
    %add3A = arith.addf %dot_general3A_11, %dot_general3A_20 : vector<4096x128xf32>
    %slice3A_21 = vector.extract_strided_slice %get3A_5 {offsets = [0, 1, 0, 0], sizes = [16, 16, 16, 8], strides = [1, 1, 1, 1]} : vector<17x17x17x8xf32> to vector<16x16x16x8xf32>
    %reshape3A_22 = vector.shape_cast %slice3A_21 : vector<16x16x16x8xf32> to vector<4096x8xf32>
    %get3A_23 = arith.constant 2 : index
    %get3A_24 = arith.constant 0 : index
    %get3A_25 = arith.constant 0 : index
    %get3A_26 = vector.load %arg2[%get3A_23, %get3A_24, %get3A_25] : memref<8x8x128xf32, #tpu.memory_space<vmem>>, vector<1x8x128xf32>
    %get3A_27 = vector.shape_cast %get3A_26 : vector<1x8x128xf32> to vector<8x128xf32>
    %dot_general3A_28 = arith.constant dense<0.000000e+00> : vector<4096x128xf32>
    %dot_general3A_29 = tpu.matmul %reshape3A_22, %get3A_27, %dot_general3A_28 {dimension_numbers = #tpu.dot_dimension_numbers<[1], [0], [0], [1], [0, 0, 1, 1], [], []>, transpose_lhs_hint = false} : vector<4096x8xf32>, vector<8x128xf32>, vector<4096x128xf32> -> vector<4096x128xf32>
    %add3A_30 = arith.addf %add3A, %dot_general3A_29 : vector<4096x128xf32>
    %slice3A_31 = vector.extract_strided_slice %get3A_5 {offsets = [0, 1, 1, 0], sizes = [16, 16, 16, 8], strides = [1, 1, 1, 1]} : vector<17x17x17x8xf32> to vector<16x16x16x8xf32>
    %reshape3A_32 = vector.shape_cast %slice3A_31 : vector<16x16x16x8xf32> to vector<4096x8xf32>
    %get3A_33 = arith.constant 3 : index
    %get3A_34 = arith.constant 0 : index
    %get3A_35 = arith.constant 0 : index
    %get3A_36 = vector.load %arg2[%get3A_33, %get3A_34, %get3A_35] : memref<8x8x128xf32, #tpu.memory_space<vmem>>, vector<1x8x128xf32>
    %get3A_37 = vector.shape_cast %get3A_36 : vector<1x8x128xf32> to vector<8x128xf32>
    %dot_general3A_38 = arith.constant dense<0.000000e+00> : vector<4096x128xf32>
    %dot_general3A_39 = tpu.matmul %reshape3A_32, %get3A_37, %dot_general3A_38 {dimension_numbers = #tpu.dot_dimension_numbers<[1], [0], [0], [1], [0, 0, 1, 1], [], []>, transpose_lhs_hint = false} : vector<4096x8xf32>, vector<8x128xf32>, vector<4096x128xf32> -> vector<4096x128xf32>
    %add3A_40 = arith.addf %add3A_30, %dot_general3A_39 : vector<4096x128xf32>
    %slice3A_41 = vector.extract_strided_slice %get3A_5 {offsets = [1, 0, 0, 0], sizes = [16, 16, 16, 8], strides = [1, 1, 1, 1]} : vector<17x17x17x8xf32> to vector<16x16x16x8xf32>
    %reshape3A_42 = vector.shape_cast %slice3A_41 : vector<16x16x16x8xf32> to vector<4096x8xf32>
    %get3A_43 = arith.constant 4 : index
    %get3A_44 = arith.constant 0 : index
    %get3A_45 = arith.constant 0 : index
    %get3A_46 = vector.load %arg2[%get3A_43, %get3A_44, %get3A_45] : memref<8x8x128xf32, #tpu.memory_space<vmem>>, vector<1x8x128xf32>
    %get3A_47 = vector.shape_cast %get3A_46 : vector<1x8x128xf32> to vector<8x128xf32>
    %dot_general3A_48 = arith.constant dense<0.000000e+00> : vector<4096x128xf32>
    %dot_general3A_49 = tpu.matmul %reshape3A_42, %get3A_47, %dot_general3A_48 {dimension_numbers = #tpu.dot_dimension_numbers<[1], [0], [0], [1], [0, 0, 1, 1], [], []>, transpose_lhs_hint = false} : vector<4096x8xf32>, vector<8x128xf32>, vector<4096x128xf32> -> vector<4096x128xf32>
    %add3A_50 = arith.addf %add3A_40, %dot_general3A_49 : vector<4096x128xf32>
    %slice3A_51 = vector.extract_strided_slice %get3A_5 {offsets = [1, 0, 1, 0], sizes = [16, 16, 16, 8], strides = [1, 1, 1, 1]} : vector<17x17x17x8xf32> to vector<16x16x16x8xf32>
    %reshape3A_52 = vector.shape_cast %slice3A_51 : vector<16x16x16x8xf32> to vector<4096x8xf32>
    %get3A_53 = arith.constant 5 : index
    %get3A_54 = arith.constant 0 : index
    %get3A_55 = arith.constant 0 : index
    %get3A_56 = vector.load %arg2[%get3A_53, %get3A_54, %get3A_55] : memref<8x8x128xf32, #tpu.memory_space<vmem>>, vector<1x8x128xf32>
    %get3A_57 = vector.shape_cast %get3A_56 : vector<1x8x128xf32> to vector<8x128xf32>
    %dot_general3A_58 = arith.constant dense<0.000000e+00> : vector<4096x128xf32>
    %dot_general3A_59 = tpu.matmul %reshape3A_52, %get3A_57, %dot_general3A_58 {dimension_numbers = #tpu.dot_dimension_numbers<[1], [0], [0], [1], [0, 0, 1, 1], [], []>, transpose_lhs_hint = false} : vector<4096x8xf32>, vector<8x128xf32>, vector<4096x128xf32> -> vector<4096x128xf32>
    %add3A_60 = arith.addf %add3A_50, %dot_general3A_59 : vector<4096x128xf32>
    %slice3A_61 = vector.extract_strided_slice %get3A_5 {offsets = [1, 1, 0, 0], sizes = [16, 16, 16, 8], strides = [1, 1, 1, 1]} : vector<17x17x17x8xf32> to vector<16x16x16x8xf32>
    %reshape3A_62 = vector.shape_cast %slice3A_61 : vector<16x16x16x8xf32> to vector<4096x8xf32>
    %get3A_63 = arith.constant 6 : index
    %get3A_64 = arith.constant 0 : index
    %get3A_65 = arith.constant 0 : index
    %get3A_66 = vector.load %arg2[%get3A_63, %get3A_64, %get3A_65] : memref<8x8x128xf32, #tpu.memory_space<vmem>>, vector<1x8x128xf32>
    %get3A_67 = vector.shape_cast %get3A_66 : vector<1x8x128xf32> to vector<8x128xf32>
    %dot_general3A_68 = arith.constant dense<0.000000e+00> : vector<4096x128xf32>
    %dot_general3A_69 = tpu.matmul %reshape3A_62, %get3A_67, %dot_general3A_68 {dimension_numbers = #tpu.dot_dimension_numbers<[1], [0], [0], [1], [0, 0, 1, 1], [], []>, transpose_lhs_hint = false} : vector<4096x8xf32>, vector<8x128xf32>, vector<4096x128xf32> -> vector<4096x128xf32>
    %add3A_70 = arith.addf %add3A_60, %dot_general3A_69 : vector<4096x128xf32>
    %slice3A_71 = vector.extract_strided_slice %get3A_5 {offsets = [1, 1, 1, 0], sizes = [16, 16, 16, 8], strides = [1, 1, 1, 1]} : vector<17x17x17x8xf32> to vector<16x16x16x8xf32>
    %reshape3A_72 = vector.shape_cast %slice3A_71 : vector<16x16x16x8xf32> to vector<4096x8xf32>
    %get3A_73 = arith.constant 7 : index
    %get3A_74 = arith.constant 0 : index
    %get3A_75 = arith.constant 0 : index
    %get3A_76 = vector.load %arg2[%get3A_73, %get3A_74, %get3A_75] : memref<8x8x128xf32, #tpu.memory_space<vmem>>, vector<1x8x128xf32>
    %get3A_77 = vector.shape_cast %get3A_76 : vector<1x8x128xf32> to vector<8x128xf32>
    %dot_general3A_78 = arith.constant dense<0.000000e+00> : vector<4096x128xf32>
    %dot_general3A_79 = tpu.matmul %reshape3A_72, %get3A_77, %dot_general3A_78 {dimension_numbers = #tpu.dot_dimension_numbers<[1], [0], [0], [1], [0, 0, 1, 1], [], []>, transpose_lhs_hint = false} : vector<4096x8xf32>, vector<8x128xf32>, vector<4096x128xf32> -> vector<4096x128xf32>
    %add3A_80 = arith.addf %add3A_70, %dot_general3A_79 : vector<4096x128xf32>
    %get3A_81 = arith.constant 0 : index
    %get3A_82 = arith.constant 0 : index
    %get3A_83 = vector.load %arg3[%get3A_81, %get3A_82] : memref<1x128xf32, #tpu.memory_space<vmem>>, vector<1x128xf32>
    %add3A_84 = vector.broadcast %get3A_83 : vector<1x128xf32> to vector<4096x128xf32>
    %add3A_85 = arith.addf %add3A_80, %add3A_84 : vector<4096x128xf32>
    %max3A = arith.constant 0.000000e+00 : f32
    %max3A_86 = vector.broadcast %max3A : f32 to vector<4096x128xf32>
    %max3A_87 = arith.maximumf %add3A_85, %max3A_86 : vector<4096x128xf32>
    %swap3A = arith.constant 0 : index
    %swap3A_88 = arith.constant 0 : index
    %swap3A_89 = arith.constant 0 : index
    %swap3A_90 = vector.load %arg4[%swap3A, %swap3A_88, %swap3A_89] : memref<1x4096x128xf32, #tpu.memory_space<vmem>>, vector<1x4096x128xf32>
    %swap3A_91 = vector.shape_cast %swap3A_90 : vector<1x4096x128xf32> to vector<4096x128xf32>
    %swap3A_92 = vector.shape_cast %max3A_87 : vector<4096x128xf32> to vector<1x4096x128xf32>
    tpu.vector_store %arg4[%swap3A, %swap3A_88, %swap3A_89], %swap3A_92 {strides = array<i32>} : memref<1x4096x128xf32, #tpu.memory_space<vmem>>, vector<1x4096x128xf32>,
    return
  }
  func.func @transform_0(%arg0: i32) -> (i32, i32, i32, i32, i32) {
    %c0_i32 = arith.constant 0 : i32
    %c0_i32_0 = arith.constant 0 : i32
    %c0_i32_1 = arith.constant 0 : i32
    %c0_i32_2 = arith.constant 0 : i32
    %c0_i32_3 = arith.constant 0 : i32
    return %arg0, %c0_i32, %c0_i32_0, %c0_i32_1, %c0_i32_2 : i32, i32, i32, i32, i32
  }
  func.func @transform_1(%arg0: i32) -> (i32, i32, i32) {
    %c0_i32 = arith.constant 0 : i32
    %c0_i32_0 = arith.constant 0 : i32
    %c0_i32_1 = arith.constant 0 : i32
    %c0_i32_2 = arith.constant 0 : i32
    return %c0_i32, %c0_i32_0, %c0_i32_1 : i32, i32, i32
  }
  func.func @transform_2(%arg0: i32) -> (i32, i32) {
    %c0_i32 = arith.constant 0 : i32
    %c0_i32_0 = arith.constant 0 : i32
    %c0_i32_1 = arith.constant 0 : i32
    return %c0_i32, %c0_i32_0 : i32, i32
  }
  func.func @transform_3(%arg0: i32) -> (i32, i32, i32) {
    %c0_i32 = arith.constant 0 : i32
    %c0_i32_0 = arith.constant 0 : i32
    %c0_i32_1 = arith.constant 0 : i32
    return %arg0, %c0_i32, %c0_i32_0 : i32, i32, i32
  }
}

module attributes {stable_mosaic.version = 14 : i64} {
  func.func @_sconv_body(%arg0: i32, %arg1: memref<2x9x9x9x1024xf32, #tpu.memory_space<vmem>>, %arg2: memref<8x1024x256xf32, #tpu.memory_space<vmem>>, %arg3: memref<1x256xf32, #tpu.memory_space<vmem>>, %arg4: memref<1024x256xf32, #tpu.memory_space<vmem>>) attributes {dimension_semantics = [#tpu.dimension_semantics<arbitrary>], iteration_bounds = array<i64: 4>, scalar_prefetch = 0 : i64, scratch_operands = 0 : i64, tpu.core_type = #tpu.core_type<tc>, window_params = [{transform_indices = @transform_0, window_bounds = array<i64: 2, 9, 9, 9, 1024>}, {pipeline_mode = #tpu.pipeline_mode<synchronous>, transform_indices = @transform_1, window_bounds = array<i64: 8, 1024, 256>}, {pipeline_mode = #tpu.pipeline_mode<synchronous>, transform_indices = @transform_2, window_bounds = array<i64: 1, 256>}, {transform_indices = @transform_3, window_bounds = array<i64: 1024, 256>}]} {
    %get3A = arith.constant 0 : index
    %get3A_0 = arith.constant 0 : index
    %get3A_1 = arith.constant 0 : index
    %get3A_2 = arith.constant 0 : index
    %get3A_3 = arith.constant 0 : index
    %get3A_4 = vector.load %arg1[%get3A, %get3A_0, %get3A_1, %get3A_2, %get3A_3] : memref<2x9x9x9x1024xf32, #tpu.memory_space<vmem>>, vector<2x9x9x9x1024xf32>
    %slice3A = vector.extract_strided_slice %get3A_4 {offsets = [0, 0, 0, 0, 0], sizes = [2, 8, 8, 8, 1024], strides = [1, 1, 1, 1, 1]} : vector<2x9x9x9x1024xf32> to vector<2x8x8x8x1024xf32>
    %reshape3A = vector.shape_cast %slice3A : vector<2x8x8x8x1024xf32> to vector<1024x1024xf32>
    %get3A_5 = arith.constant 0 : index
    %get3A_6 = arith.constant 0 : index
    %get3A_7 = arith.constant 0 : index
    %get3A_8 = vector.load %arg2[%get3A_5, %get3A_6, %get3A_7] : memref<8x1024x256xf32, #tpu.memory_space<vmem>>, vector<1x1024x256xf32>
    %get3A_9 = vector.shape_cast %get3A_8 : vector<1x1024x256xf32> to vector<1024x256xf32>
    %dot_general3A = arith.constant dense<0.000000e+00> : vector<1024x256xf32>
    %dot_general3A_10 = tpu.matmul %reshape3A, %get3A_9, %dot_general3A {dimension_numbers = #tpu.dot_dimension_numbers<[1], [0], [0], [1], [0, 0, 1, 1], [], []>, transpose_lhs_hint = false} : vector<1024x1024xf32>, vector<1024x256xf32>, vector<1024x256xf32> -> vector<1024x256xf32>
    %slice3A_11 = vector.extract_strided_slice %get3A_4 {offsets = [0, 0, 0, 1, 0], sizes = [2, 8, 8, 8, 1024], strides = [1, 1, 1, 1, 1]} : vector<2x9x9x9x1024xf32> to vector<2x8x8x8x1024xf32>
    %reshape3A_12 = vector.shape_cast %slice3A_11 : vector<2x8x8x8x1024xf32> to vector<1024x1024xf32>
    %get3A_13 = arith.constant 1 : index
    %get3A_14 = arith.constant 0 : index
    %get3A_15 = arith.constant 0 : index
    %get3A_16 = vector.load %arg2[%get3A_13, %get3A_14, %get3A_15] : memref<8x1024x256xf32, #tpu.memory_space<vmem>>, vector<1x1024x256xf32>
    %get3A_17 = vector.shape_cast %get3A_16 : vector<1x1024x256xf32> to vector<1024x256xf32>
    %dot_general3A_18 = arith.constant dense<0.000000e+00> : vector<1024x256xf32>
    %dot_general3A_19 = tpu.matmul %reshape3A_12, %get3A_17, %dot_general3A_18 {dimension_numbers = #tpu.dot_dimension_numbers<[1], [0], [0], [1], [0, 0, 1, 1], [], []>, transpose_lhs_hint = false} : vector<1024x1024xf32>, vector<1024x256xf32>, vector<1024x256xf32> -> vector<1024x256xf32>
    %add3A = arith.addf %dot_general3A_10, %dot_general3A_19 : vector<1024x256xf32>
    %slice3A_20 = vector.extract_strided_slice %get3A_4 {offsets = [0, 0, 1, 0, 0], sizes = [2, 8, 8, 8, 1024], strides = [1, 1, 1, 1, 1]} : vector<2x9x9x9x1024xf32> to vector<2x8x8x8x1024xf32>
    %reshape3A_21 = vector.shape_cast %slice3A_20 : vector<2x8x8x8x1024xf32> to vector<1024x1024xf32>
    %get3A_22 = arith.constant 2 : index
    %get3A_23 = arith.constant 0 : index
    %get3A_24 = arith.constant 0 : index
    %get3A_25 = vector.load %arg2[%get3A_22, %get3A_23, %get3A_24] : memref<8x1024x256xf32, #tpu.memory_space<vmem>>, vector<1x1024x256xf32>
    %get3A_26 = vector.shape_cast %get3A_25 : vector<1x1024x256xf32> to vector<1024x256xf32>
    %dot_general3A_27 = arith.constant dense<0.000000e+00> : vector<1024x256xf32>
    %dot_general3A_28 = tpu.matmul %reshape3A_21, %get3A_26, %dot_general3A_27 {dimension_numbers = #tpu.dot_dimension_numbers<[1], [0], [0], [1], [0, 0, 1, 1], [], []>, transpose_lhs_hint = false} : vector<1024x1024xf32>, vector<1024x256xf32>, vector<1024x256xf32> -> vector<1024x256xf32>
    %add3A_29 = arith.addf %add3A, %dot_general3A_28 : vector<1024x256xf32>
    %slice3A_30 = vector.extract_strided_slice %get3A_4 {offsets = [0, 0, 1, 1, 0], sizes = [2, 8, 8, 8, 1024], strides = [1, 1, 1, 1, 1]} : vector<2x9x9x9x1024xf32> to vector<2x8x8x8x1024xf32>
    %reshape3A_31 = vector.shape_cast %slice3A_30 : vector<2x8x8x8x1024xf32> to vector<1024x1024xf32>
    %get3A_32 = arith.constant 3 : index
    %get3A_33 = arith.constant 0 : index
    %get3A_34 = arith.constant 0 : index
    %get3A_35 = vector.load %arg2[%get3A_32, %get3A_33, %get3A_34] : memref<8x1024x256xf32, #tpu.memory_space<vmem>>, vector<1x1024x256xf32>
    %get3A_36 = vector.shape_cast %get3A_35 : vector<1x1024x256xf32> to vector<1024x256xf32>
    %dot_general3A_37 = arith.constant dense<0.000000e+00> : vector<1024x256xf32>
    %dot_general3A_38 = tpu.matmul %reshape3A_31, %get3A_36, %dot_general3A_37 {dimension_numbers = #tpu.dot_dimension_numbers<[1], [0], [0], [1], [0, 0, 1, 1], [], []>, transpose_lhs_hint = false} : vector<1024x1024xf32>, vector<1024x256xf32>, vector<1024x256xf32> -> vector<1024x256xf32>
    %add3A_39 = arith.addf %add3A_29, %dot_general3A_38 : vector<1024x256xf32>
    %slice3A_40 = vector.extract_strided_slice %get3A_4 {offsets = [0, 1, 0, 0, 0], sizes = [2, 8, 8, 8, 1024], strides = [1, 1, 1, 1, 1]} : vector<2x9x9x9x1024xf32> to vector<2x8x8x8x1024xf32>
    %reshape3A_41 = vector.shape_cast %slice3A_40 : vector<2x8x8x8x1024xf32> to vector<1024x1024xf32>
    %get3A_42 = arith.constant 4 : index
    %get3A_43 = arith.constant 0 : index
    %get3A_44 = arith.constant 0 : index
    %get3A_45 = vector.load %arg2[%get3A_42, %get3A_43, %get3A_44] : memref<8x1024x256xf32, #tpu.memory_space<vmem>>, vector<1x1024x256xf32>
    %get3A_46 = vector.shape_cast %get3A_45 : vector<1x1024x256xf32> to vector<1024x256xf32>
    %dot_general3A_47 = arith.constant dense<0.000000e+00> : vector<1024x256xf32>
    %dot_general3A_48 = tpu.matmul %reshape3A_41, %get3A_46, %dot_general3A_47 {dimension_numbers = #tpu.dot_dimension_numbers<[1], [0], [0], [1], [0, 0, 1, 1], [], []>, transpose_lhs_hint = false} : vector<1024x1024xf32>, vector<1024x256xf32>, vector<1024x256xf32> -> vector<1024x256xf32>
    %add3A_49 = arith.addf %add3A_39, %dot_general3A_48 : vector<1024x256xf32>
    %slice3A_50 = vector.extract_strided_slice %get3A_4 {offsets = [0, 1, 0, 1, 0], sizes = [2, 8, 8, 8, 1024], strides = [1, 1, 1, 1, 1]} : vector<2x9x9x9x1024xf32> to vector<2x8x8x8x1024xf32>
    %reshape3A_51 = vector.shape_cast %slice3A_50 : vector<2x8x8x8x1024xf32> to vector<1024x1024xf32>
    %get3A_52 = arith.constant 5 : index
    %get3A_53 = arith.constant 0 : index
    %get3A_54 = arith.constant 0 : index
    %get3A_55 = vector.load %arg2[%get3A_52, %get3A_53, %get3A_54] : memref<8x1024x256xf32, #tpu.memory_space<vmem>>, vector<1x1024x256xf32>
    %get3A_56 = vector.shape_cast %get3A_55 : vector<1x1024x256xf32> to vector<1024x256xf32>
    %dot_general3A_57 = arith.constant dense<0.000000e+00> : vector<1024x256xf32>
    %dot_general3A_58 = tpu.matmul %reshape3A_51, %get3A_56, %dot_general3A_57 {dimension_numbers = #tpu.dot_dimension_numbers<[1], [0], [0], [1], [0, 0, 1, 1], [], []>, transpose_lhs_hint = false} : vector<1024x1024xf32>, vector<1024x256xf32>, vector<1024x256xf32> -> vector<1024x256xf32>
    %add3A_59 = arith.addf %add3A_49, %dot_general3A_58 : vector<1024x256xf32>
    %slice3A_60 = vector.extract_strided_slice %get3A_4 {offsets = [0, 1, 1, 0, 0], sizes = [2, 8, 8, 8, 1024], strides = [1, 1, 1, 1, 1]} : vector<2x9x9x9x1024xf32> to vector<2x8x8x8x1024xf32>
    %reshape3A_61 = vector.shape_cast %slice3A_60 : vector<2x8x8x8x1024xf32> to vector<1024x1024xf32>
    %get3A_62 = arith.constant 6 : index
    %get3A_63 = arith.constant 0 : index
    %get3A_64 = arith.constant 0 : index
    %get3A_65 = vector.load %arg2[%get3A_62, %get3A_63, %get3A_64] : memref<8x1024x256xf32, #tpu.memory_space<vmem>>, vector<1x1024x256xf32>
    %get3A_66 = vector.shape_cast %get3A_65 : vector<1x1024x256xf32> to vector<1024x256xf32>
    %dot_general3A_67 = arith.constant dense<0.000000e+00> : vector<1024x256xf32>
    %dot_general3A_68 = tpu.matmul %reshape3A_61, %get3A_66, %dot_general3A_67 {dimension_numbers = #tpu.dot_dimension_numbers<[1], [0], [0], [1], [0, 0, 1, 1], [], []>, transpose_lhs_hint = false} : vector<1024x1024xf32>, vector<1024x256xf32>, vector<1024x256xf32> -> vector<1024x256xf32>
    %add3A_69 = arith.addf %add3A_59, %dot_general3A_68 : vector<1024x256xf32>
    %slice3A_70 = vector.extract_strided_slice %get3A_4 {offsets = [0, 1, 1, 1, 0], sizes = [2, 8, 8, 8, 1024], strides = [1, 1, 1, 1, 1]} : vector<2x9x9x9x1024xf32> to vector<2x8x8x8x1024xf32>
    %reshape3A_71 = vector.shape_cast %slice3A_70 : vector<2x8x8x8x1024xf32> to vector<1024x1024xf32>
    %get3A_72 = arith.constant 7 : index
    %get3A_73 = arith.constant 0 : index
    %get3A_74 = arith.constant 0 : index
    %get3A_75 = vector.load %arg2[%get3A_72, %get3A_73, %get3A_74] : memref<8x1024x256xf32, #tpu.memory_space<vmem>>, vector<1x1024x256xf32>
    %get3A_76 = vector.shape_cast %get3A_75 : vector<1x1024x256xf32> to vector<1024x256xf32>
    %dot_general3A_77 = arith.constant dense<0.000000e+00> : vector<1024x256xf32>
    %dot_general3A_78 = tpu.matmul %reshape3A_71, %get3A_76, %dot_general3A_77 {dimension_numbers = #tpu.dot_dimension_numbers<[1], [0], [0], [1], [0, 0, 1, 1], [], []>, transpose_lhs_hint = false} : vector<1024x1024xf32>, vector<1024x256xf32>, vector<1024x256xf32> -> vector<1024x256xf32>
    %add3A_79 = arith.addf %add3A_69, %dot_general3A_78 : vector<1024x256xf32>
    %get3A_80 = arith.constant 0 : index
    %get3A_81 = arith.constant 0 : index
    %get3A_82 = vector.load %arg3[%get3A_80, %get3A_81] : memref<1x256xf32, #tpu.memory_space<vmem>>, vector<1x256xf32>
    %add3A_83 = vector.broadcast %get3A_82 : vector<1x256xf32> to vector<1024x256xf32>
    %add3A_84 = arith.addf %add3A_79, %add3A_83 : vector<1024x256xf32>
    %max3A = arith.constant 0.000000e+00 : f32
    %max3A_85 = vector.broadcast %max3A : f32 to vector<1024x256xf32>
    %max3A_86 = arith.maximumf %add3A_84, %max3A_85 : vector<1024x256xf32>
    %swap3A = arith.constant 0 : index
    %swap3A_87 = arith.constant 0 : index
    %swap3A_88 = vector.load %arg4[%swap3A, %swap3A_87] : memref<1024x256xf32, #tpu.memory_space<vmem>>, vector<1024x256xf32>
    tpu.vector_store %arg4[%swap3A, %swap3A_87], %max3A_86 {strides = array<i32>} : memref<1024x256xf32, #tpu.memory_space<vmem>>, vector<1024x256xf32>,
    return
  }
  func.func @transform_0(%arg0: i32) -> (i32, i32, i32, i32, i32) {
    %c0_i32 = arith.constant 0 : i32
    %c0_i32_0 = arith.constant 0 : i32
    %c0_i32_1 = arith.constant 0 : i32
    %c0_i32_2 = arith.constant 0 : i32
    %c0_i32_3 = arith.constant 0 : i32
    return %arg0, %c0_i32, %c0_i32_0, %c0_i32_1, %c0_i32_2 : i32, i32, i32, i32, i32
  }
  func.func @transform_1(%arg0: i32) -> (i32, i32, i32) {
    %c0_i32 = arith.constant 0 : i32
    %c0_i32_0 = arith.constant 0 : i32
    %c0_i32_1 = arith.constant 0 : i32
    %c0_i32_2 = arith.constant 0 : i32
    return %c0_i32, %c0_i32_0, %c0_i32_1 : i32, i32, i32
  }
  func.func @transform_2(%arg0: i32) -> (i32, i32) {
    %c0_i32 = arith.constant 0 : i32
    %c0_i32_0 = arith.constant 0 : i32
    %c0_i32_1 = arith.constant 0 : i32
    return %c0_i32, %c0_i32_0 : i32, i32
  }
  func.func @transform_3(%arg0: i32) -> (i32, i32) {
    %c0_i32 = arith.constant 0 : i32
    %c0_i32_0 = arith.constant 0 : i32
    return %arg0, %c0_i32 : i32, i32
  }
}

module attributes {stable_mosaic.version = 14 : i64} {
  func.func @_sconv_body(%arg0: i32, %arg1: memref<2x5x5x5x2048xf32, #tpu.memory_space<vmem>>, %arg2: memref<8x2048x256xf32, #tpu.memory_space<vmem>>, %arg3: memref<1x256xf32, #tpu.memory_space<vmem>>, %arg4: memref<128x256xf32, #tpu.memory_space<vmem>>) attributes {dimension_semantics = [#tpu.dimension_semantics<arbitrary>], iteration_bounds = array<i64: 4>, scalar_prefetch = 0 : i64, scratch_operands = 0 : i64, tpu.core_type = #tpu.core_type<tc>, window_params = [{transform_indices = @transform_0, window_bounds = array<i64: 2, 5, 5, 5, 2048>}, {pipeline_mode = #tpu.pipeline_mode<synchronous>, transform_indices = @transform_1, window_bounds = array<i64: 8, 2048, 256>}, {pipeline_mode = #tpu.pipeline_mode<synchronous>, transform_indices = @transform_2, window_bounds = array<i64: 1, 256>}, {transform_indices = @transform_3, window_bounds = array<i64: 128, 256>}]} {
    %get3A = arith.constant 0 : index
    %get3A_0 = arith.constant 0 : index
    %get3A_1 = arith.constant 0 : index
    %get3A_2 = arith.constant 0 : index
    %get3A_3 = arith.constant 0 : index
    %get3A_4 = vector.load %arg1[%get3A, %get3A_0, %get3A_1, %get3A_2, %get3A_3] : memref<2x5x5x5x2048xf32, #tpu.memory_space<vmem>>, vector<2x5x5x5x2048xf32>
    %slice3A = vector.extract_strided_slice %get3A_4 {offsets = [0, 0, 0, 0, 0], sizes = [2, 4, 4, 4, 2048], strides = [1, 1, 1, 1, 1]} : vector<2x5x5x5x2048xf32> to vector<2x4x4x4x2048xf32>
    %reshape3A = vector.shape_cast %slice3A : vector<2x4x4x4x2048xf32> to vector<128x2048xf32>
    %get3A_5 = arith.constant 0 : index
    %get3A_6 = arith.constant 0 : index
    %get3A_7 = arith.constant 0 : index
    %get3A_8 = vector.load %arg2[%get3A_5, %get3A_6, %get3A_7] : memref<8x2048x256xf32, #tpu.memory_space<vmem>>, vector<1x2048x256xf32>
    %get3A_9 = vector.shape_cast %get3A_8 : vector<1x2048x256xf32> to vector<2048x256xf32>
    %dot_general3A = arith.constant dense<0.000000e+00> : vector<128x256xf32>
    %dot_general3A_10 = tpu.matmul %reshape3A, %get3A_9, %dot_general3A {dimension_numbers = #tpu.dot_dimension_numbers<[1], [0], [0], [1], [0, 0, 1, 1], [], []>, transpose_lhs_hint = false} : vector<128x2048xf32>, vector<2048x256xf32>, vector<128x256xf32> -> vector<128x256xf32>
    %slice3A_11 = vector.extract_strided_slice %get3A_4 {offsets = [0, 0, 0, 1, 0], sizes = [2, 4, 4, 4, 2048], strides = [1, 1, 1, 1, 1]} : vector<2x5x5x5x2048xf32> to vector<2x4x4x4x2048xf32>
    %reshape3A_12 = vector.shape_cast %slice3A_11 : vector<2x4x4x4x2048xf32> to vector<128x2048xf32>
    %get3A_13 = arith.constant 1 : index
    %get3A_14 = arith.constant 0 : index
    %get3A_15 = arith.constant 0 : index
    %get3A_16 = vector.load %arg2[%get3A_13, %get3A_14, %get3A_15] : memref<8x2048x256xf32, #tpu.memory_space<vmem>>, vector<1x2048x256xf32>
    %get3A_17 = vector.shape_cast %get3A_16 : vector<1x2048x256xf32> to vector<2048x256xf32>
    %dot_general3A_18 = arith.constant dense<0.000000e+00> : vector<128x256xf32>
    %dot_general3A_19 = tpu.matmul %reshape3A_12, %get3A_17, %dot_general3A_18 {dimension_numbers = #tpu.dot_dimension_numbers<[1], [0], [0], [1], [0, 0, 1, 1], [], []>, transpose_lhs_hint = false} : vector<128x2048xf32>, vector<2048x256xf32>, vector<128x256xf32> -> vector<128x256xf32>
    %add3A = arith.addf %dot_general3A_10, %dot_general3A_19 : vector<128x256xf32>
    %slice3A_20 = vector.extract_strided_slice %get3A_4 {offsets = [0, 0, 1, 0, 0], sizes = [2, 4, 4, 4, 2048], strides = [1, 1, 1, 1, 1]} : vector<2x5x5x5x2048xf32> to vector<2x4x4x4x2048xf32>
    %reshape3A_21 = vector.shape_cast %slice3A_20 : vector<2x4x4x4x2048xf32> to vector<128x2048xf32>
    %get3A_22 = arith.constant 2 : index
    %get3A_23 = arith.constant 0 : index
    %get3A_24 = arith.constant 0 : index
    %get3A_25 = vector.load %arg2[%get3A_22, %get3A_23, %get3A_24] : memref<8x2048x256xf32, #tpu.memory_space<vmem>>, vector<1x2048x256xf32>
    %get3A_26 = vector.shape_cast %get3A_25 : vector<1x2048x256xf32> to vector<2048x256xf32>
    %dot_general3A_27 = arith.constant dense<0.000000e+00> : vector<128x256xf32>
    %dot_general3A_28 = tpu.matmul %reshape3A_21, %get3A_26, %dot_general3A_27 {dimension_numbers = #tpu.dot_dimension_numbers<[1], [0], [0], [1], [0, 0, 1, 1], [], []>, transpose_lhs_hint = false} : vector<128x2048xf32>, vector<2048x256xf32>, vector<128x256xf32> -> vector<128x256xf32>
    %add3A_29 = arith.addf %add3A, %dot_general3A_28 : vector<128x256xf32>
    %slice3A_30 = vector.extract_strided_slice %get3A_4 {offsets = [0, 0, 1, 1, 0], sizes = [2, 4, 4, 4, 2048], strides = [1, 1, 1, 1, 1]} : vector<2x5x5x5x2048xf32> to vector<2x4x4x4x2048xf32>
    %reshape3A_31 = vector.shape_cast %slice3A_30 : vector<2x4x4x4x2048xf32> to vector<128x2048xf32>
    %get3A_32 = arith.constant 3 : index
    %get3A_33 = arith.constant 0 : index
    %get3A_34 = arith.constant 0 : index
    %get3A_35 = vector.load %arg2[%get3A_32, %get3A_33, %get3A_34] : memref<8x2048x256xf32, #tpu.memory_space<vmem>>, vector<1x2048x256xf32>
    %get3A_36 = vector.shape_cast %get3A_35 : vector<1x2048x256xf32> to vector<2048x256xf32>
    %dot_general3A_37 = arith.constant dense<0.000000e+00> : vector<128x256xf32>
    %dot_general3A_38 = tpu.matmul %reshape3A_31, %get3A_36, %dot_general3A_37 {dimension_numbers = #tpu.dot_dimension_numbers<[1], [0], [0], [1], [0, 0, 1, 1], [], []>, transpose_lhs_hint = false} : vector<128x2048xf32>, vector<2048x256xf32>, vector<128x256xf32> -> vector<128x256xf32>
    %add3A_39 = arith.addf %add3A_29, %dot_general3A_38 : vector<128x256xf32>
    %slice3A_40 = vector.extract_strided_slice %get3A_4 {offsets = [0, 1, 0, 0, 0], sizes = [2, 4, 4, 4, 2048], strides = [1, 1, 1, 1, 1]} : vector<2x5x5x5x2048xf32> to vector<2x4x4x4x2048xf32>
    %reshape3A_41 = vector.shape_cast %slice3A_40 : vector<2x4x4x4x2048xf32> to vector<128x2048xf32>
    %get3A_42 = arith.constant 4 : index
    %get3A_43 = arith.constant 0 : index
    %get3A_44 = arith.constant 0 : index
    %get3A_45 = vector.load %arg2[%get3A_42, %get3A_43, %get3A_44] : memref<8x2048x256xf32, #tpu.memory_space<vmem>>, vector<1x2048x256xf32>
    %get3A_46 = vector.shape_cast %get3A_45 : vector<1x2048x256xf32> to vector<2048x256xf32>
    %dot_general3A_47 = arith.constant dense<0.000000e+00> : vector<128x256xf32>
    %dot_general3A_48 = tpu.matmul %reshape3A_41, %get3A_46, %dot_general3A_47 {dimension_numbers = #tpu.dot_dimension_numbers<[1], [0], [0], [1], [0, 0, 1, 1], [], []>, transpose_lhs_hint = false} : vector<128x2048xf32>, vector<2048x256xf32>, vector<128x256xf32> -> vector<128x256xf32>
    %add3A_49 = arith.addf %add3A_39, %dot_general3A_48 : vector<128x256xf32>
    %slice3A_50 = vector.extract_strided_slice %get3A_4 {offsets = [0, 1, 0, 1, 0], sizes = [2, 4, 4, 4, 2048], strides = [1, 1, 1, 1, 1]} : vector<2x5x5x5x2048xf32> to vector<2x4x4x4x2048xf32>
    %reshape3A_51 = vector.shape_cast %slice3A_50 : vector<2x4x4x4x2048xf32> to vector<128x2048xf32>
    %get3A_52 = arith.constant 5 : index
    %get3A_53 = arith.constant 0 : index
    %get3A_54 = arith.constant 0 : index
    %get3A_55 = vector.load %arg2[%get3A_52, %get3A_53, %get3A_54] : memref<8x2048x256xf32, #tpu.memory_space<vmem>>, vector<1x2048x256xf32>
    %get3A_56 = vector.shape_cast %get3A_55 : vector<1x2048x256xf32> to vector<2048x256xf32>
    %dot_general3A_57 = arith.constant dense<0.000000e+00> : vector<128x256xf32>
    %dot_general3A_58 = tpu.matmul %reshape3A_51, %get3A_56, %dot_general3A_57 {dimension_numbers = #tpu.dot_dimension_numbers<[1], [0], [0], [1], [0, 0, 1, 1], [], []>, transpose_lhs_hint = false} : vector<128x2048xf32>, vector<2048x256xf32>, vector<128x256xf32> -> vector<128x256xf32>
    %add3A_59 = arith.addf %add3A_49, %dot_general3A_58 : vector<128x256xf32>
    %slice3A_60 = vector.extract_strided_slice %get3A_4 {offsets = [0, 1, 1, 0, 0], sizes = [2, 4, 4, 4, 2048], strides = [1, 1, 1, 1, 1]} : vector<2x5x5x5x2048xf32> to vector<2x4x4x4x2048xf32>
    %reshape3A_61 = vector.shape_cast %slice3A_60 : vector<2x4x4x4x2048xf32> to vector<128x2048xf32>
    %get3A_62 = arith.constant 6 : index
    %get3A_63 = arith.constant 0 : index
    %get3A_64 = arith.constant 0 : index
    %get3A_65 = vector.load %arg2[%get3A_62, %get3A_63, %get3A_64] : memref<8x2048x256xf32, #tpu.memory_space<vmem>>, vector<1x2048x256xf32>
    %get3A_66 = vector.shape_cast %get3A_65 : vector<1x2048x256xf32> to vector<2048x256xf32>
    %dot_general3A_67 = arith.constant dense<0.000000e+00> : vector<128x256xf32>
    %dot_general3A_68 = tpu.matmul %reshape3A_61, %get3A_66, %dot_general3A_67 {dimension_numbers = #tpu.dot_dimension_numbers<[1], [0], [0], [1], [0, 0, 1, 1], [], []>, transpose_lhs_hint = false} : vector<128x2048xf32>, vector<2048x256xf32>, vector<128x256xf32> -> vector<128x256xf32>
    %add3A_69 = arith.addf %add3A_59, %dot_general3A_68 : vector<128x256xf32>
    %slice3A_70 = vector.extract_strided_slice %get3A_4 {offsets = [0, 1, 1, 1, 0], sizes = [2, 4, 4, 4, 2048], strides = [1, 1, 1, 1, 1]} : vector<2x5x5x5x2048xf32> to vector<2x4x4x4x2048xf32>
    %reshape3A_71 = vector.shape_cast %slice3A_70 : vector<2x4x4x4x2048xf32> to vector<128x2048xf32>
    %get3A_72 = arith.constant 7 : index
    %get3A_73 = arith.constant 0 : index
    %get3A_74 = arith.constant 0 : index
    %get3A_75 = vector.load %arg2[%get3A_72, %get3A_73, %get3A_74] : memref<8x2048x256xf32, #tpu.memory_space<vmem>>, vector<1x2048x256xf32>
    %get3A_76 = vector.shape_cast %get3A_75 : vector<1x2048x256xf32> to vector<2048x256xf32>
    %dot_general3A_77 = arith.constant dense<0.000000e+00> : vector<128x256xf32>
    %dot_general3A_78 = tpu.matmul %reshape3A_71, %get3A_76, %dot_general3A_77 {dimension_numbers = #tpu.dot_dimension_numbers<[1], [0], [0], [1], [0, 0, 1, 1], [], []>, transpose_lhs_hint = false} : vector<128x2048xf32>, vector<2048x256xf32>, vector<128x256xf32> -> vector<128x256xf32>
    %add3A_79 = arith.addf %add3A_69, %dot_general3A_78 : vector<128x256xf32>
    %get3A_80 = arith.constant 0 : index
    %get3A_81 = arith.constant 0 : index
    %get3A_82 = vector.load %arg3[%get3A_80, %get3A_81] : memref<1x256xf32, #tpu.memory_space<vmem>>, vector<1x256xf32>
    %add3A_83 = vector.broadcast %get3A_82 : vector<1x256xf32> to vector<128x256xf32>
    %add3A_84 = arith.addf %add3A_79, %add3A_83 : vector<128x256xf32>
    %swap3A = arith.constant 0 : index
    %swap3A_85 = arith.constant 0 : index
    %swap3A_86 = vector.load %arg4[%swap3A, %swap3A_85] : memref<128x256xf32, #tpu.memory_space<vmem>>, vector<128x256xf32>
    tpu.vector_store %arg4[%swap3A, %swap3A_85], %add3A_84 {strides = array<i32>} : memref<128x256xf32, #tpu.memory_space<vmem>>, vector<128x256xf32>,
    return
  }
  func.func @transform_0(%arg0: i32) -> (i32, i32, i32, i32, i32) {
    %c0_i32 = arith.constant 0 : i32
    %c0_i32_0 = arith.constant 0 : i32
    %c0_i32_1 = arith.constant 0 : i32
    %c0_i32_2 = arith.constant 0 : i32
    %c0_i32_3 = arith.constant 0 : i32
    return %arg0, %c0_i32, %c0_i32_0, %c0_i32_1, %c0_i32_2 : i32, i32, i32, i32, i32
  }
  func.func @transform_1(%arg0: i32) -> (i32, i32, i32) {
    %c0_i32 = arith.constant 0 : i32
    %c0_i32_0 = arith.constant 0 : i32
    %c0_i32_1 = arith.constant 0 : i32
    %c0_i32_2 = arith.constant 0 : i32
    return %c0_i32, %c0_i32_0, %c0_i32_1 : i32, i32, i32
  }
  func.func @transform_2(%arg0: i32) -> (i32, i32) {
    %c0_i32 = arith.constant 0 : i32
    %c0_i32_0 = arith.constant 0 : i32
    %c0_i32_1 = arith.constant 0 : i32
    return %c0_i32, %c0_i32_0 : i32, i32
  }
  func.func @transform_3(%arg0: i32) -> (i32, i32) {
    %c0_i32 = arith.constant 0 : i32
    %c0_i32_0 = arith.constant 0 : i32
    return %arg0, %c0_i32 : i32, i32
  }
}

module attributes {stable_mosaic.version = 14 : i64} {
  func.func @_dconvp_body(%arg0: i32, %arg1: memref<2x6x6x6x256xf32, #tpu.memory_space<vmem>>, %arg2: memref<8x8x256x256xf32, #tpu.memory_space<vmem>>, %arg3: memref<1x256xf32, #tpu.memory_space<vmem>>, %arg4: memref<8x128x256xf32, #tpu.memory_space<vmem>>) attributes {dimension_semantics = [#tpu.dimension_semantics<arbitrary>], iteration_bounds = array<i64: 4>, scalar_prefetch = 0 : i64, scratch_operands = 0 : i64, tpu.core_type = #tpu.core_type<tc>, window_params = [{transform_indices = @transform_0, window_bounds = array<i64: 2, 6, 6, 6, 256>}, {pipeline_mode = #tpu.pipeline_mode<synchronous>, transform_indices = @transform_1, window_bounds = array<i64: 8, 8, 256, 256>}, {pipeline_mode = #tpu.pipeline_mode<synchronous>, transform_indices = @transform_2, window_bounds = array<i64: 1, 256>}, {transform_indices = @transform_3, window_bounds = array<i64: 8, 128, 256>}]} {
    %get3A = arith.constant 0 : index
    %get3A_0 = arith.constant 0 : index
    %get3A_1 = arith.constant 0 : index
    %get3A_2 = arith.constant 0 : index
    %get3A_3 = arith.constant 0 : index
    %get3A_4 = vector.load %arg1[%get3A, %get3A_0, %get3A_1, %get3A_2, %get3A_3] : memref<2x6x6x6x256xf32, #tpu.memory_space<vmem>>, vector<2x6x6x6x256xf32>
    %slice3A = vector.extract_strided_slice %get3A_4 {offsets = [0, 0, 0, 0, 0], sizes = [2, 4, 4, 4, 256], strides = [1, 1, 1, 1, 1]} : vector<2x6x6x6x256xf32> to vector<2x4x4x4x256xf32>
    %reshape3A = vector.shape_cast %slice3A : vector<2x4x4x4x256xf32> to vector<128x256xf32>
    %get3A_5 = arith.constant 7 : index
    %get3A_6 = arith.constant 7 : index
    %get3A_7 = arith.constant 0 : index
    %get3A_8 = arith.constant 0 : index
    %get3A_9 = vector.load %arg2[%get3A_5, %get3A_6, %get3A_7, %get3A_8] : memref<8x8x256x256xf32, #tpu.memory_space<vmem>>, vector<1x1x256x256xf32>
    %get3A_10 = vector.shape_cast %get3A_9 : vector<1x1x256x256xf32> to vector<256x256xf32>
    %dot_general3A = arith.constant dense<0.000000e+00> : vector<128x256xf32>
    %dot_general3A_11 = tpu.matmul %reshape3A, %get3A_10, %dot_general3A {dimension_numbers = #tpu.dot_dimension_numbers<[1], [0], [0], [1], [0, 0, 1, 1], [], []>, transpose_lhs_hint = false} : vector<128x256xf32>, vector<256x256xf32>, vector<128x256xf32> -> vector<128x256xf32>
    %slice3A_12 = vector.extract_strided_slice %get3A_4 {offsets = [0, 0, 0, 1, 0], sizes = [2, 4, 4, 4, 256], strides = [1, 1, 1, 1, 1]} : vector<2x6x6x6x256xf32> to vector<2x4x4x4x256xf32>
    %reshape3A_13 = vector.shape_cast %slice3A_12 : vector<2x4x4x4x256xf32> to vector<128x256xf32>
    %get3A_14 = arith.constant 7 : index
    %get3A_15 = arith.constant 6 : index
    %get3A_16 = arith.constant 0 : index
    %get3A_17 = arith.constant 0 : index
    %get3A_18 = vector.load %arg2[%get3A_14, %get3A_15, %get3A_16, %get3A_17] : memref<8x8x256x256xf32, #tpu.memory_space<vmem>>, vector<1x1x256x256xf32>
    %get3A_19 = vector.shape_cast %get3A_18 : vector<1x1x256x256xf32> to vector<256x256xf32>
    %dot_general3A_20 = arith.constant dense<0.000000e+00> : vector<128x256xf32>
    %dot_general3A_21 = tpu.matmul %reshape3A_13, %get3A_19, %dot_general3A_20 {dimension_numbers = #tpu.dot_dimension_numbers<[1], [0], [0], [1], [0, 0, 1, 1], [], []>, transpose_lhs_hint = false} : vector<128x256xf32>, vector<256x256xf32>, vector<128x256xf32> -> vector<128x256xf32>
    %add3A = arith.addf %dot_general3A_11, %dot_general3A_21 : vector<128x256xf32>
    %slice3A_22 = vector.extract_strided_slice %get3A_4 {offsets = [0, 0, 1, 0, 0], sizes = [2, 4, 4, 4, 256], strides = [1, 1, 1, 1, 1]} : vector<2x6x6x6x256xf32> to vector<2x4x4x4x256xf32>
    %reshape3A_23 = vector.shape_cast %slice3A_22 : vector<2x4x4x4x256xf32> to vector<128x256xf32>
    %get3A_24 = arith.constant 7 : index
    %get3A_25 = arith.constant 5 : index
    %get3A_26 = arith.constant 0 : index
    %get3A_27 = arith.constant 0 : index
    %get3A_28 = vector.load %arg2[%get3A_24, %get3A_25, %get3A_26, %get3A_27] : memref<8x8x256x256xf32, #tpu.memory_space<vmem>>, vector<1x1x256x256xf32>
    %get3A_29 = vector.shape_cast %get3A_28 : vector<1x1x256x256xf32> to vector<256x256xf32>
    %dot_general3A_30 = arith.constant dense<0.000000e+00> : vector<128x256xf32>
    %dot_general3A_31 = tpu.matmul %reshape3A_23, %get3A_29, %dot_general3A_30 {dimension_numbers = #tpu.dot_dimension_numbers<[1], [0], [0], [1], [0, 0, 1, 1], [], []>, transpose_lhs_hint = false} : vector<128x256xf32>, vector<256x256xf32>, vector<128x256xf32> -> vector<128x256xf32>
    %add3A_32 = arith.addf %add3A, %dot_general3A_31 : vector<128x256xf32>
    %slice3A_33 = vector.extract_strided_slice %get3A_4 {offsets = [0, 0, 1, 1, 0], sizes = [2, 4, 4, 4, 256], strides = [1, 1, 1, 1, 1]} : vector<2x6x6x6x256xf32> to vector<2x4x4x4x256xf32>
    %reshape3A_34 = vector.shape_cast %slice3A_33 : vector<2x4x4x4x256xf32> to vector<128x256xf32>
    %get3A_35 = arith.constant 7 : index
    %get3A_36 = arith.constant 4 : index
    %get3A_37 = arith.constant 0 : index
    %get3A_38 = arith.constant 0 : index
    %get3A_39 = vector.load %arg2[%get3A_35, %get3A_36, %get3A_37, %get3A_38] : memref<8x8x256x256xf32, #tpu.memory_space<vmem>>, vector<1x1x256x256xf32>
    %get3A_40 = vector.shape_cast %get3A_39 : vector<1x1x256x256xf32> to vector<256x256xf32>
    %dot_general3A_41 = arith.constant dense<0.000000e+00> : vector<128x256xf32>
    %dot_general3A_42 = tpu.matmul %reshape3A_34, %get3A_40, %dot_general3A_41 {dimension_numbers = #tpu.dot_dimension_numbers<[1], [0], [0], [1], [0, 0, 1, 1], [], []>, transpose_lhs_hint = false} : vector<128x256xf32>, vector<256x256xf32>, vector<128x256xf32> -> vector<128x256xf32>
    %add3A_43 = arith.addf %add3A_32, %dot_general3A_42 : vector<128x256xf32>
    %slice3A_44 = vector.extract_strided_slice %get3A_4 {offsets = [0, 1, 0, 0, 0], sizes = [2, 4, 4, 4, 256], strides = [1, 1, 1, 1, 1]} : vector<2x6x6x6x256xf32> to vector<2x4x4x4x256xf32>
    %reshape3A_45 = vector.shape_cast %slice3A_44 : vector<2x4x4x4x256xf32> to vector<128x256xf32>
    %get3A_46 = arith.constant 7 : index
    %get3A_47 = arith.constant 3 : index
    %get3A_48 = arith.constant 0 : index
    %get3A_49 = arith.constant 0 : index
    %get3A_50 = vector.load %arg2[%get3A_46, %get3A_47, %get3A_48, %get3A_49] : memref<8x8x256x256xf32, #tpu.memory_space<vmem>>, vector<1x1x256x256xf32>
    %get3A_51 = vector.shape_cast %get3A_50 : vector<1x1x256x256xf32> to vector<256x256xf32>
    %dot_general3A_52 = arith.constant dense<0.000000e+00> : vector<128x256xf32>
    %dot_general3A_53 = tpu.matmul %reshape3A_45, %get3A_51, %dot_general3A_52 {dimension_numbers = #tpu.dot_dimension_numbers<[1], [0], [0], [1], [0, 0, 1, 1], [], []>, transpose_lhs_hint = false} : vector<128x256xf32>, vector<256x256xf32>, vector<128x256xf32> -> vector<128x256xf32>
    %add3A_54 = arith.addf %add3A_43, %dot_general3A_53 : vector<128x256xf32>
    %slice3A_55 = vector.extract_strided_slice %get3A_4 {offsets = [0, 1, 0, 1, 0], sizes = [2, 4, 4, 4, 256], strides = [1, 1, 1, 1, 1]} : vector<2x6x6x6x256xf32> to vector<2x4x4x4x256xf32>
    %reshape3A_56 = vector.shape_cast %slice3A_55 : vector<2x4x4x4x256xf32> to vector<128x256xf32>
    %get3A_57 = arith.constant 7 : index
    %get3A_58 = arith.constant 2 : index
    %get3A_59 = arith.constant 0 : index
    %get3A_60 = arith.constant 0 : index
    %get3A_61 = vector.load %arg2[%get3A_57, %get3A_58, %get3A_59, %get3A_60] : memref<8x8x256x256xf32, #tpu.memory_space<vmem>>, vector<1x1x256x256xf32>
    %get3A_62 = vector.shape_cast %get3A_61 : vector<1x1x256x256xf32> to vector<256x256xf32>
    %dot_general3A_63 = arith.constant dense<0.000000e+00> : vector<128x256xf32>
    %dot_general3A_64 = tpu.matmul %reshape3A_56, %get3A_62, %dot_general3A_63 {dimension_numbers = #tpu.dot_dimension_numbers<[1], [0], [0], [1], [0, 0, 1, 1], [], []>, transpose_lhs_hint = false} : vector<128x256xf32>, vector<256x256xf32>, vector<128x256xf32> -> vector<128x256xf32>
    %add3A_65 = arith.addf %add3A_54, %dot_general3A_64 : vector<128x256xf32>
    %slice3A_66 = vector.extract_strided_slice %get3A_4 {offsets = [0, 1, 1, 0, 0], sizes = [2, 4, 4, 4, 256], strides = [1, 1, 1, 1, 1]} : vector<2x6x6x6x256xf32> to vector<2x4x4x4x256xf32>
    %reshape3A_67 = vector.shape_cast %slice3A_66 : vector<2x4x4x4x256xf32> to vector<128x256xf32>
    %get3A_68 = arith.constant 7 : index
    %get3A_69 = arith.constant 1 : index
    %get3A_70 = arith.constant 0 : index
    %get3A_71 = arith.constant 0 : index
    %get3A_72 = vector.load %arg2[%get3A_68, %get3A_69, %get3A_70, %get3A_71] : memref<8x8x256x256xf32, #tpu.memory_space<vmem>>, vector<1x1x256x256xf32>
    %get3A_73 = vector.shape_cast %get3A_72 : vector<1x1x256x256xf32> to vector<256x256xf32>
    %dot_general3A_74 = arith.constant dense<0.000000e+00> : vector<128x256xf32>
    %dot_general3A_75 = tpu.matmul %reshape3A_67, %get3A_73, %dot_general3A_74 {dimension_numbers = #tpu.dot_dimension_numbers<[1], [0], [0], [1], [0, 0, 1, 1], [], []>, transpose_lhs_hint = false} : vector<128x256xf32>, vector<256x256xf32>, vector<128x256xf32> -> vector<128x256xf32>
    %add3A_76 = arith.addf %add3A_65, %dot_general3A_75 : vector<128x256xf32>
    %slice3A_77 = vector.extract_strided_slice %get3A_4 {offsets = [0, 1, 1, 1, 0], sizes = [2, 4, 4, 4, 256], strides = [1, 1, 1, 1, 1]} : vector<2x6x6x6x256xf32> to vector<2x4x4x4x256xf32>
    %reshape3A_78 = vector.shape_cast %slice3A_77 : vector<2x4x4x4x256xf32> to vector<128x256xf32>
    %get3A_79 = arith.constant 7 : index
    %get3A_80 = arith.constant 0 : index
    %get3A_81 = arith.constant 0 : index
    %get3A_82 = arith.constant 0 : index
    %get3A_83 = vector.load %arg2[%get3A_79, %get3A_80, %get3A_81, %get3A_82] : memref<8x8x256x256xf32, #tpu.memory_space<vmem>>, vector<1x1x256x256xf32>
    %get3A_84 = vector.shape_cast %get3A_83 : vector<1x1x256x256xf32> to vector<256x256xf32>
    %dot_general3A_85 = arith.constant dense<0.000000e+00> : vector<128x256xf32>
    %dot_general3A_86 = tpu.matmul %reshape3A_78, %get3A_84, %dot_general3A_85 {dimension_numbers = #tpu.dot_dimension_numbers<[1], [0], [0], [1], [0, 0, 1, 1], [], []>, transpose_lhs_hint = false} : vector<128x256xf32>, vector<256x256xf32>, vector<128x256xf32> -> vector<128x256xf32>
    %add3A_87 = arith.addf %add3A_76, %dot_general3A_86 : vector<128x256xf32>
    %get3A_88 = arith.constant 0 : index
    %get3A_89 = arith.constant 0 : index
    %get3A_90 = vector.load %arg3[%get3A_88, %get3A_89] : memref<1x256xf32, #tpu.memory_space<vmem>>, vector<1x256xf32>
    %add3A_91 = vector.broadcast %get3A_90 : vector<1x256xf32> to vector<128x256xf32>
    %add3A_92 = arith.addf %add3A_87, %add3A_91 : vector<128x256xf32>
    %max3A = arith.constant 0.000000e+00 : f32
    %max3A_93 = vector.broadcast %max3A : f32 to vector<128x256xf32>
    %max3A_94 = arith.maximumf %add3A_92, %max3A_93 : vector<128x256xf32>
    %swap3A = arith.constant 0 : index
    %swap3A_95 = arith.constant 0 : index
    %swap3A_96 = arith.constant 0 : index
    %swap3A_97 = vector.load %arg4[%swap3A, %swap3A_95, %swap3A_96] : memref<8x128x256xf32, #tpu.memory_space<vmem>>, vector<1x128x256xf32>
    %swap3A_98 = vector.shape_cast %swap3A_97 : vector<1x128x256xf32> to vector<128x256xf32>
    %swap3A_99 = vector.shape_cast %max3A_94 : vector<128x256xf32> to vector<1x128x256xf32>
    tpu.vector_store %arg4[%swap3A, %swap3A_95, %swap3A_96], %swap3A_99 {strides = array<i32>} : memref<8x128x256xf32, #tpu.memory_space<vmem>>, vector<1x128x256xf32>,
    %slice3A_100 = vector.extract_strided_slice %get3A_4 {offsets = [0, 0, 0, 1, 0], sizes = [2, 4, 4, 4, 256], strides = [1, 1, 1, 1, 1]} : vector<2x6x6x6x256xf32> to vector<2x4x4x4x256xf32>
    %reshape3A_101 = vector.shape_cast %slice3A_100 : vector<2x4x4x4x256xf32> to vector<128x256xf32>
    %get3A_102 = arith.constant 6 : index
    %get3A_103 = arith.constant 7 : index
    %get3A_104 = arith.constant 0 : index
    %get3A_105 = arith.constant 0 : index
    %get3A_106 = vector.load %arg2[%get3A_102, %get3A_103, %get3A_104, %get3A_105] : memref<8x8x256x256xf32, #tpu.memory_space<vmem>>, vector<1x1x256x256xf32>
    %get3A_107 = vector.shape_cast %get3A_106 : vector<1x1x256x256xf32> to vector<256x256xf32>
    %dot_general3A_108 = arith.constant dense<0.000000e+00> : vector<128x256xf32>
    %dot_general3A_109 = tpu.matmul %reshape3A_101, %get3A_107, %dot_general3A_108 {dimension_numbers = #tpu.dot_dimension_numbers<[1], [0], [0], [1], [0, 0, 1, 1], [], []>, transpose_lhs_hint = false} : vector<128x256xf32>, vector<256x256xf32>, vector<128x256xf32> -> vector<128x256xf32>
    %slice3A_110 = vector.extract_strided_slice %get3A_4 {offsets = [0, 0, 0, 2, 0], sizes = [2, 4, 4, 4, 256], strides = [1, 1, 1, 1, 1]} : vector<2x6x6x6x256xf32> to vector<2x4x4x4x256xf32>
    %reshape3A_111 = vector.shape_cast %slice3A_110 : vector<2x4x4x4x256xf32> to vector<128x256xf32>
    %get3A_112 = arith.constant 6 : index
    %get3A_113 = arith.constant 6 : index
    %get3A_114 = arith.constant 0 : index
    %get3A_115 = arith.constant 0 : index
    %get3A_116 = vector.load %arg2[%get3A_112, %get3A_113, %get3A_114, %get3A_115] : memref<8x8x256x256xf32, #tpu.memory_space<vmem>>, vector<1x1x256x256xf32>
    %get3A_117 = vector.shape_cast %get3A_116 : vector<1x1x256x256xf32> to vector<256x256xf32>
    %dot_general3A_118 = arith.constant dense<0.000000e+00> : vector<128x256xf32>
    %dot_general3A_119 = tpu.matmul %reshape3A_111, %get3A_117, %dot_general3A_118 {dimension_numbers = #tpu.dot_dimension_numbers<[1], [0], [0], [1], [0, 0, 1, 1], [], []>, transpose_lhs_hint = false} : vector<128x256xf32>, vector<256x256xf32>, vector<128x256xf32> -> vector<128x256xf32>
    %add3A_120 = arith.addf %dot_general3A_109, %dot_general3A_119 : vector<128x256xf32>
    %slice3A_121 = vector.extract_strided_slice %get3A_4 {offsets = [0, 0, 1, 1, 0], sizes = [2, 4, 4, 4, 256], strides = [1, 1, 1, 1, 1]} : vector<2x6x6x6x256xf32> to vector<2x4x4x4x256xf32>
    %reshape3A_122 = vector.shape_cast %slice3A_121 : vector<2x4x4x4x256xf32> to vector<128x256xf32>
    %get3A_123 = arith.constant 6 : index
    %get3A_124 = arith.constant 5 : index
    %get3A_125 = arith.constant 0 : index
    %get3A_126 = arith.constant 0 : index
    %get3A_127 = vector.load %arg2[%get3A_123, %get3A_124, %get3A_125, %get3A_126] : memref<8x8x256x256xf32, #tpu.memory_space<vmem>>, vector<1x1x256x256xf32>
    %get3A_128 = vector.shape_cast %get3A_127 : vector<1x1x256x256xf32> to vector<256x256xf32>
    %dot_general3A_129 = arith.constant dense<0.000000e+00> : vector<128x256xf32>
    %dot_general3A_130 = tpu.matmul %reshape3A_122, %get3A_128, %dot_general3A_129 {dimension_numbers = #tpu.dot_dimension_numbers<[1], [0], [0], [1], [0, 0, 1, 1], [], []>, transpose_lhs_hint = false} : vector<128x256xf32>, vector<256x256xf32>, vector<128x256xf32> -> vector<128x256xf32>
    %add3A_131 = arith.addf %add3A_120, %dot_general3A_130 : vector<128x256xf32>
    %slice3A_132 = vector.extract_strided_slice %get3A_4 {offsets = [0, 0, 1, 2, 0], sizes = [2, 4, 4, 4, 256], strides = [1, 1, 1, 1, 1]} : vector<2x6x6x6x256xf32> to vector<2x4x4x4x256xf32>
    %reshape3A_133 = vector.shape_cast %slice3A_132 : vector<2x4x4x4x256xf32> to vector<128x256xf32>
    %get3A_134 = arith.constant 6 : index
    %get3A_135 = arith.constant 4 : index
    %get3A_136 = arith.constant 0 : index
    %get3A_137 = arith.constant 0 : index
    %get3A_138 = vector.load %arg2[%get3A_134, %get3A_135, %get3A_136, %get3A_137] : memref<8x8x256x256xf32, #tpu.memory_space<vmem>>, vector<1x1x256x256xf32>
    %get3A_139 = vector.shape_cast %get3A_138 : vector<1x1x256x256xf32> to vector<256x256xf32>
    %dot_general3A_140 = arith.constant dense<0.000000e+00> : vector<128x256xf32>
    %dot_general3A_141 = tpu.matmul %reshape3A_133, %get3A_139, %dot_general3A_140 {dimension_numbers = #tpu.dot_dimension_numbers<[1], [0], [0], [1], [0, 0, 1, 1], [], []>, transpose_lhs_hint = false} : vector<128x256xf32>, vector<256x256xf32>, vector<128x256xf32> -> vector<128x256xf32>
    %add3A_142 = arith.addf %add3A_131, %dot_general3A_141 : vector<128x256xf32>
    %slice3A_143 = vector.extract_strided_slice %get3A_4 {offsets = [0, 1, 0, 1, 0], sizes = [2, 4, 4, 4, 256], strides = [1, 1, 1, 1, 1]} : vector<2x6x6x6x256xf32> to vector<2x4x4x4x256xf32>
    %reshape3A_144 = vector.shape_cast %slice3A_143 : vector<2x4x4x4x256xf32> to vector<128x256xf32>
    %get3A_145 = arith.constant 6 : index
    %get3A_146 = arith.constant 3 : index
    %get3A_147 = arith.constant 0 : index
    %get3A_148 = arith.constant 0 : index
    %get3A_149 = vector.load %arg2[%get3A_145, %get3A_146, %get3A_147, %get3A_148] : memref<8x8x256x256xf32, #tpu.memory_space<vmem>>, vector<1x1x256x256xf32>
    %get3A_150 = vector.shape_cast %get3A_149 : vector<1x1x256x256xf32> to vector<256x256xf32>
    %dot_general3A_151 = arith.constant dense<0.000000e+00> : vector<128x256xf32>
    %dot_general3A_152 = tpu.matmul %reshape3A_144, %get3A_150, %dot_general3A_151 {dimension_numbers = #tpu.dot_dimension_numbers<[1], [0], [0], [1], [0, 0, 1, 1], [], []>, transpose_lhs_hint = false} : vector<128x256xf32>, vector<256x256xf32>, vector<128x256xf32> -> vector<128x256xf32>
    %add3A_153 = arith.addf %add3A_142, %dot_general3A_152 : vector<128x256xf32>
    %slice3A_154 = vector.extract_strided_slice %get3A_4 {offsets = [0, 1, 0, 2, 0], sizes = [2, 4, 4, 4, 256], strides = [1, 1, 1, 1, 1]} : vector<2x6x6x6x256xf32> to vector<2x4x4x4x256xf32>
    %reshape3A_155 = vector.shape_cast %slice3A_154 : vector<2x4x4x4x256xf32> to vector<128x256xf32>
    %get3A_156 = arith.constant 6 : index
    %get3A_157 = arith.constant 2 : index
    %get3A_158 = arith.constant 0 : index
    %get3A_159 = arith.constant 0 : index
    %get3A_160 = vector.load %arg2[%get3A_156, %get3A_157, %get3A_158, %get3A_159] : memref<8x8x256x256xf32, #tpu.memory_space<vmem>>, vector<1x1x256x256xf32>
    %get3A_161 = vector.shape_cast %get3A_160 : vector<1x1x256x256xf32> to vector<256x256xf32>
    %dot_general3A_162 = arith.constant dense<0.000000e+00> : vector<128x256xf32>
    %dot_general3A_163 = tpu.matmul %reshape3A_155, %get3A_161, %dot_general3A_162 {dimension_numbers = #tpu.dot_dimension_numbers<[1], [0], [0], [1], [0, 0, 1, 1], [], []>, transpose_lhs_hint = false} : vector<128x256xf32>, vector<256x256xf32>, vector<128x256xf32> -> vector<128x256xf32>
    %add3A_164 = arith.addf %add3A_153, %dot_general3A_163 : vector<128x256xf32>
    %slice3A_165 = vector.extract_strided_slice %get3A_4 {offsets = [0, 1, 1, 1, 0], sizes = [2, 4, 4, 4, 256], strides = [1, 1, 1, 1, 1]} : vector<2x6x6x6x256xf32> to vector<2x4x4x4x256xf32>
    %reshape3A_166 = vector.shape_cast %slice3A_165 : vector<2x4x4x4x256xf32> to vector<128x256xf32>
    %get3A_167 = arith.constant 6 : index
    %get3A_168 = arith.constant 1 : index
    %get3A_169 = arith.constant 0 : index
    %get3A_170 = arith.constant 0 : index
    %get3A_171 = vector.load %arg2[%get3A_167, %get3A_168, %get3A_169, %get3A_170] : memref<8x8x256x256xf32, #tpu.memory_space<vmem>>, vector<1x1x256x256xf32>
    %get3A_172 = vector.shape_cast %get3A_171 : vector<1x1x256x256xf32> to vector<256x256xf32>
    %dot_general3A_173 = arith.constant dense<0.000000e+00> : vector<128x256xf32>
    %dot_general3A_174 = tpu.matmul %reshape3A_166, %get3A_172, %dot_general3A_173 {dimension_numbers = #tpu.dot_dimension_numbers<[1], [0], [0], [1], [0, 0, 1, 1], [], []>, transpose_lhs_hint = false} : vector<128x256xf32>, vector<256x256xf32>, vector<128x256xf32> -> vector<128x256xf32>
    %add3A_175 = arith.addf %add3A_164, %dot_general3A_174 : vector<128x256xf32>
    %slice3A_176 = vector.extract_strided_slice %get3A_4 {offsets = [0, 1, 1, 2, 0], sizes = [2, 4, 4, 4, 256], strides = [1, 1, 1, 1, 1]} : vector<2x6x6x6x256xf32> to vector<2x4x4x4x256xf32>
    %reshape3A_177 = vector.shape_cast %slice3A_176 : vector<2x4x4x4x256xf32> to vector<128x256xf32>
    %get3A_178 = arith.constant 6 : index
    %get3A_179 = arith.constant 0 : index
    %get3A_180 = arith.constant 0 : index
    %get3A_181 = arith.constant 0 : index
    %get3A_182 = vector.load %arg2[%get3A_178, %get3A_179, %get3A_180, %get3A_181] : memref<8x8x256x256xf32, #tpu.memory_space<vmem>>, vector<1x1x256x256xf32>
    %get3A_183 = vector.shape_cast %get3A_182 : vector<1x1x256x256xf32> to vector<256x256xf32>
    %dot_general3A_184 = arith.constant dense<0.000000e+00> : vector<128x256xf32>
    %dot_general3A_185 = tpu.matmul %reshape3A_177, %get3A_183, %dot_general3A_184 {dimension_numbers = #tpu.dot_dimension_numbers<[1], [0], [0], [1], [0, 0, 1, 1], [], []>, transpose_lhs_hint = false} : vector<128x256xf32>, vector<256x256xf32>, vector<128x256xf32> -> vector<128x256xf32>
    %add3A_186 = arith.addf %add3A_175, %dot_general3A_185 : vector<128x256xf32>
    %get3A_187 = arith.constant 0 : index
    %get3A_188 = arith.constant 0 : index
    %get3A_189 = vector.load %arg3[%get3A_187, %get3A_188] : memref<1x256xf32, #tpu.memory_space<vmem>>, vector<1x256xf32>
    %add3A_190 = vector.broadcast %get3A_189 : vector<1x256xf32> to vector<128x256xf32>
    %add3A_191 = arith.addf %add3A_186, %add3A_190 : vector<128x256xf32>
    %max3A_192 = arith.constant 0.000000e+00 : f32
    %max3A_193 = vector.broadcast %max3A_192 : f32 to vector<128x256xf32>
    %max3A_194 = arith.maximumf %add3A_191, %max3A_193 : vector<128x256xf32>
    %swap3A_195 = arith.constant 1 : index
    %swap3A_196 = arith.constant 0 : index
    %swap3A_197 = arith.constant 0 : index
    %swap3A_198 = vector.load %arg4[%swap3A_195, %swap3A_196, %swap3A_197] : memref<8x128x256xf32, #tpu.memory_space<vmem>>, vector<1x128x256xf32>
    %swap3A_199 = vector.shape_cast %swap3A_198 : vector<1x128x256xf32> to vector<128x256xf32>
    %swap3A_200 = vector.shape_cast %max3A_194 : vector<128x256xf32> to vector<1x128x256xf32>
    tpu.vector_store %arg4[%swap3A_195, %swap3A_196, %swap3A_197], %swap3A_200 {strides = array<i32>} : memref<8x128x256xf32, #tpu.memory_space<vmem>>, vector<1x128x256xf32>,
    %slice3A_201 = vector.extract_strided_slice %get3A_4 {offsets = [0, 0, 1, 0, 0], sizes = [2, 4, 4, 4, 256], strides = [1, 1, 1, 1, 1]} : vector<2x6x6x6x256xf32> to vector<2x4x4x4x256xf32>
    %reshape3A_202 = vector.shape_cast %slice3A_201 : vector<2x4x4x4x256xf32> to vector<128x256xf32>
    %get3A_203 = arith.constant 5 : index
    %get3A_204 = arith.constant 7 : index
    %get3A_205 = arith.constant 0 : index
    %get3A_206 = arith.constant 0 : index
    %get3A_207 = vector.load %arg2[%get3A_203, %get3A_204, %get3A_205, %get3A_206] : memref<8x8x256x256xf32, #tpu.memory_space<vmem>>, vector<1x1x256x256xf32>
    %get3A_208 = vector.shape_cast %get3A_207 : vector<1x1x256x256xf32> to vector<256x256xf32>
    %dot_general3A_209 = arith.constant dense<0.000000e+00> : vector<128x256xf32>
    %dot_general3A_210 = tpu.matmul %reshape3A_202, %get3A_208, %dot_general3A_209 {dimension_numbers = #tpu.dot_dimension_numbers<[1], [0], [0], [1], [0, 0, 1, 1], [], []>, transpose_lhs_hint = false} : vector<128x256xf32>, vector<256x256xf32>, vector<128x256xf32> -> vector<128x256xf32>
    %slice3A_211 = vector.extract_strided_slice %get3A_4 {offsets = [0, 0, 1, 1, 0], sizes = [2, 4, 4, 4, 256], strides = [1, 1, 1, 1, 1]} : vector<2x6x6x6x256xf32> to vector<2x4x4x4x256xf32>
    %reshape3A_212 = vector.shape_cast %slice3A_211 : vector<2x4x4x4x256xf32> to vector<128x256xf32>
    %get3A_213 = arith.constant 5 : index
    %get3A_214 = arith.constant 6 : index
    %get3A_215 = arith.constant 0 : index
    %get3A_216 = arith.constant 0 : index
    %get3A_217 = vector.load %arg2[%get3A_213, %get3A_214, %get3A_215, %get3A_216] : memref<8x8x256x256xf32, #tpu.memory_space<vmem>>, vector<1x1x256x256xf32>
    %get3A_218 = vector.shape_cast %get3A_217 : vector<1x1x256x256xf32> to vector<256x256xf32>
    %dot_general3A_219 = arith.constant dense<0.000000e+00> : vector<128x256xf32>
    %dot_general3A_220 = tpu.matmul %reshape3A_212, %get3A_218, %dot_general3A_219 {dimension_numbers = #tpu.dot_dimension_numbers<[1], [0], [0], [1], [0, 0, 1, 1], [], []>, transpose_lhs_hint = false} : vector<128x256xf32>, vector<256x256xf32>, vector<128x256xf32> -> vector<128x256xf32>
    %add3A_221 = arith.addf %dot_general3A_210, %dot_general3A_220 : vector<128x256xf32>
    %slice3A_222 = vector.extract_strided_slice %get3A_4 {offsets = [0, 0, 2, 0, 0], sizes = [2, 4, 4, 4, 256], strides = [1, 1, 1, 1, 1]} : vector<2x6x6x6x256xf32> to vector<2x4x4x4x256xf32>
    %reshape3A_223 = vector.shape_cast %slice3A_222 : vector<2x4x4x4x256xf32> to vector<128x256xf32>
    %get3A_224 = arith.constant 5 : index
    %get3A_225 = arith.constant 5 : index
    %get3A_226 = arith.constant 0 : index
    %get3A_227 = arith.constant 0 : index
    %get3A_228 = vector.load %arg2[%get3A_224, %get3A_225, %get3A_226, %get3A_227] : memref<8x8x256x256xf32, #tpu.memory_space<vmem>>, vector<1x1x256x256xf32>
    %get3A_229 = vector.shape_cast %get3A_228 : vector<1x1x256x256xf32> to vector<256x256xf32>
    %dot_general3A_230 = arith.constant dense<0.000000e+00> : vector<128x256xf32>
    %dot_general3A_231 = tpu.matmul %reshape3A_223, %get3A_229, %dot_general3A_230 {dimension_numbers = #tpu.dot_dimension_numbers<[1], [0], [0], [1], [0, 0, 1, 1], [], []>, transpose_lhs_hint = false} : vector<128x256xf32>, vector<256x256xf32>, vector<128x256xf32> -> vector<128x256xf32>
    %add3A_232 = arith.addf %add3A_221, %dot_general3A_231 : vector<128x256xf32>
    %slice3A_233 = vector.extract_strided_slice %get3A_4 {offsets = [0, 0, 2, 1, 0], sizes = [2, 4, 4, 4, 256], strides = [1, 1, 1, 1, 1]} : vector<2x6x6x6x256xf32> to vector<2x4x4x4x256xf32>
    %reshape3A_234 = vector.shape_cast %slice3A_233 : vector<2x4x4x4x256xf32> to vector<128x256xf32>
    %get3A_235 = arith.constant 5 : index
    %get3A_236 = arith.constant 4 : index
    %get3A_237 = arith.constant 0 : index
    %get3A_238 = arith.constant 0 : index
    %get3A_239 = vector.load %arg2[%get3A_235, %get3A_236, %get3A_237, %get3A_238] : memref<8x8x256x256xf32, #tpu.memory_space<vmem>>, vector<1x1x256x256xf32>
    %get3A_240 = vector.shape_cast %get3A_239 : vector<1x1x256x256xf32> to vector<256x256xf32>
    %dot_general3A_241 = arith.constant dense<0.000000e+00> : vector<128x256xf32>
    %dot_general3A_242 = tpu.matmul %reshape3A_234, %get3A_240, %dot_general3A_241 {dimension_numbers = #tpu.dot_dimension_numbers<[1], [0], [0], [1], [0, 0, 1, 1], [], []>, transpose_lhs_hint = false} : vector<128x256xf32>, vector<256x256xf32>, vector<128x256xf32> -> vector<128x256xf32>
    %add3A_243 = arith.addf %add3A_232, %dot_general3A_242 : vector<128x256xf32>
    %slice3A_244 = vector.extract_strided_slice %get3A_4 {offsets = [0, 1, 1, 0, 0], sizes = [2, 4, 4, 4, 256], strides = [1, 1, 1, 1, 1]} : vector<2x6x6x6x256xf32> to vector<2x4x4x4x256xf32>
    %reshape3A_245 = vector.shape_cast %slice3A_244 : vector<2x4x4x4x256xf32> to vector<128x256xf32>
    %get3A_246 = arith.constant 5 : index
    %get3A_247 = arith.constant 3 : index
    %get3A_248 = arith.constant 0 : index
    %get3A_249 = arith.constant 0 : index
    %get3A_250 = vector.load %arg2[%get3A_246, %get3A_247, %get3A_248, %get3A_249] : memref<8x8x256x256xf32, #tpu.memory_space<vmem>>, vector<1x1x256x256xf32>
    %get3A_251 = vector.shape_cast %get3A_250 : vector<1x1x256x256xf32> to vector<256x256xf32>
    %dot_general3A_252 = arith.constant dense<0.000000e+00> : vector<128x256xf32>
    %dot_general3A_253 = tpu.matmul %reshape3A_245, %get3A_251, %dot_general3A_252 {dimension_numbers = #tpu.dot_dimension_numbers<[1], [0], [0], [1], [0, 0, 1, 1], [], []>, transpose_lhs_hint = false} : vector<128x256xf32>, vector<256x256xf32>, vector<128x256xf32> -> vector<128x256xf32>
    %add3A_254 = arith.addf %add3A_243, %dot_general3A_253 : vector<128x256xf32>
    %slice3A_255 = vector.extract_strided_slice %get3A_4 {offsets = [0, 1, 1, 1, 0], sizes = [2, 4, 4, 4, 256], strides = [1, 1, 1, 1, 1]} : vector<2x6x6x6x256xf32> to vector<2x4x4x4x256xf32>
    %reshape3A_256 = vector.shape_cast %slice3A_255 : vector<2x4x4x4x256xf32> to vector<128x256xf32>
    %get3A_257 = arith.constant 5 : index
    %get3A_258 = arith.constant 2 : index
    %get3A_259 = arith.constant 0 : index
    %get3A_260 = arith.constant 0 : index
    %get3A_261 = vector.load %arg2[%get3A_257, %get3A_258, %get3A_259, %get3A_260] : memref<8x8x256x256xf32, #tpu.memory_space<vmem>>, vector<1x1x256x256xf32>
    %get3A_262 = vector.shape_cast %get3A_261 : vector<1x1x256x256xf32> to vector<256x256xf32>
    %dot_general3A_263 = arith.constant dense<0.000000e+00> : vector<128x256xf32>
    %dot_general3A_264 = tpu.matmul %reshape3A_256, %get3A_262, %dot_general3A_263 {dimension_numbers = #tpu.dot_dimension_numbers<[1], [0], [0], [1], [0, 0, 1, 1], [], []>, transpose_lhs_hint = false} : vector<128x256xf32>, vector<256x256xf32>, vector<128x256xf32> -> vector<128x256xf32>
    %add3A_265 = arith.addf %add3A_254, %dot_general3A_264 : vector<128x256xf32>
    %slice3A_266 = vector.extract_strided_slice %get3A_4 {offsets = [0, 1, 2, 0, 0], sizes = [2, 4, 4, 4, 256], strides = [1, 1, 1, 1, 1]} : vector<2x6x6x6x256xf32> to vector<2x4x4x4x256xf32>
    %reshape3A_267 = vector.shape_cast %slice3A_266 : vector<2x4x4x4x256xf32> to vector<128x256xf32>
    %get3A_268 = arith.constant 5 : index
    %get3A_269 = arith.constant 1 : index
    %get3A_270 = arith.constant 0 : index
    %get3A_271 = arith.constant 0 : index
    %get3A_272 = vector.load %arg2[%get3A_268, %get3A_269, %get3A_270, %get3A_271] : memref<8x8x256x256xf32, #tpu.memory_space<vmem>>, vector<1x1x256x256xf32>
    %get3A_273 = vector.shape_cast %get3A_272 : vector<1x1x256x256xf32> to vector<256x256xf32>
    %dot_general3A_274 = arith.constant dense<0.000000e+00> : vector<128x256xf32>
    %dot_general3A_275 = tpu.matmul %reshape3A_267, %get3A_273, %dot_general3A_274 {dimension_numbers = #tpu.dot_dimension_numbers<[1], [0], [0], [1], [0, 0, 1, 1], [], []>, transpose_lhs_hint = false} : vector<128x256xf32>, vector<256x256xf32>, vector<128x256xf32> -> vector<128x256xf32>
    %add3A_276 = arith.addf %add3A_265, %dot_general3A_275 : vector<128x256xf32>
    %slice3A_277 = vector.extract_strided_slice %get3A_4 {offsets = [0, 1, 2, 1, 0], sizes = [2, 4, 4, 4, 256], strides = [1, 1, 1, 1, 1]} : vector<2x6x6x6x256xf32> to vector<2x4x4x4x256xf32>
    %reshape3A_278 = vector.shape_cast %slice3A_277 : vector<2x4x4x4x256xf32> to vector<128x256xf32>
    %get3A_279 = arith.constant 5 : index
    %get3A_280 = arith.constant 0 : index
    %get3A_281 = arith.constant 0 : index
    %get3A_282 = arith.constant 0 : index
    %get3A_283 = vector.load %arg2[%get3A_279, %get3A_280, %get3A_281, %get3A_282] : memref<8x8x256x256xf32, #tpu.memory_space<vmem>>, vector<1x1x256x256xf32>
    %get3A_284 = vector.shape_cast %get3A_283 : vector<1x1x256x256xf32> to vector<256x256xf32>
    %dot_general3A_285 = arith.constant dense<0.000000e+00> : vector<128x256xf32>
    %dot_general3A_286 = tpu.matmul %reshape3A_278, %get3A_284, %dot_general3A_285 {dimension_numbers = #tpu.dot_dimension_numbers<[1], [0], [0], [1], [0, 0, 1, 1], [], []>, transpose_lhs_hint = false} : vector<128x256xf32>, vector<256x256xf32>, vector<128x256xf32> -> vector<128x256xf32>
    %add3A_287 = arith.addf %add3A_276, %dot_general3A_286 : vector<128x256xf32>
    %get3A_288 = arith.constant 0 : index
    %get3A_289 = arith.constant 0 : index
    %get3A_290 = vector.load %arg3[%get3A_288, %get3A_289] : memref<1x256xf32, #tpu.memory_space<vmem>>, vector<1x256xf32>
    %add3A_291 = vector.broadcast %get3A_290 : vector<1x256xf32> to vector<128x256xf32>
    %add3A_292 = arith.addf %add3A_287, %add3A_291 : vector<128x256xf32>
    %max3A_293 = arith.constant 0.000000e+00 : f32
    %max3A_294 = vector.broadcast %max3A_293 : f32 to vector<128x256xf32>
    %max3A_295 = arith.maximumf %add3A_292, %max3A_294 : vector<128x256xf32>
    %swap3A_296 = arith.constant 2 : index
    %swap3A_297 = arith.constant 0 : index
    %swap3A_298 = arith.constant 0 : index
    %swap3A_299 = vector.load %arg4[%swap3A_296, %swap3A_297, %swap3A_298] : memref<8x128x256xf32, #tpu.memory_space<vmem>>, vector<1x128x256xf32>
    %swap3A_300 = vector.shape_cast %swap3A_299 : vector<1x128x256xf32> to vector<128x256xf32>
    %swap3A_301 = vector.shape_cast %max3A_295 : vector<128x256xf32> to vector<1x128x256xf32>
    tpu.vector_store %arg4[%swap3A_296, %swap3A_297, %swap3A_298], %swap3A_301 {strides = array<i32>} : memref<8x128x256xf32, #tpu.memory_space<vmem>>, vector<1x128x256xf32>,
    %slice3A_302 = vector.extract_strided_slice %get3A_4 {offsets = [0, 0, 1, 1, 0], sizes = [2, 4, 4, 4, 256], strides = [1, 1, 1, 1, 1]} : vector<2x6x6x6x256xf32> to vector<2x4x4x4x256xf32>
    %reshape3A_303 = vector.shape_cast %slice3A_302 : vector<2x4x4x4x256xf32> to vector<128x256xf32>
    %get3A_304 = arith.constant 4 : index
    %get3A_305 = arith.constant 7 : index
    %get3A_306 = arith.constant 0 : index
    %get3A_307 = arith.constant 0 : index
    %get3A_308 = vector.load %arg2[%get3A_304, %get3A_305, %get3A_306, %get3A_307] : memref<8x8x256x256xf32, #tpu.memory_space<vmem>>, vector<1x1x256x256xf32>
    %get3A_309 = vector.shape_cast %get3A_308 : vector<1x1x256x256xf32> to vector<256x256xf32>
    %dot_general3A_310 = arith.constant dense<0.000000e+00> : vector<128x256xf32>
    %dot_general3A_311 = tpu.matmul %reshape3A_303, %get3A_309, %dot_general3A_310 {dimension_numbers = #tpu.dot_dimension_numbers<[1], [0], [0], [1], [0, 0, 1, 1], [], []>, transpose_lhs_hint = false} : vector<128x256xf32>, vector<256x256xf32>, vector<128x256xf32> -> vector<128x256xf32>
    %slice3A_312 = vector.extract_strided_slice %get3A_4 {offsets = [0, 0, 1, 2, 0], sizes = [2, 4, 4, 4, 256], strides = [1, 1, 1, 1, 1]} : vector<2x6x6x6x256xf32> to vector<2x4x4x4x256xf32>
    %reshape3A_313 = vector.shape_cast %slice3A_312 : vector<2x4x4x4x256xf32> to vector<128x256xf32>
    %get3A_314 = arith.constant 4 : index
    %get3A_315 = arith.constant 6 : index
    %get3A_316 = arith.constant 0 : index
    %get3A_317 = arith.constant 0 : index
    %get3A_318 = vector.load %arg2[%get3A_314, %get3A_315, %get3A_316, %get3A_317] : memref<8x8x256x256xf32, #tpu.memory_space<vmem>>, vector<1x1x256x256xf32>
    %get3A_319 = vector.shape_cast %get3A_318 : vector<1x1x256x256xf32> to vector<256x256xf32>
    %dot_general3A_320 = arith.constant dense<0.000000e+00> : vector<128x256xf32>
    %dot_general3A_321 = tpu.matmul %reshape3A_313, %get3A_319, %dot_general3A_320 {dimension_numbers = #tpu.dot_dimension_numbers<[1], [0], [0], [1], [0, 0, 1, 1], [], []>, transpose_lhs_hint = false} : vector<128x256xf32>, vector<256x256xf32>, vector<128x256xf32> -> vector<128x256xf32>
    %add3A_322 = arith.addf %dot_general3A_311, %dot_general3A_321 : vector<128x256xf32>
    %slice3A_323 = vector.extract_strided_slice %get3A_4 {offsets = [0, 0, 2, 1, 0], sizes = [2, 4, 4, 4, 256], strides = [1, 1, 1, 1, 1]} : vector<2x6x6x6x256xf32> to vector<2x4x4x4x256xf32>
    %reshape3A_324 = vector.shape_cast %slice3A_323 : vector<2x4x4x4x256xf32> to vector<128x256xf32>
    %get3A_325 = arith.constant 4 : index
    %get3A_326 = arith.constant 5 : index
    %get3A_327 = arith.constant 0 : index
    %get3A_328 = arith.constant 0 : index
    %get3A_329 = vector.load %arg2[%get3A_325, %get3A_326, %get3A_327, %get3A_328] : memref<8x8x256x256xf32, #tpu.memory_space<vmem>>, vector<1x1x256x256xf32>
    %get3A_330 = vector.shape_cast %get3A_329 : vector<1x1x256x256xf32> to vector<256x256xf32>
    %dot_general3A_331 = arith.constant dense<0.000000e+00> : vector<128x256xf32>
    %dot_general3A_332 = tpu.matmul %reshape3A_324, %get3A_330, %dot_general3A_331 {dimension_numbers = #tpu.dot_dimension_numbers<[1], [0], [0], [1], [0, 0, 1, 1], [], []>, transpose_lhs_hint = false} : vector<128x256xf32>, vector<256x256xf32>, vector<128x256xf32> -> vector<128x256xf32>
    %add3A_333 = arith.addf %add3A_322, %dot_general3A_332 : vector<128x256xf32>
    %slice3A_334 = vector.extract_strided_slice %get3A_4 {offsets = [0, 0, 2, 2, 0], sizes = [2, 4, 4, 4, 256], strides = [1, 1, 1, 1, 1]} : vector<2x6x6x6x256xf32> to vector<2x4x4x4x256xf32>
    %reshape3A_335 = vector.shape_cast %slice3A_334 : vector<2x4x4x4x256xf32> to vector<128x256xf32>
    %get3A_336 = arith.constant 4 : index
    %get3A_337 = arith.constant 4 : index
    %get3A_338 = arith.constant 0 : index
    %get3A_339 = arith.constant 0 : index
    %get3A_340 = vector.load %arg2[%get3A_336, %get3A_337, %get3A_338, %get3A_339] : memref<8x8x256x256xf32, #tpu.memory_space<vmem>>, vector<1x1x256x256xf32>
    %get3A_341 = vector.shape_cast %get3A_340 : vector<1x1x256x256xf32> to vector<256x256xf32>
    %dot_general3A_342 = arith.constant dense<0.000000e+00> : vector<128x256xf32>
    %dot_general3A_343 = tpu.matmul %reshape3A_335, %get3A_341, %dot_general3A_342 {dimension_numbers = #tpu.dot_dimension_numbers<[1], [0], [0], [1], [0, 0, 1, 1], [], []>, transpose_lhs_hint = false} : vector<128x256xf32>, vector<256x256xf32>, vector<128x256xf32> -> vector<128x256xf32>
    %add3A_344 = arith.addf %add3A_333, %dot_general3A_343 : vector<128x256xf32>
    %slice3A_345 = vector.extract_strided_slice %get3A_4 {offsets = [0, 1, 1, 1, 0], sizes = [2, 4, 4, 4, 256], strides = [1, 1, 1, 1, 1]} : vector<2x6x6x6x256xf32> to vector<2x4x4x4x256xf32>
    %reshape3A_346 = vector.shape_cast %slice3A_345 : vector<2x4x4x4x256xf32> to vector<128x256xf32>
    %get3A_347 = arith.constant 4 : index
    %get3A_348 = arith.constant 3 : index
    %get3A_349 = arith.constant 0 : index
    %get3A_350 = arith.constant 0 : index
    %get3A_351 = vector.load %arg2[%get3A_347, %get3A_348, %get3A_349, %get3A_350] : memref<8x8x256x256xf32, #tpu.memory_space<vmem>>, vector<1x1x256x256xf32>
    %get3A_352 = vector.shape_cast %get3A_351 : vector<1x1x256x256xf32> to vector<256x256xf32>
    %dot_general3A_353 = arith.constant dense<0.000000e+00> : vector<128x256xf32>
    %dot_general3A_354 = tpu.matmul %reshape3A_346, %get3A_352, %dot_general3A_353 {dimension_numbers = #tpu.dot_dimension_numbers<[1], [0], [0], [1], [0, 0, 1, 1], [], []>, transpose_lhs_hint = false} : vector<128x256xf32>, vector<256x256xf32>, vector<128x256xf32> -> vector<128x256xf32>
    %add3A_355 = arith.addf %add3A_344, %dot_general3A_354 : vector<128x256xf32>
    %slice3A_356 = vector.extract_strided_slice %get3A_4 {offsets = [0, 1, 1, 2, 0], sizes = [2, 4, 4, 4, 256], strides = [1, 1, 1, 1, 1]} : vector<2x6x6x6x256xf32> to vector<2x4x4x4x256xf32>
    %reshape3A_357 = vector.shape_cast %slice3A_356 : vector<2x4x4x4x256xf32> to vector<128x256xf32>
    %get3A_358 = arith.constant 4 : index
    %get3A_359 = arith.constant 2 : index
    %get3A_360 = arith.constant 0 : index
    %get3A_361 = arith.constant 0 : index
    %get3A_362 = vector.load %arg2[%get3A_358, %get3A_359, %get3A_360, %get3A_361] : memref<8x8x256x256xf32, #tpu.memory_space<vmem>>, vector<1x1x256x256xf32>
    %get3A_363 = vector.shape_cast %get3A_362 : vector<1x1x256x256xf32> to vector<256x256xf32>
    %dot_general3A_364 = arith.constant dense<0.000000e+00> : vector<128x256xf32>
    %dot_general3A_365 = tpu.matmul %reshape3A_357, %get3A_363, %dot_general3A_364 {dimension_numbers = #tpu.dot_dimension_numbers<[1], [0], [0], [1], [0, 0, 1, 1], [], []>, transpose_lhs_hint = false} : vector<128x256xf32>, vector<256x256xf32>, vector<128x256xf32> -> vector<128x256xf32>
    %add3A_366 = arith.addf %add3A_355, %dot_general3A_365 : vector<128x256xf32>
    %slice3A_367 = vector.extract_strided_slice %get3A_4 {offsets = [0, 1, 2, 1, 0], sizes = [2, 4, 4, 4, 256], strides = [1, 1, 1, 1, 1]} : vector<2x6x6x6x256xf32> to vector<2x4x4x4x256xf32>
    %reshape3A_368 = vector.shape_cast %slice3A_367 : vector<2x4x4x4x256xf32> to vector<128x256xf32>
    %get3A_369 = arith.constant 4 : index
    %get3A_370 = arith.constant 1 : index
    %get3A_371 = arith.constant 0 : index
    %get3A_372 = arith.constant 0 : index
    %get3A_373 = vector.load %arg2[%get3A_369, %get3A_370, %get3A_371, %get3A_372] : memref<8x8x256x256xf32, #tpu.memory_space<vmem>>, vector<1x1x256x256xf32>
    %get3A_374 = vector.shape_cast %get3A_373 : vector<1x1x256x256xf32> to vector<256x256xf32>
    %dot_general3A_375 = arith.constant dense<0.000000e+00> : vector<128x256xf32>
    %dot_general3A_376 = tpu.matmul %reshape3A_368, %get3A_374, %dot_general3A_375 {dimension_numbers = #tpu.dot_dimension_numbers<[1], [0], [0], [1], [0, 0, 1, 1], [], []>, transpose_lhs_hint = false} : vector<128x256xf32>, vector<256x256xf32>, vector<128x256xf32> -> vector<128x256xf32>
    %add3A_377 = arith.addf %add3A_366, %dot_general3A_376 : vector<128x256xf32>
    %slice3A_378 = vector.extract_strided_slice %get3A_4 {offsets = [0, 1, 2, 2, 0], sizes = [2, 4, 4, 4, 256], strides = [1, 1, 1, 1, 1]} : vector<2x6x6x6x256xf32> to vector<2x4x4x4x256xf32>
    %reshape3A_379 = vector.shape_cast %slice3A_378 : vector<2x4x4x4x256xf32> to vector<128x256xf32>
    %get3A_380 = arith.constant 4 : index
    %get3A_381 = arith.constant 0 : index
    %get3A_382 = arith.constant 0 : index
    %get3A_383 = arith.constant 0 : index
    %get3A_384 = vector.load %arg2[%get3A_380, %get3A_381, %get3A_382, %get3A_383] : memref<8x8x256x256xf32, #tpu.memory_space<vmem>>, vector<1x1x256x256xf32>
    %get3A_385 = vector.shape_cast %get3A_384 : vector<1x1x256x256xf32> to vector<256x256xf32>
    %dot_general3A_386 = arith.constant dense<0.000000e+00> : vector<128x256xf32>
    %dot_general3A_387 = tpu.matmul %reshape3A_379, %get3A_385, %dot_general3A_386 {dimension_numbers = #tpu.dot_dimension_numbers<[1], [0], [0], [1], [0, 0, 1, 1], [], []>, transpose_lhs_hint = false} : vector<128x256xf32>, vector<256x256xf32>, vector<128x256xf32> -> vector<128x256xf32>
    %add3A_388 = arith.addf %add3A_377, %dot_general3A_387 : vector<128x256xf32>
    %get3A_389 = arith.constant 0 : index
    %get3A_390 = arith.constant 0 : index
    %get3A_391 = vector.load %arg3[%get3A_389, %get3A_390] : memref<1x256xf32, #tpu.memory_space<vmem>>, vector<1x256xf32>
    %add3A_392 = vector.broadcast %get3A_391 : vector<1x256xf32> to vector<128x256xf32>
    %add3A_393 = arith.addf %add3A_388, %add3A_392 : vector<128x256xf32>
    %max3A_394 = arith.constant 0.000000e+00 : f32
    %max3A_395 = vector.broadcast %max3A_394 : f32 to vector<128x256xf32>
    %max3A_396 = arith.maximumf %add3A_393, %max3A_395 : vector<128x256xf32>
    %swap3A_397 = arith.constant 3 : index
    %swap3A_398 = arith.constant 0 : index
    %swap3A_399 = arith.constant 0 : index
    %swap3A_400 = vector.load %arg4[%swap3A_397, %swap3A_398, %swap3A_399] : memref<8x128x256xf32, #tpu.memory_space<vmem>>, vector<1x128x256xf32>
    %swap3A_401 = vector.shape_cast %swap3A_400 : vector<1x128x256xf32> to vector<128x256xf32>
    %swap3A_402 = vector.shape_cast %max3A_396 : vector<128x256xf32> to vector<1x128x256xf32>
    tpu.vector_store %arg4[%swap3A_397, %swap3A_398, %swap3A_399], %swap3A_402 {strides = array<i32>} : memref<8x128x256xf32, #tpu.memory_space<vmem>>, vector<1x128x256xf32>,
    %slice3A_403 = vector.extract_strided_slice %get3A_4 {offsets = [0, 1, 0, 0, 0], sizes = [2, 4, 4, 4, 256], strides = [1, 1, 1, 1, 1]} : vector<2x6x6x6x256xf32> to vector<2x4x4x4x256xf32>
    %reshape3A_404 = vector.shape_cast %slice3A_403 : vector<2x4x4x4x256xf32> to vector<128x256xf32>
    %get3A_405 = arith.constant 3 : index
    %get3A_406 = arith.constant 7 : index
    %get3A_407 = arith.constant 0 : index
    %get3A_408 = arith.constant 0 : index
    %get3A_409 = vector.load %arg2[%get3A_405, %get3A_406, %get3A_407, %get3A_408] : memref<8x8x256x256xf32, #tpu.memory_space<vmem>>, vector<1x1x256x256xf32>
    %get3A_410 = vector.shape_cast %get3A_409 : vector<1x1x256x256xf32> to vector<256x256xf32>
    %dot_general3A_411 = arith.constant dense<0.000000e+00> : vector<128x256xf32>
    %dot_general3A_412 = tpu.matmul %reshape3A_404, %get3A_410, %dot_general3A_411 {dimension_numbers = #tpu.dot_dimension_numbers<[1], [0], [0], [1], [0, 0, 1, 1], [], []>, transpose_lhs_hint = false} : vector<128x256xf32>, vector<256x256xf32>, vector<128x256xf32> -> vector<128x256xf32>
    %slice3A_413 = vector.extract_strided_slice %get3A_4 {offsets = [0, 1, 0, 1, 0], sizes = [2, 4, 4, 4, 256], strides = [1, 1, 1, 1, 1]} : vector<2x6x6x6x256xf32> to vector<2x4x4x4x256xf32>
    %reshape3A_414 = vector.shape_cast %slice3A_413 : vector<2x4x4x4x256xf32> to vector<128x256xf32>
    %get3A_415 = arith.constant 3 : index
    %get3A_416 = arith.constant 6 : index
    %get3A_417 = arith.constant 0 : index
    %get3A_418 = arith.constant 0 : index
    %get3A_419 = vector.load %arg2[%get3A_415, %get3A_416, %get3A_417, %get3A_418] : memref<8x8x256x256xf32, #tpu.memory_space<vmem>>, vector<1x1x256x256xf32>
    %get3A_420 = vector.shape_cast %get3A_419 : vector<1x1x256x256xf32> to vector<256x256xf32>
    %dot_general3A_421 = arith.constant dense<0.000000e+00> : vector<128x256xf32>
    %dot_general3A_422 = tpu.matmul %reshape3A_414, %get3A_420, %dot_general3A_421 {dimension_numbers = #tpu.dot_dimension_numbers<[1], [0], [0], [1], [0, 0, 1, 1], [], []>, transpose_lhs_hint = false} : vector<128x256xf32>, vector<256x256xf32>, vector<128x256xf32> -> vector<128x256xf32>
    %add3A_423 = arith.addf %dot_general3A_412, %dot_general3A_422 : vector<128x256xf32>
    %slice3A_424 = vector.extract_strided_slice %get3A_4 {offsets = [0, 1, 1, 0, 0], sizes = [2, 4, 4, 4, 256], strides = [1, 1, 1, 1, 1]} : vector<2x6x6x6x256xf32> to vector<2x4x4x4x256xf32>
    %reshape3A_425 = vector.shape_cast %slice3A_424 : vector<2x4x4x4x256xf32> to vector<128x256xf32>
    %get3A_426 = arith.constant 3 : index
    %get3A_427 = arith.constant 5 : index
    %get3A_428 = arith.constant 0 : index
    %get3A_429 = arith.constant 0 : index
    %get3A_430 = vector.load %arg2[%get3A_426, %get3A_427, %get3A_428, %get3A_429] : memref<8x8x256x256xf32, #tpu.memory_space<vmem>>, vector<1x1x256x256xf32>
    %get3A_431 = vector.shape_cast %get3A_430 : vector<1x1x256x256xf32> to vector<256x256xf32>
    %dot_general3A_432 = arith.constant dense<0.000000e+00> : vector<128x256xf32>
    %dot_general3A_433 = tpu.matmul %reshape3A_425, %get3A_431, %dot_general3A_432 {dimension_numbers = #tpu.dot_dimension_numbers<[1], [0], [0], [1], [0, 0, 1, 1], [], []>, transpose_lhs_hint = false} : vector<128x256xf32>, vector<256x256xf32>, vector<128x256xf32> -> vector<128x256xf32>
    %add3A_434 = arith.addf %add3A_423, %dot_general3A_433 : vector<128x256xf32>
    %slice3A_435 = vector.extract_strided_slice %get3A_4 {offsets = [0, 1, 1, 1, 0], sizes = [2, 4, 4, 4, 256], strides = [1, 1, 1, 1, 1]} : vector<2x6x6x6x256xf32> to vector<2x4x4x4x256xf32>
    %reshape3A_436 = vector.shape_cast %slice3A_435 : vector<2x4x4x4x256xf32> to vector<128x256xf32>
    %get3A_437 = arith.constant 3 : index
    %get3A_438 = arith.constant 4 : index
    %get3A_439 = arith.constant 0 : index
    %get3A_440 = arith.constant 0 : index
    %get3A_441 = vector.load %arg2[%get3A_437, %get3A_438, %get3A_439, %get3A_440] : memref<8x8x256x256xf32, #tpu.memory_space<vmem>>, vector<1x1x256x256xf32>
    %get3A_442 = vector.shape_cast %get3A_441 : vector<1x1x256x256xf32> to vector<256x256xf32>
    %dot_general3A_443 = arith.constant dense<0.000000e+00> : vector<128x256xf32>
    %dot_general3A_444 = tpu.matmul %reshape3A_436, %get3A_442, %dot_general3A_443 {dimension_numbers = #tpu.dot_dimension_numbers<[1], [0], [0], [1], [0, 0, 1, 1], [], []>, transpose_lhs_hint = false} : vector<128x256xf32>, vector<256x256xf32>, vector<128x256xf32> -> vector<128x256xf32>
    %add3A_445 = arith.addf %add3A_434, %dot_general3A_444 : vector<128x256xf32>
    %slice3A_446 = vector.extract_strided_slice %get3A_4 {offsets = [0, 2, 0, 0, 0], sizes = [2, 4, 4, 4, 256], strides = [1, 1, 1, 1, 1]} : vector<2x6x6x6x256xf32> to vector<2x4x4x4x256xf32>
    %reshape3A_447 = vector.shape_cast %slice3A_446 : vector<2x4x4x4x256xf32> to vector<128x256xf32>
    %get3A_448 = arith.constant 3 : index
    %get3A_449 = arith.constant 3 : index
    %get3A_450 = arith.constant 0 : index
    %get3A_451 = arith.constant 0 : index
    %get3A_452 = vector.load %arg2[%get3A_448, %get3A_449, %get3A_450, %get3A_451] : memref<8x8x256x256xf32, #tpu.memory_space<vmem>>, vector<1x1x256x256xf32>
    %get3A_453 = vector.shape_cast %get3A_452 : vector<1x1x256x256xf32> to vector<256x256xf32>
    %dot_general3A_454 = arith.constant dense<0.000000e+00> : vector<128x256xf32>
    %dot_general3A_455 = tpu.matmul %reshape3A_447, %get3A_453, %dot_general3A_454 {dimension_numbers = #tpu.dot_dimension_numbers<[1], [0], [0], [1], [0, 0, 1, 1], [], []>, transpose_lhs_hint = false} : vector<128x256xf32>, vector<256x256xf32>, vector<128x256xf32> -> vector<128x256xf32>
    %add3A_456 = arith.addf %add3A_445, %dot_general3A_455 : vector<128x256xf32>
    %slice3A_457 = vector.extract_strided_slice %get3A_4 {offsets = [0, 2, 0, 1, 0], sizes = [2, 4, 4, 4, 256], strides = [1, 1, 1, 1, 1]} : vector<2x6x6x6x256xf32> to vector<2x4x4x4x256xf32>
    %reshape3A_458 = vector.shape_cast %slice3A_457 : vector<2x4x4x4x256xf32> to vector<128x256xf32>
    %get3A_459 = arith.constant 3 : index
    %get3A_460 = arith.constant 2 : index
    %get3A_461 = arith.constant 0 : index
    %get3A_462 = arith.constant 0 : index
    %get3A_463 = vector.load %arg2[%get3A_459, %get3A_460, %get3A_461, %get3A_462] : memref<8x8x256x256xf32, #tpu.memory_space<vmem>>, vector<1x1x256x256xf32>
    %get3A_464 = vector.shape_cast %get3A_463 : vector<1x1x256x256xf32> to vector<256x256xf32>
    %dot_general3A_465 = arith.constant dense<0.000000e+00> : vector<128x256xf32>
    %dot_general3A_466 = tpu.matmul %reshape3A_458, %get3A_464, %dot_general3A_465 {dimension_numbers = #tpu.dot_dimension_numbers<[1], [0], [0], [1], [0, 0, 1, 1], [], []>, transpose_lhs_hint = false} : vector<128x256xf32>, vector<256x256xf32>, vector<128x256xf32> -> vector<128x256xf32>
    %add3A_467 = arith.addf %add3A_456, %dot_general3A_466 : vector<128x256xf32>
    %slice3A_468 = vector.extract_strided_slice %get3A_4 {offsets = [0, 2, 1, 0, 0], sizes = [2, 4, 4, 4, 256], strides = [1, 1, 1, 1, 1]} : vector<2x6x6x6x256xf32> to vector<2x4x4x4x256xf32>
    %reshape3A_469 = vector.shape_cast %slice3A_468 : vector<2x4x4x4x256xf32> to vector<128x256xf32>
    %get3A_470 = arith.constant 3 : index
    %get3A_471 = arith.constant 1 : index
    %get3A_472 = arith.constant 0 : index
    %get3A_473 = arith.constant 0 : index
    %get3A_474 = vector.load %arg2[%get3A_470, %get3A_471, %get3A_472, %get3A_473] : memref<8x8x256x256xf32, #tpu.memory_space<vmem>>, vector<1x1x256x256xf32>
    %get3A_475 = vector.shape_cast %get3A_474 : vector<1x1x256x256xf32> to vector<256x256xf32>
    %dot_general3A_476 = arith.constant dense<0.000000e+00> : vector<128x256xf32>
    %dot_general3A_477 = tpu.matmul %reshape3A_469, %get3A_475, %dot_general3A_476 {dimension_numbers = #tpu.dot_dimension_numbers<[1], [0], [0], [1], [0, 0, 1, 1], [], []>, transpose_lhs_hint = false} : vector<128x256xf32>, vector<256x256xf32>, vector<128x256xf32> -> vector<128x256xf32>
    %add3A_478 = arith.addf %add3A_467, %dot_general3A_477 : vector<128x256xf32>
    %slice3A_479 = vector.extract_strided_slice %get3A_4 {offsets = [0, 2, 1, 1, 0], sizes = [2, 4, 4, 4, 256], strides = [1, 1, 1, 1, 1]} : vector<2x6x6x6x256xf32> to vector<2x4x4x4x256xf32>
    %reshape3A_480 = vector.shape_cast %slice3A_479 : vector<2x4x4x4x256xf32> to vector<128x256xf32>
    %get3A_481 = arith.constant 3 : index
    %get3A_482 = arith.constant 0 : index
    %get3A_483 = arith.constant 0 : index
    %get3A_484 = arith.constant 0 : index
    %get3A_485 = vector.load %arg2[%get3A_481, %get3A_482, %get3A_483, %get3A_484] : memref<8x8x256x256xf32, #tpu.memory_space<vmem>>, vector<1x1x256x256xf32>
    %get3A_486 = vector.shape_cast %get3A_485 : vector<1x1x256x256xf32> to vector<256x256xf32>
    %dot_general3A_487 = arith.constant dense<0.000000e+00> : vector<128x256xf32>
    %dot_general3A_488 = tpu.matmul %reshape3A_480, %get3A_486, %dot_general3A_487 {dimension_numbers = #tpu.dot_dimension_numbers<[1], [0], [0], [1], [0, 0, 1, 1], [], []>, transpose_lhs_hint = false} : vector<128x256xf32>, vector<256x256xf32>, vector<128x256xf32> -> vector<128x256xf32>
    %add3A_489 = arith.addf %add3A_478, %dot_general3A_488 : vector<128x256xf32>
    %get3A_490 = arith.constant 0 : index
    %get3A_491 = arith.constant 0 : index
    %get3A_492 = vector.load %arg3[%get3A_490, %get3A_491] : memref<1x256xf32, #tpu.memory_space<vmem>>, vector<1x256xf32>
    %add3A_493 = vector.broadcast %get3A_492 : vector<1x256xf32> to vector<128x256xf32>
    %add3A_494 = arith.addf %add3A_489, %add3A_493 : vector<128x256xf32>
    %max3A_495 = arith.constant 0.000000e+00 : f32
    %max3A_496 = vector.broadcast %max3A_495 : f32 to vector<128x256xf32>
    %max3A_497 = arith.maximumf %add3A_494, %max3A_496 : vector<128x256xf32>
    %swap3A_498 = arith.constant 4 : index
    %swap3A_499 = arith.constant 0 : index
    %swap3A_500 = arith.constant 0 : index
    %swap3A_501 = vector.load %arg4[%swap3A_498, %swap3A_499, %swap3A_500] : memref<8x128x256xf32, #tpu.memory_space<vmem>>, vector<1x128x256xf32>
    %swap3A_502 = vector.shape_cast %swap3A_501 : vector<1x128x256xf32> to vector<128x256xf32>
    %swap3A_503 = vector.shape_cast %max3A_497 : vector<128x256xf32> to vector<1x128x256xf32>
    tpu.vector_store %arg4[%swap3A_498, %swap3A_499, %swap3A_500], %swap3A_503 {strides = array<i32>} : memref<8x128x256xf32, #tpu.memory_space<vmem>>, vector<1x128x256xf32>,
    %slice3A_504 = vector.extract_strided_slice %get3A_4 {offsets = [0, 1, 0, 1, 0], sizes = [2, 4, 4, 4, 256], strides = [1, 1, 1, 1, 1]} : vector<2x6x6x6x256xf32> to vector<2x4x4x4x256xf32>
    %reshape3A_505 = vector.shape_cast %slice3A_504 : vector<2x4x4x4x256xf32> to vector<128x256xf32>
    %get3A_506 = arith.constant 2 : index
    %get3A_507 = arith.constant 7 : index
    %get3A_508 = arith.constant 0 : index
    %get3A_509 = arith.constant 0 : index
    %get3A_510 = vector.load %arg2[%get3A_506, %get3A_507, %get3A_508, %get3A_509] : memref<8x8x256x256xf32, #tpu.memory_space<vmem>>, vector<1x1x256x256xf32>
    %get3A_511 = vector.shape_cast %get3A_510 : vector<1x1x256x256xf32> to vector<256x256xf32>
    %dot_general3A_512 = arith.constant dense<0.000000e+00> : vector<128x256xf32>
    %dot_general3A_513 = tpu.matmul %reshape3A_505, %get3A_511, %dot_general3A_512 {dimension_numbers = #tpu.dot_dimension_numbers<[1], [0], [0], [1], [0, 0, 1, 1], [], []>, transpose_lhs_hint = false} : vector<128x256xf32>, vector<256x256xf32>, vector<128x256xf32> -> vector<128x256xf32>
    %slice3A_514 = vector.extract_strided_slice %get3A_4 {offsets = [0, 1, 0, 2, 0], sizes = [2, 4, 4, 4, 256], strides = [1, 1, 1, 1, 1]} : vector<2x6x6x6x256xf32> to vector<2x4x4x4x256xf32>
    %reshape3A_515 = vector.shape_cast %slice3A_514 : vector<2x4x4x4x256xf32> to vector<128x256xf32>
    %get3A_516 = arith.constant 2 : index
    %get3A_517 = arith.constant 6 : index
    %get3A_518 = arith.constant 0 : index
    %get3A_519 = arith.constant 0 : index
    %get3A_520 = vector.load %arg2[%get3A_516, %get3A_517, %get3A_518, %get3A_519] : memref<8x8x256x256xf32, #tpu.memory_space<vmem>>, vector<1x1x256x256xf32>
    %get3A_521 = vector.shape_cast %get3A_520 : vector<1x1x256x256xf32> to vector<256x256xf32>
    %dot_general3A_522 = arith.constant dense<0.000000e+00> : vector<128x256xf32>
    %dot_general3A_523 = tpu.matmul %reshape3A_515, %get3A_521, %dot_general3A_522 {dimension_numbers = #tpu.dot_dimension_numbers<[1], [0], [0], [1], [0, 0, 1, 1], [], []>, transpose_lhs_hint = false} : vector<128x256xf32>, vector<256x256xf32>, vector<128x256xf32> -> vector<128x256xf32>
    %add3A_524 = arith.addf %dot_general3A_513, %dot_general3A_523 : vector<128x256xf32>
    %slice3A_525 = vector.extract_strided_slice %get3A_4 {offsets = [0, 1, 1, 1, 0], sizes = [2, 4, 4, 4, 256], strides = [1, 1, 1, 1, 1]} : vector<2x6x6x6x256xf32> to vector<2x4x4x4x256xf32>
    %reshape3A_526 = vector.shape_cast %slice3A_525 : vector<2x4x4x4x256xf32> to vector<128x256xf32>
    %get3A_527 = arith.constant 2 : index
    %get3A_528 = arith.constant 5 : index
    %get3A_529 = arith.constant 0 : index
    %get3A_530 = arith.constant 0 : index
    %get3A_531 = vector.load %arg2[%get3A_527, %get3A_528, %get3A_529, %get3A_530] : memref<8x8x256x256xf32, #tpu.memory_space<vmem>>, vector<1x1x256x256xf32>
    %get3A_532 = vector.shape_cast %get3A_531 : vector<1x1x256x256xf32> to vector<256x256xf32>
    %dot_general3A_533 = arith.constant dense<0.000000e+00> : vector<128x256xf32>
    %dot_general3A_534 = tpu.matmul %reshape3A_526, %get3A_532, %dot_general3A_533 {dimension_numbers = #tpu.dot_dimension_numbers<[1], [0], [0], [1], [0, 0, 1, 1], [], []>, transpose_lhs_hint = false} : vector<128x256xf32>, vector<256x256xf32>, vector<128x256xf32> -> vector<128x256xf32>
    %add3A_535 = arith.addf %add3A_524, %dot_general3A_534 : vector<128x256xf32>
    %slice3A_536 = vector.extract_strided_slice %get3A_4 {offsets = [0, 1, 1, 2, 0], sizes = [2, 4, 4, 4, 256], strides = [1, 1, 1, 1, 1]} : vector<2x6x6x6x256xf32> to vector<2x4x4x4x256xf32>
    %reshape3A_537 = vector.shape_cast %slice3A_536 : vector<2x4x4x4x256xf32> to vector<128x256xf32>
    %get3A_538 = arith.constant 2 : index
    %get3A_539 = arith.constant 4 : index
    %get3A_540 = arith.constant 0 : index
    %get3A_541 = arith.constant 0 : index
    %get3A_542 = vector.load %arg2[%get3A_538, %get3A_539, %get3A_540, %get3A_541] : memref<8x8x256x256xf32, #tpu.memory_space<vmem>>, vector<1x1x256x256xf32>
    %get3A_543 = vector.shape_cast %get3A_542 : vector<1x1x256x256xf32> to vector<256x256xf32>
    %dot_general3A_544 = arith.constant dense<0.000000e+00> : vector<128x256xf32>
    %dot_general3A_545 = tpu.matmul %reshape3A_537, %get3A_543, %dot_general3A_544 {dimension_numbers = #tpu.dot_dimension_numbers<[1], [0], [0], [1], [0, 0, 1, 1], [], []>, transpose_lhs_hint = false} : vector<128x256xf32>, vector<256x256xf32>, vector<128x256xf32> -> vector<128x256xf32>
    %add3A_546 = arith.addf %add3A_535, %dot_general3A_545 : vector<128x256xf32>
    %slice3A_547 = vector.extract_strided_slice %get3A_4 {offsets = [0, 2, 0, 1, 0], sizes = [2, 4, 4, 4, 256], strides = [1, 1, 1, 1, 1]} : vector<2x6x6x6x256xf32> to vector<2x4x4x4x256xf32>
    %reshape3A_548 = vector.shape_cast %slice3A_547 : vector<2x4x4x4x256xf32> to vector<128x256xf32>
    %get3A_549 = arith.constant 2 : index
    %get3A_550 = arith.constant 3 : index
    %get3A_551 = arith.constant 0 : index
    %get3A_552 = arith.constant 0 : index
    %get3A_553 = vector.load %arg2[%get3A_549, %get3A_550, %get3A_551, %get3A_552] : memref<8x8x256x256xf32, #tpu.memory_space<vmem>>, vector<1x1x256x256xf32>
    %get3A_554 = vector.shape_cast %get3A_553 : vector<1x1x256x256xf32> to vector<256x256xf32>
    %dot_general3A_555 = arith.constant dense<0.000000e+00> : vector<128x256xf32>
    %dot_general3A_556 = tpu.matmul %reshape3A_548, %get3A_554, %dot_general3A_555 {dimension_numbers = #tpu.dot_dimension_numbers<[1], [0], [0], [1], [0, 0, 1, 1], [], []>, transpose_lhs_hint = false} : vector<128x256xf32>, vector<256x256xf32>, vector<128x256xf32> -> vector<128x256xf32>
    %add3A_557 = arith.addf %add3A_546, %dot_general3A_556 : vector<128x256xf32>
    %slice3A_558 = vector.extract_strided_slice %get3A_4 {offsets = [0, 2, 0, 2, 0], sizes = [2, 4, 4, 4, 256], strides = [1, 1, 1, 1, 1]} : vector<2x6x6x6x256xf32> to vector<2x4x4x4x256xf32>
    %reshape3A_559 = vector.shape_cast %slice3A_558 : vector<2x4x4x4x256xf32> to vector<128x256xf32>
    %get3A_560 = arith.constant 2 : index
    %get3A_561 = arith.constant 2 : index
    %get3A_562 = arith.constant 0 : index
    %get3A_563 = arith.constant 0 : index
    %get3A_564 = vector.load %arg2[%get3A_560, %get3A_561, %get3A_562, %get3A_563] : memref<8x8x256x256xf32, #tpu.memory_space<vmem>>, vector<1x1x256x256xf32>
    %get3A_565 = vector.shape_cast %get3A_564 : vector<1x1x256x256xf32> to vector<256x256xf32>
    %dot_general3A_566 = arith.constant dense<0.000000e+00> : vector<128x256xf32>
    %dot_general3A_567 = tpu.matmul %reshape3A_559, %get3A_565, %dot_general3A_566 {dimension_numbers = #tpu.dot_dimension_numbers<[1], [0], [0], [1], [0, 0, 1, 1], [], []>, transpose_lhs_hint = false} : vector<128x256xf32>, vector<256x256xf32>, vector<128x256xf32> -> vector<128x256xf32>
    %add3A_568 = arith.addf %add3A_557, %dot_general3A_567 : vector<128x256xf32>
    %slice3A_569 = vector.extract_strided_slice %get3A_4 {offsets = [0, 2, 1, 1, 0], sizes = [2, 4, 4, 4, 256], strides = [1, 1, 1, 1, 1]} : vector<2x6x6x6x256xf32> to vector<2x4x4x4x256xf32>
    %reshape3A_570 = vector.shape_cast %slice3A_569 : vector<2x4x4x4x256xf32> to vector<128x256xf32>
    %get3A_571 = arith.constant 2 : index
    %get3A_572 = arith.constant 1 : index
    %get3A_573 = arith.constant 0 : index
    %get3A_574 = arith.constant 0 : index
    %get3A_575 = vector.load %arg2[%get3A_571, %get3A_572, %get3A_573, %get3A_574] : memref<8x8x256x256xf32, #tpu.memory_space<vmem>>, vector<1x1x256x256xf32>
    %get3A_576 = vector.shape_cast %get3A_575 : vector<1x1x256x256xf32> to vector<256x256xf32>
    %dot_general3A_577 = arith.constant dense<0.000000e+00> : vector<128x256xf32>
    %dot_general3A_578 = tpu.matmul %reshape3A_570, %get3A_576, %dot_general3A_577 {dimension_numbers = #tpu.dot_dimension_numbers<[1], [0], [0], [1], [0, 0, 1, 1], [], []>, transpose_lhs_hint = false} : vector<128x256xf32>, vector<256x256xf32>, vector<128x256xf32> -> vector<128x256xf32>
    %add3A_579 = arith.addf %add3A_568, %dot_general3A_578 : vector<128x256xf32>
    %slice3A_580 = vector.extract_strided_slice %get3A_4 {offsets = [0, 2, 1, 2, 0], sizes = [2, 4, 4, 4, 256], strides = [1, 1, 1, 1, 1]} : vector<2x6x6x6x256xf32> to vector<2x4x4x4x256xf32>
    %reshape3A_581 = vector.shape_cast %slice3A_580 : vector<2x4x4x4x256xf32> to vector<128x256xf32>
    %get3A_582 = arith.constant 2 : index
    %get3A_583 = arith.constant 0 : index
    %get3A_584 = arith.constant 0 : index
    %get3A_585 = arith.constant 0 : index
    %get3A_586 = vector.load %arg2[%get3A_582, %get3A_583, %get3A_584, %get3A_585] : memref<8x8x256x256xf32, #tpu.memory_space<vmem>>, vector<1x1x256x256xf32>
    %get3A_587 = vector.shape_cast %get3A_586 : vector<1x1x256x256xf32> to vector<256x256xf32>
    %dot_general3A_588 = arith.constant dense<0.000000e+00> : vector<128x256xf32>
    %dot_general3A_589 = tpu.matmul %reshape3A_581, %get3A_587, %dot_general3A_588 {dimension_numbers = #tpu.dot_dimension_numbers<[1], [0], [0], [1], [0, 0, 1, 1], [], []>, transpose_lhs_hint = false} : vector<128x256xf32>, vector<256x256xf32>, vector<128x256xf32> -> vector<128x256xf32>
    %add3A_590 = arith.addf %add3A_579, %dot_general3A_589 : vector<128x256xf32>
    %get3A_591 = arith.constant 0 : index
    %get3A_592 = arith.constant 0 : index
    %get3A_593 = vector.load %arg3[%get3A_591, %get3A_592] : memref<1x256xf32, #tpu.memory_space<vmem>>, vector<1x256xf32>
    %add3A_594 = vector.broadcast %get3A_593 : vector<1x256xf32> to vector<128x256xf32>
    %add3A_595 = arith.addf %add3A_590, %add3A_594 : vector<128x256xf32>
    %max3A_596 = arith.constant 0.000000e+00 : f32
    %max3A_597 = vector.broadcast %max3A_596 : f32 to vector<128x256xf32>
    %max3A_598 = arith.maximumf %add3A_595, %max3A_597 : vector<128x256xf32>
    %swap3A_599 = arith.constant 5 : index
    %swap3A_600 = arith.constant 0 : index
    %swap3A_601 = arith.constant 0 : index
    %swap3A_602 = vector.load %arg4[%swap3A_599, %swap3A_600, %swap3A_601] : memref<8x128x256xf32, #tpu.memory_space<vmem>>, vector<1x128x256xf32>
    %swap3A_603 = vector.shape_cast %swap3A_602 : vector<1x128x256xf32> to vector<128x256xf32>
    %swap3A_604 = vector.shape_cast %max3A_598 : vector<128x256xf32> to vector<1x128x256xf32>
    tpu.vector_store %arg4[%swap3A_599, %swap3A_600, %swap3A_601], %swap3A_604 {strides = array<i32>} : memref<8x128x256xf32, #tpu.memory_space<vmem>>, vector<1x128x256xf32>,
    %slice3A_605 = vector.extract_strided_slice %get3A_4 {offsets = [0, 1, 1, 0, 0], sizes = [2, 4, 4, 4, 256], strides = [1, 1, 1, 1, 1]} : vector<2x6x6x6x256xf32> to vector<2x4x4x4x256xf32>
    %reshape3A_606 = vector.shape_cast %slice3A_605 : vector<2x4x4x4x256xf32> to vector<128x256xf32>
    %get3A_607 = arith.constant 1 : index
    %get3A_608 = arith.constant 7 : index
    %get3A_609 = arith.constant 0 : index
    %get3A_610 = arith.constant 0 : index
    %get3A_611 = vector.load %arg2[%get3A_607, %get3A_608, %get3A_609, %get3A_610] : memref<8x8x256x256xf32, #tpu.memory_space<vmem>>, vector<1x1x256x256xf32>
    %get3A_612 = vector.shape_cast %get3A_611 : vector<1x1x256x256xf32> to vector<256x256xf32>
    %dot_general3A_613 = arith.constant dense<0.000000e+00> : vector<128x256xf32>
    %dot_general3A_614 = tpu.matmul %reshape3A_606, %get3A_612, %dot_general3A_613 {dimension_numbers = #tpu.dot_dimension_numbers<[1], [0], [0], [1], [0, 0, 1, 1], [], []>, transpose_lhs_hint = false} : vector<128x256xf32>, vector<256x256xf32>, vector<128x256xf32> -> vector<128x256xf32>
    %slice3A_615 = vector.extract_strided_slice %get3A_4 {offsets = [0, 1, 1, 1, 0], sizes = [2, 4, 4, 4, 256], strides = [1, 1, 1, 1, 1]} : vector<2x6x6x6x256xf32> to vector<2x4x4x4x256xf32>
    %reshape3A_616 = vector.shape_cast %slice3A_615 : vector<2x4x4x4x256xf32> to vector<128x256xf32>
    %get3A_617 = arith.constant 1 : index
    %get3A_618 = arith.constant 6 : index
    %get3A_619 = arith.constant 0 : index
    %get3A_620 = arith.constant 0 : index
    %get3A_621 = vector.load %arg2[%get3A_617, %get3A_618, %get3A_619, %get3A_620] : memref<8x8x256x256xf32, #tpu.memory_space<vmem>>, vector<1x1x256x256xf32>
    %get3A_622 = vector.shape_cast %get3A_621 : vector<1x1x256x256xf32> to vector<256x256xf32>
    %dot_general3A_623 = arith.constant dense<0.000000e+00> : vector<128x256xf32>
    %dot_general3A_624 = tpu.matmul %reshape3A_616, %get3A_622, %dot_general3A_623 {dimension_numbers = #tpu.dot_dimension_numbers<[1], [0], [0], [1], [0, 0, 1, 1], [], []>, transpose_lhs_hint = false} : vector<128x256xf32>, vector<256x256xf32>, vector<128x256xf32> -> vector<128x256xf32>
    %add3A_625 = arith.addf %dot_general3A_614, %dot_general3A_624 : vector<128x256xf32>
    %slice3A_626 = vector.extract_strided_slice %get3A_4 {offsets = [0, 1, 2, 0, 0], sizes = [2, 4, 4, 4, 256], strides = [1, 1, 1, 1, 1]} : vector<2x6x6x6x256xf32> to vector<2x4x4x4x256xf32>
    %reshape3A_627 = vector.shape_cast %slice3A_626 : vector<2x4x4x4x256xf32> to vector<128x256xf32>
    %get3A_628 = arith.constant 1 : index
    %get3A_629 = arith.constant 5 : index
    %get3A_630 = arith.constant 0 : index
    %get3A_631 = arith.constant 0 : index
    %get3A_632 = vector.load %arg2[%get3A_628, %get3A_629, %get3A_630, %get3A_631] : memref<8x8x256x256xf32, #tpu.memory_space<vmem>>, vector<1x1x256x256xf32>
    %get3A_633 = vector.shape_cast %get3A_632 : vector<1x1x256x256xf32> to vector<256x256xf32>
    %dot_general3A_634 = arith.constant dense<0.000000e+00> : vector<128x256xf32>
    %dot_general3A_635 = tpu.matmul %reshape3A_627, %get3A_633, %dot_general3A_634 {dimension_numbers = #tpu.dot_dimension_numbers<[1], [0], [0], [1], [0, 0, 1, 1], [], []>, transpose_lhs_hint = false} : vector<128x256xf32>, vector<256x256xf32>, vector<128x256xf32> -> vector<128x256xf32>
    %add3A_636 = arith.addf %add3A_625, %dot_general3A_635 : vector<128x256xf32>
    %slice3A_637 = vector.extract_strided_slice %get3A_4 {offsets = [0, 1, 2, 1, 0], sizes = [2, 4, 4, 4, 256], strides = [1, 1, 1, 1, 1]} : vector<2x6x6x6x256xf32> to vector<2x4x4x4x256xf32>
    %reshape3A_638 = vector.shape_cast %slice3A_637 : vector<2x4x4x4x256xf32> to vector<128x256xf32>
    %get3A_639 = arith.constant 1 : index
    %get3A_640 = arith.constant 4 : index
    %get3A_641 = arith.constant 0 : index
    %get3A_642 = arith.constant 0 : index
    %get3A_643 = vector.load %arg2[%get3A_639, %get3A_640, %get3A_641, %get3A_642] : memref<8x8x256x256xf32, #tpu.memory_space<vmem>>, vector<1x1x256x256xf32>
    %get3A_644 = vector.shape_cast %get3A_643 : vector<1x1x256x256xf32> to vector<256x256xf32>
    %dot_general3A_645 = arith.constant dense<0.000000e+00> : vector<128x256xf32>
    %dot_general3A_646 = tpu.matmul %reshape3A_638, %get3A_644, %dot_general3A_645 {dimension_numbers = #tpu.dot_dimension_numbers<[1], [0], [0], [1], [0, 0, 1, 1], [], []>, transpose_lhs_hint = false} : vector<128x256xf32>, vector<256x256xf32>, vector<128x256xf32> -> vector<128x256xf32>
    %add3A_647 = arith.addf %add3A_636, %dot_general3A_646 : vector<128x256xf32>
    %slice3A_648 = vector.extract_strided_slice %get3A_4 {offsets = [0, 2, 1, 0, 0], sizes = [2, 4, 4, 4, 256], strides = [1, 1, 1, 1, 1]} : vector<2x6x6x6x256xf32> to vector<2x4x4x4x256xf32>
    %reshape3A_649 = vector.shape_cast %slice3A_648 : vector<2x4x4x4x256xf32> to vector<128x256xf32>
    %get3A_650 = arith.constant 1 : index
    %get3A_651 = arith.constant 3 : index
    %get3A_652 = arith.constant 0 : index
    %get3A_653 = arith.constant 0 : index
    %get3A_654 = vector.load %arg2[%get3A_650, %get3A_651, %get3A_652, %get3A_653] : memref<8x8x256x256xf32, #tpu.memory_space<vmem>>, vector<1x1x256x256xf32>
    %get3A_655 = vector.shape_cast %get3A_654 : vector<1x1x256x256xf32> to vector<256x256xf32>
    %dot_general3A_656 = arith.constant dense<0.000000e+00> : vector<128x256xf32>
    %dot_general3A_657 = tpu.matmul %reshape3A_649, %get3A_655, %dot_general3A_656 {dimension_numbers = #tpu.dot_dimension_numbers<[1], [0], [0], [1], [0, 0, 1, 1], [], []>, transpose_lhs_hint = false} : vector<128x256xf32>, vector<256x256xf32>, vector<128x256xf32> -> vector<128x256xf32>
    %add3A_658 = arith.addf %add3A_647, %dot_general3A_657 : vector<128x256xf32>
    %slice3A_659 = vector.extract_strided_slice %get3A_4 {offsets = [0, 2, 1, 1, 0], sizes = [2, 4, 4, 4, 256], strides = [1, 1, 1, 1, 1]} : vector<2x6x6x6x256xf32> to vector<2x4x4x4x256xf32>
    %reshape3A_660 = vector.shape_cast %slice3A_659 : vector<2x4x4x4x256xf32> to vector<128x256xf32>
    %get3A_661 = arith.constant 1 : index
    %get3A_662 = arith.constant 2 : index
    %get3A_663 = arith.constant 0 : index
    %get3A_664 = arith.constant 0 : index
    %get3A_665 = vector.load %arg2[%get3A_661, %get3A_662, %get3A_663, %get3A_664] : memref<8x8x256x256xf32, #tpu.memory_space<vmem>>, vector<1x1x256x256xf32>
    %get3A_666 = vector.shape_cast %get3A_665 : vector<1x1x256x256xf32> to vector<256x256xf32>
    %dot_general3A_667 = arith.constant dense<0.000000e+00> : vector<128x256xf32>
    %dot_general3A_668 = tpu.matmul %reshape3A_660, %get3A_666, %dot_general3A_667 {dimension_numbers = #tpu.dot_dimension_numbers<[1], [0], [0], [1], [0, 0, 1, 1], [], []>, transpose_lhs_hint = false} : vector<128x256xf32>, vector<256x256xf32>, vector<128x256xf32> -> vector<128x256xf32>
    %add3A_669 = arith.addf %add3A_658, %dot_general3A_668 : vector<128x256xf32>
    %slice3A_670 = vector.extract_strided_slice %get3A_4 {offsets = [0, 2, 2, 0, 0], sizes = [2, 4, 4, 4, 256], strides = [1, 1, 1, 1, 1]} : vector<2x6x6x6x256xf32> to vector<2x4x4x4x256xf32>
    %reshape3A_671 = vector.shape_cast %slice3A_670 : vector<2x4x4x4x256xf32> to vector<128x256xf32>
    %get3A_672 = arith.constant 1 : index
    %get3A_673 = arith.constant 1 : index
    %get3A_674 = arith.constant 0 : index
    %get3A_675 = arith.constant 0 : index
    %get3A_676 = vector.load %arg2[%get3A_672, %get3A_673, %get3A_674, %get3A_675] : memref<8x8x256x256xf32, #tpu.memory_space<vmem>>, vector<1x1x256x256xf32>
    %get3A_677 = vector.shape_cast %get3A_676 : vector<1x1x256x256xf32> to vector<256x256xf32>
    %dot_general3A_678 = arith.constant dense<0.000000e+00> : vector<128x256xf32>
    %dot_general3A_679 = tpu.matmul %reshape3A_671, %get3A_677, %dot_general3A_678 {dimension_numbers = #tpu.dot_dimension_numbers<[1], [0], [0], [1], [0, 0, 1, 1], [], []>, transpose_lhs_hint = false} : vector<128x256xf32>, vector<256x256xf32>, vector<128x256xf32> -> vector<128x256xf32>
    %add3A_680 = arith.addf %add3A_669, %dot_general3A_679 : vector<128x256xf32>
    %slice3A_681 = vector.extract_strided_slice %get3A_4 {offsets = [0, 2, 2, 1, 0], sizes = [2, 4, 4, 4, 256], strides = [1, 1, 1, 1, 1]} : vector<2x6x6x6x256xf32> to vector<2x4x4x4x256xf32>
    %reshape3A_682 = vector.shape_cast %slice3A_681 : vector<2x4x4x4x256xf32> to vector<128x256xf32>
    %get3A_683 = arith.constant 1 : index
    %get3A_684 = arith.constant 0 : index
    %get3A_685 = arith.constant 0 : index
    %get3A_686 = arith.constant 0 : index
    %get3A_687 = vector.load %arg2[%get3A_683, %get3A_684, %get3A_685, %get3A_686] : memref<8x8x256x256xf32, #tpu.memory_space<vmem>>, vector<1x1x256x256xf32>
    %get3A_688 = vector.shape_cast %get3A_687 : vector<1x1x256x256xf32> to vector<256x256xf32>
    %dot_general3A_689 = arith.constant dense<0.000000e+00> : vector<128x256xf32>
    %dot_general3A_690 = tpu.matmul %reshape3A_682, %get3A_688, %dot_general3A_689 {dimension_numbers = #tpu.dot_dimension_numbers<[1], [0], [0], [1], [0, 0, 1, 1], [], []>, transpose_lhs_hint = false} : vector<128x256xf32>, vector<256x256xf32>, vector<128x256xf32> -> vector<128x256xf32>
    %add3A_691 = arith.addf %add3A_680, %dot_general3A_690 : vector<128x256xf32>
    %get3A_692 = arith.constant 0 : index
    %get3A_693 = arith.constant 0 : index
    %get3A_694 = vector.load %arg3[%get3A_692, %get3A_693] : memref<1x256xf32, #tpu.memory_space<vmem>>, vector<1x256xf32>
    %add3A_695 = vector.broadcast %get3A_694 : vector<1x256xf32> to vector<128x256xf32>
    %add3A_696 = arith.addf %add3A_691, %add3A_695 : vector<128x256xf32>
    %max3A_697 = arith.constant 0.000000e+00 : f32
    %max3A_698 = vector.broadcast %max3A_697 : f32 to vector<128x256xf32>
    %max3A_699 = arith.maximumf %add3A_696, %max3A_698 : vector<128x256xf32>
    %swap3A_700 = arith.constant 6 : index
    %swap3A_701 = arith.constant 0 : index
    %swap3A_702 = arith.constant 0 : index
    %swap3A_703 = vector.load %arg4[%swap3A_700, %swap3A_701, %swap3A_702] : memref<8x128x256xf32, #tpu.memory_space<vmem>>, vector<1x128x256xf32>
    %swap3A_704 = vector.shape_cast %swap3A_703 : vector<1x128x256xf32> to vector<128x256xf32>
    %swap3A_705 = vector.shape_cast %max3A_699 : vector<128x256xf32> to vector<1x128x256xf32>
    tpu.vector_store %arg4[%swap3A_700, %swap3A_701, %swap3A_702], %swap3A_705 {strides = array<i32>} : memref<8x128x256xf32, #tpu.memory_space<vmem>>, vector<1x128x256xf32>,
    %slice3A_706 = vector.extract_strided_slice %get3A_4 {offsets = [0, 1, 1, 1, 0], sizes = [2, 4, 4, 4, 256], strides = [1, 1, 1, 1, 1]} : vector<2x6x6x6x256xf32> to vector<2x4x4x4x256xf32>
    %reshape3A_707 = vector.shape_cast %slice3A_706 : vector<2x4x4x4x256xf32> to vector<128x256xf32>
    %get3A_708 = arith.constant 0 : index
    %get3A_709 = arith.constant 7 : index
    %get3A_710 = arith.constant 0 : index
    %get3A_711 = arith.constant 0 : index
    %get3A_712 = vector.load %arg2[%get3A_708, %get3A_709, %get3A_710, %get3A_711] : memref<8x8x256x256xf32, #tpu.memory_space<vmem>>, vector<1x1x256x256xf32>
    %get3A_713 = vector.shape_cast %get3A_712 : vector<1x1x256x256xf32> to vector<256x256xf32>
    %dot_general3A_714 = arith.constant dense<0.000000e+00> : vector<128x256xf32>
    %dot_general3A_715 = tpu.matmul %reshape3A_707, %get3A_713, %dot_general3A_714 {dimension_numbers = #tpu.dot_dimension_numbers<[1], [0], [0], [1], [0, 0, 1, 1], [], []>, transpose_lhs_hint = false} : vector<128x256xf32>, vector<256x256xf32>, vector<128x256xf32> -> vector<128x256xf32>
    %slice3A_716 = vector.extract_strided_slice %get3A_4 {offsets = [0, 1, 1, 2, 0], sizes = [2, 4, 4, 4, 256], strides = [1, 1, 1, 1, 1]} : vector<2x6x6x6x256xf32> to vector<2x4x4x4x256xf32>
    %reshape3A_717 = vector.shape_cast %slice3A_716 : vector<2x4x4x4x256xf32> to vector<128x256xf32>
    %get3A_718 = arith.constant 0 : index
    %get3A_719 = arith.constant 6 : index
    %get3A_720 = arith.constant 0 : index
    %get3A_721 = arith.constant 0 : index
    %get3A_722 = vector.load %arg2[%get3A_718, %get3A_719, %get3A_720, %get3A_721] : memref<8x8x256x256xf32, #tpu.memory_space<vmem>>, vector<1x1x256x256xf32>
    %get3A_723 = vector.shape_cast %get3A_722 : vector<1x1x256x256xf32> to vector<256x256xf32>
    %dot_general3A_724 = arith.constant dense<0.000000e+00> : vector<128x256xf32>
    %dot_general3A_725 = tpu.matmul %reshape3A_717, %get3A_723, %dot_general3A_724 {dimension_numbers = #tpu.dot_dimension_numbers<[1], [0], [0], [1], [0, 0, 1, 1], [], []>, transpose_lhs_hint = false} : vector<128x256xf32>, vector<256x256xf32>, vector<128x256xf32> -> vector<128x256xf32>
    %add3A_726 = arith.addf %dot_general3A_715, %dot_general3A_725 : vector<128x256xf32>
    %slice3A_727 = vector.extract_strided_slice %get3A_4 {offsets = [0, 1, 2, 1, 0], sizes = [2, 4, 4, 4, 256], strides = [1, 1, 1, 1, 1]} : vector<2x6x6x6x256xf32> to vector<2x4x4x4x256xf32>
    %reshape3A_728 = vector.shape_cast %slice3A_727 : vector<2x4x4x4x256xf32> to vector<128x256xf32>
    %get3A_729 = arith.constant 0 : index
    %get3A_730 = arith.constant 5 : index
    %get3A_731 = arith.constant 0 : index
    %get3A_732 = arith.constant 0 : index
    %get3A_733 = vector.load %arg2[%get3A_729, %get3A_730, %get3A_731, %get3A_732] : memref<8x8x256x256xf32, #tpu.memory_space<vmem>>, vector<1x1x256x256xf32>
    %get3A_734 = vector.shape_cast %get3A_733 : vector<1x1x256x256xf32> to vector<256x256xf32>
    %dot_general3A_735 = arith.constant dense<0.000000e+00> : vector<128x256xf32>
    %dot_general3A_736 = tpu.matmul %reshape3A_728, %get3A_734, %dot_general3A_735 {dimension_numbers = #tpu.dot_dimension_numbers<[1], [0], [0], [1], [0, 0, 1, 1], [], []>, transpose_lhs_hint = false} : vector<128x256xf32>, vector<256x256xf32>, vector<128x256xf32> -> vector<128x256xf32>
    %add3A_737 = arith.addf %add3A_726, %dot_general3A_736 : vector<128x256xf32>
    %slice3A_738 = vector.extract_strided_slice %get3A_4 {offsets = [0, 1, 2, 2, 0], sizes = [2, 4, 4, 4, 256], strides = [1, 1, 1, 1, 1]} : vector<2x6x6x6x256xf32> to vector<2x4x4x4x256xf32>
    %reshape3A_739 = vector.shape_cast %slice3A_738 : vector<2x4x4x4x256xf32> to vector<128x256xf32>
    %get3A_740 = arith.constant 0 : index
    %get3A_741 = arith.constant 4 : index
    %get3A_742 = arith.constant 0 : index
    %get3A_743 = arith.constant 0 : index
    %get3A_744 = vector.load %arg2[%get3A_740, %get3A_741, %get3A_742, %get3A_743] : memref<8x8x256x256xf32, #tpu.memory_space<vmem>>, vector<1x1x256x256xf32>
    %get3A_745 = vector.shape_cast %get3A_744 : vector<1x1x256x256xf32> to vector<256x256xf32>
    %dot_general3A_746 = arith.constant dense<0.000000e+00> : vector<128x256xf32>
    %dot_general3A_747 = tpu.matmul %reshape3A_739, %get3A_745, %dot_general3A_746 {dimension_numbers = #tpu.dot_dimension_numbers<[1], [0], [0], [1], [0, 0, 1, 1], [], []>, transpose_lhs_hint = false} : vector<128x256xf32>, vector<256x256xf32>, vector<128x256xf32> -> vector<128x256xf32>
    %add3A_748 = arith.addf %add3A_737, %dot_general3A_747 : vector<128x256xf32>
    %slice3A_749 = vector.extract_strided_slice %get3A_4 {offsets = [0, 2, 1, 1, 0], sizes = [2, 4, 4, 4, 256], strides = [1, 1, 1, 1, 1]} : vector<2x6x6x6x256xf32> to vector<2x4x4x4x256xf32>
    %reshape3A_750 = vector.shape_cast %slice3A_749 : vector<2x4x4x4x256xf32> to vector<128x256xf32>
    %get3A_751 = arith.constant 0 : index
    %get3A_752 = arith.constant 3 : index
    %get3A_753 = arith.constant 0 : index
    %get3A_754 = arith.constant 0 : index
    %get3A_755 = vector.load %arg2[%get3A_751, %get3A_752, %get3A_753, %get3A_754] : memref<8x8x256x256xf32, #tpu.memory_space<vmem>>, vector<1x1x256x256xf32>
    %get3A_756 = vector.shape_cast %get3A_755 : vector<1x1x256x256xf32> to vector<256x256xf32>
    %dot_general3A_757 = arith.constant dense<0.000000e+00> : vector<128x256xf32>
    %dot_general3A_758 = tpu.matmul %reshape3A_750, %get3A_756, %dot_general3A_757 {dimension_numbers = #tpu.dot_dimension_numbers<[1], [0], [0], [1], [0, 0, 1, 1], [], []>, transpose_lhs_hint = false} : vector<128x256xf32>, vector<256x256xf32>, vector<128x256xf32> -> vector<128x256xf32>
    %add3A_759 = arith.addf %add3A_748, %dot_general3A_758 : vector<128x256xf32>
    %slice3A_760 = vector.extract_strided_slice %get3A_4 {offsets = [0, 2, 1, 2, 0], sizes = [2, 4, 4, 4, 256], strides = [1, 1, 1, 1, 1]} : vector<2x6x6x6x256xf32> to vector<2x4x4x4x256xf32>
    %reshape3A_761 = vector.shape_cast %slice3A_760 : vector<2x4x4x4x256xf32> to vector<128x256xf32>
    %get3A_762 = arith.constant 0 : index
    %get3A_763 = arith.constant 2 : index
    %get3A_764 = arith.constant 0 : index
    %get3A_765 = arith.constant 0 : index
    %get3A_766 = vector.load %arg2[%get3A_762, %get3A_763, %get3A_764, %get3A_765] : memref<8x8x256x256xf32, #tpu.memory_space<vmem>>, vector<1x1x256x256xf32>
    %get3A_767 = vector.shape_cast %get3A_766 : vector<1x1x256x256xf32> to vector<256x256xf32>
    %dot_general3A_768 = arith.constant dense<0.000000e+00> : vector<128x256xf32>
    %dot_general3A_769 = tpu.matmul %reshape3A_761, %get3A_767, %dot_general3A_768 {dimension_numbers = #tpu.dot_dimension_numbers<[1], [0], [0], [1], [0, 0, 1, 1], [], []>, transpose_lhs_hint = false} : vector<128x256xf32>, vector<256x256xf32>, vector<128x256xf32> -> vector<128x256xf32>
    %add3A_770 = arith.addf %add3A_759, %dot_general3A_769 : vector<128x256xf32>
    %slice3A_771 = vector.extract_strided_slice %get3A_4 {offsets = [0, 2, 2, 1, 0], sizes = [2, 4, 4, 4, 256], strides = [1, 1, 1, 1, 1]} : vector<2x6x6x6x256xf32> to vector<2x4x4x4x256xf32>
    %reshape3A_772 = vector.shape_cast %slice3A_771 : vector<2x4x4x4x256xf32> to vector<128x256xf32>
    %get3A_773 = arith.constant 0 : index
    %get3A_774 = arith.constant 1 : index
    %get3A_775 = arith.constant 0 : index
    %get3A_776 = arith.constant 0 : index
    %get3A_777 = vector.load %arg2[%get3A_773, %get3A_774, %get3A_775, %get3A_776] : memref<8x8x256x256xf32, #tpu.memory_space<vmem>>, vector<1x1x256x256xf32>
    %get3A_778 = vector.shape_cast %get3A_777 : vector<1x1x256x256xf32> to vector<256x256xf32>
    %dot_general3A_779 = arith.constant dense<0.000000e+00> : vector<128x256xf32>
    %dot_general3A_780 = tpu.matmul %reshape3A_772, %get3A_778, %dot_general3A_779 {dimension_numbers = #tpu.dot_dimension_numbers<[1], [0], [0], [1], [0, 0, 1, 1], [], []>, transpose_lhs_hint = false} : vector<128x256xf32>, vector<256x256xf32>, vector<128x256xf32> -> vector<128x256xf32>
    %add3A_781 = arith.addf %add3A_770, %dot_general3A_780 : vector<128x256xf32>
    %slice3A_782 = vector.extract_strided_slice %get3A_4 {offsets = [0, 2, 2, 2, 0], sizes = [2, 4, 4, 4, 256], strides = [1, 1, 1, 1, 1]} : vector<2x6x6x6x256xf32> to vector<2x4x4x4x256xf32>
    %reshape3A_783 = vector.shape_cast %slice3A_782 : vector<2x4x4x4x256xf32> to vector<128x256xf32>
    %get3A_784 = arith.constant 0 : index
    %get3A_785 = arith.constant 0 : index
    %get3A_786 = arith.constant 0 : index
    %get3A_787 = arith.constant 0 : index
    %get3A_788 = vector.load %arg2[%get3A_784, %get3A_785, %get3A_786, %get3A_787] : memref<8x8x256x256xf32, #tpu.memory_space<vmem>>, vector<1x1x256x256xf32>
    %get3A_789 = vector.shape_cast %get3A_788 : vector<1x1x256x256xf32> to vector<256x256xf32>
    %dot_general3A_790 = arith.constant dense<0.000000e+00> : vector<128x256xf32>
    %dot_general3A_791 = tpu.matmul %reshape3A_783, %get3A_789, %dot_general3A_790 {dimension_numbers = #tpu.dot_dimension_numbers<[1], [0], [0], [1], [0, 0, 1, 1], [], []>, transpose_lhs_hint = false} : vector<128x256xf32>, vector<256x256xf32>, vector<128x256xf32> -> vector<128x256xf32>
    %add3A_792 = arith.addf %add3A_781, %dot_general3A_791 : vector<128x256xf32>
    %get3A_793 = arith.constant 0 : index
    %get3A_794 = arith.constant 0 : index
    %get3A_795 = vector.load %arg3[%get3A_793, %get3A_794] : memref<1x256xf32, #tpu.memory_space<vmem>>, vector<1x256xf32>
    %add3A_796 = vector.broadcast %get3A_795 : vector<1x256xf32> to vector<128x256xf32>
    %add3A_797 = arith.addf %add3A_792, %add3A_796 : vector<128x256xf32>
    %max3A_798 = arith.constant 0.000000e+00 : f32
    %max3A_799 = vector.broadcast %max3A_798 : f32 to vector<128x256xf32>
    %max3A_800 = arith.maximumf %add3A_797, %max3A_799 : vector<128x256xf32>
    %swap3A_801 = arith.constant 7 : index
    %swap3A_802 = arith.constant 0 : index
    %swap3A_803 = arith.constant 0 : index
    %swap3A_804 = vector.load %arg4[%swap3A_801, %swap3A_802, %swap3A_803] : memref<8x128x256xf32, #tpu.memory_space<vmem>>, vector<1x128x256xf32>
    %swap3A_805 = vector.shape_cast %swap3A_804 : vector<1x128x256xf32> to vector<128x256xf32>
    %swap3A_806 = vector.shape_cast %max3A_800 : vector<128x256xf32> to vector<1x128x256xf32>
    tpu.vector_store %arg4[%swap3A_801, %swap3A_802, %swap3A_803], %swap3A_806 {strides = array<i32>} : memref<8x128x256xf32, #tpu.memory_space<vmem>>, vector<1x128x256xf32>,
    return
  }
  func.func @transform_0(%arg0: i32) -> (i32, i32, i32, i32, i32) {
    %c0_i32 = arith.constant 0 : i32
    %c0_i32_0 = arith.constant 0 : i32
    %c0_i32_1 = arith.constant 0 : i32
    %c0_i32_2 = arith.constant 0 : i32
    %c0_i32_3 = arith.constant 0 : i32
    return %arg0, %c0_i32, %c0_i32_0, %c0_i32_1, %c0_i32_2 : i32, i32, i32, i32, i32
  }
  func.func @transform_1(%arg0: i32) -> (i32, i32, i32, i32) {
    %c0_i32 = arith.constant 0 : i32
    %c0_i32_0 = arith.constant 0 : i32
    %c0_i32_1 = arith.constant 0 : i32
    %c0_i32_2 = arith.constant 0 : i32
    %c0_i32_3 = arith.constant 0 : i32
    return %c0_i32, %c0_i32_0, %c0_i32_1, %c0_i32_2 : i32, i32, i32, i32
  }
  func.func @transform_2(%arg0: i32) -> (i32, i32) {
    %c0_i32 = arith.constant 0 : i32
    %c0_i32_0 = arith.constant 0 : i32
    %c0_i32_1 = arith.constant 0 : i32
    return %c0_i32, %c0_i32_0 : i32, i32
  }
  func.func @transform_3(%arg0: i32) -> (i32, i32, i32) {
    %c0_i32 = arith.constant 0 : i32
    %c0_i32_0 = arith.constant 0 : i32
    %c0_i32_1 = arith.constant 0 : i32
    return %c0_i32, %arg0, %c0_i32_0 : i32, i32, i32
  }
}

module attributes {stable_mosaic.version = 14 : i64} {
  func.func @_dconvp_body(%arg0: i32, %arg1: memref<2x10x10x10x256xf32, #tpu.memory_space<vmem>>, %arg2: memref<8x8x256x128xf32, #tpu.memory_space<vmem>>, %arg3: memref<1x128xf32, #tpu.memory_space<vmem>>, %arg4: memref<8x1024x128xf32, #tpu.memory_space<vmem>>) attributes {dimension_semantics = [#tpu.dimension_semantics<arbitrary>], iteration_bounds = array<i64: 4>, scalar_prefetch = 0 : i64, scratch_operands = 0 : i64, tpu.core_type = #tpu.core_type<tc>, window_params = [{transform_indices = @transform_0, window_bounds = array<i64: 2, 10, 10, 10, 256>}, {pipeline_mode = #tpu.pipeline_mode<synchronous>, transform_indices = @transform_1, window_bounds = array<i64: 8, 8, 256, 128>}, {pipeline_mode = #tpu.pipeline_mode<synchronous>, transform_indices = @transform_2, window_bounds = array<i64: 1, 128>}, {transform_indices = @transform_3, window_bounds = array<i64: 8, 1024, 128>}]} {
    %get3A = arith.constant 0 : index
    %get3A_0 = arith.constant 0 : index
    %get3A_1 = arith.constant 0 : index
    %get3A_2 = arith.constant 0 : index
    %get3A_3 = arith.constant 0 : index
    %get3A_4 = vector.load %arg1[%get3A, %get3A_0, %get3A_1, %get3A_2, %get3A_3] : memref<2x10x10x10x256xf32, #tpu.memory_space<vmem>>, vector<2x10x10x10x256xf32>
    %slice3A = vector.extract_strided_slice %get3A_4 {offsets = [0, 0, 0, 0, 0], sizes = [2, 8, 8, 8, 256], strides = [1, 1, 1, 1, 1]} : vector<2x10x10x10x256xf32> to vector<2x8x8x8x256xf32>
    %reshape3A = vector.shape_cast %slice3A : vector<2x8x8x8x256xf32> to vector<1024x256xf32>
    %get3A_5 = arith.constant 7 : index
    %get3A_6 = arith.constant 7 : index
    %get3A_7 = arith.constant 0 : index
    %get3A_8 = arith.constant 0 : index
    %get3A_9 = vector.load %arg2[%get3A_5, %get3A_6, %get3A_7, %get3A_8] : memref<8x8x256x128xf32, #tpu.memory_space<vmem>>, vector<1x1x256x128xf32>
    %get3A_10 = vector.shape_cast %get3A_9 : vector<1x1x256x128xf32> to vector<256x128xf32>
    %dot_general3A = arith.constant dense<0.000000e+00> : vector<1024x128xf32>
    %dot_general3A_11 = tpu.matmul %reshape3A, %get3A_10, %dot_general3A {dimension_numbers = #tpu.dot_dimension_numbers<[1], [0], [0], [1], [0, 0, 1, 1], [], []>, transpose_lhs_hint = false} : vector<1024x256xf32>, vector<256x128xf32>, vector<1024x128xf32> -> vector<1024x128xf32>
    %slice3A_12 = vector.extract_strided_slice %get3A_4 {offsets = [0, 0, 0, 1, 0], sizes = [2, 8, 8, 8, 256], strides = [1, 1, 1, 1, 1]} : vector<2x10x10x10x256xf32> to vector<2x8x8x8x256xf32>
    %reshape3A_13 = vector.shape_cast %slice3A_12 : vector<2x8x8x8x256xf32> to vector<1024x256xf32>
    %get3A_14 = arith.constant 7 : index
    %get3A_15 = arith.constant 6 : index
    %get3A_16 = arith.constant 0 : index
    %get3A_17 = arith.constant 0 : index
    %get3A_18 = vector.load %arg2[%get3A_14, %get3A_15, %get3A_16, %get3A_17] : memref<8x8x256x128xf32, #tpu.memory_space<vmem>>, vector<1x1x256x128xf32>
    %get3A_19 = vector.shape_cast %get3A_18 : vector<1x1x256x128xf32> to vector<256x128xf32>
    %dot_general3A_20 = arith.constant dense<0.000000e+00> : vector<1024x128xf32>
    %dot_general3A_21 = tpu.matmul %reshape3A_13, %get3A_19, %dot_general3A_20 {dimension_numbers = #tpu.dot_dimension_numbers<[1], [0], [0], [1], [0, 0, 1, 1], [], []>, transpose_lhs_hint = false} : vector<1024x256xf32>, vector<256x128xf32>, vector<1024x128xf32> -> vector<1024x128xf32>
    %add3A = arith.addf %dot_general3A_11, %dot_general3A_21 : vector<1024x128xf32>
    %slice3A_22 = vector.extract_strided_slice %get3A_4 {offsets = [0, 0, 1, 0, 0], sizes = [2, 8, 8, 8, 256], strides = [1, 1, 1, 1, 1]} : vector<2x10x10x10x256xf32> to vector<2x8x8x8x256xf32>
    %reshape3A_23 = vector.shape_cast %slice3A_22 : vector<2x8x8x8x256xf32> to vector<1024x256xf32>
    %get3A_24 = arith.constant 7 : index
    %get3A_25 = arith.constant 5 : index
    %get3A_26 = arith.constant 0 : index
    %get3A_27 = arith.constant 0 : index
    %get3A_28 = vector.load %arg2[%get3A_24, %get3A_25, %get3A_26, %get3A_27] : memref<8x8x256x128xf32, #tpu.memory_space<vmem>>, vector<1x1x256x128xf32>
    %get3A_29 = vector.shape_cast %get3A_28 : vector<1x1x256x128xf32> to vector<256x128xf32>
    %dot_general3A_30 = arith.constant dense<0.000000e+00> : vector<1024x128xf32>
    %dot_general3A_31 = tpu.matmul %reshape3A_23, %get3A_29, %dot_general3A_30 {dimension_numbers = #tpu.dot_dimension_numbers<[1], [0], [0], [1], [0, 0, 1, 1], [], []>, transpose_lhs_hint = false} : vector<1024x256xf32>, vector<256x128xf32>, vector<1024x128xf32> -> vector<1024x128xf32>
    %add3A_32 = arith.addf %add3A, %dot_general3A_31 : vector<1024x128xf32>
    %slice3A_33 = vector.extract_strided_slice %get3A_4 {offsets = [0, 0, 1, 1, 0], sizes = [2, 8, 8, 8, 256], strides = [1, 1, 1, 1, 1]} : vector<2x10x10x10x256xf32> to vector<2x8x8x8x256xf32>
    %reshape3A_34 = vector.shape_cast %slice3A_33 : vector<2x8x8x8x256xf32> to vector<1024x256xf32>
    %get3A_35 = arith.constant 7 : index
    %get3A_36 = arith.constant 4 : index
    %get3A_37 = arith.constant 0 : index
    %get3A_38 = arith.constant 0 : index
    %get3A_39 = vector.load %arg2[%get3A_35, %get3A_36, %get3A_37, %get3A_38] : memref<8x8x256x128xf32, #tpu.memory_space<vmem>>, vector<1x1x256x128xf32>
    %get3A_40 = vector.shape_cast %get3A_39 : vector<1x1x256x128xf32> to vector<256x128xf32>
    %dot_general3A_41 = arith.constant dense<0.000000e+00> : vector<1024x128xf32>
    %dot_general3A_42 = tpu.matmul %reshape3A_34, %get3A_40, %dot_general3A_41 {dimension_numbers = #tpu.dot_dimension_numbers<[1], [0], [0], [1], [0, 0, 1, 1], [], []>, transpose_lhs_hint = false} : vector<1024x256xf32>, vector<256x128xf32>, vector<1024x128xf32> -> vector<1024x128xf32>
    %add3A_43 = arith.addf %add3A_32, %dot_general3A_42 : vector<1024x128xf32>
    %slice3A_44 = vector.extract_strided_slice %get3A_4 {offsets = [0, 1, 0, 0, 0], sizes = [2, 8, 8, 8, 256], strides = [1, 1, 1, 1, 1]} : vector<2x10x10x10x256xf32> to vector<2x8x8x8x256xf32>
    %reshape3A_45 = vector.shape_cast %slice3A_44 : vector<2x8x8x8x256xf32> to vector<1024x256xf32>
    %get3A_46 = arith.constant 7 : index
    %get3A_47 = arith.constant 3 : index
    %get3A_48 = arith.constant 0 : index
    %get3A_49 = arith.constant 0 : index
    %get3A_50 = vector.load %arg2[%get3A_46, %get3A_47, %get3A_48, %get3A_49] : memref<8x8x256x128xf32, #tpu.memory_space<vmem>>, vector<1x1x256x128xf32>
    %get3A_51 = vector.shape_cast %get3A_50 : vector<1x1x256x128xf32> to vector<256x128xf32>
    %dot_general3A_52 = arith.constant dense<0.000000e+00> : vector<1024x128xf32>
    %dot_general3A_53 = tpu.matmul %reshape3A_45, %get3A_51, %dot_general3A_52 {dimension_numbers = #tpu.dot_dimension_numbers<[1], [0], [0], [1], [0, 0, 1, 1], [], []>, transpose_lhs_hint = false} : vector<1024x256xf32>, vector<256x128xf32>, vector<1024x128xf32> -> vector<1024x128xf32>
    %add3A_54 = arith.addf %add3A_43, %dot_general3A_53 : vector<1024x128xf32>
    %slice3A_55 = vector.extract_strided_slice %get3A_4 {offsets = [0, 1, 0, 1, 0], sizes = [2, 8, 8, 8, 256], strides = [1, 1, 1, 1, 1]} : vector<2x10x10x10x256xf32> to vector<2x8x8x8x256xf32>
    %reshape3A_56 = vector.shape_cast %slice3A_55 : vector<2x8x8x8x256xf32> to vector<1024x256xf32>
    %get3A_57 = arith.constant 7 : index
    %get3A_58 = arith.constant 2 : index
    %get3A_59 = arith.constant 0 : index
    %get3A_60 = arith.constant 0 : index
    %get3A_61 = vector.load %arg2[%get3A_57, %get3A_58, %get3A_59, %get3A_60] : memref<8x8x256x128xf32, #tpu.memory_space<vmem>>, vector<1x1x256x128xf32>
    %get3A_62 = vector.shape_cast %get3A_61 : vector<1x1x256x128xf32> to vector<256x128xf32>
    %dot_general3A_63 = arith.constant dense<0.000000e+00> : vector<1024x128xf32>
    %dot_general3A_64 = tpu.matmul %reshape3A_56, %get3A_62, %dot_general3A_63 {dimension_numbers = #tpu.dot_dimension_numbers<[1], [0], [0], [1], [0, 0, 1, 1], [], []>, transpose_lhs_hint = false} : vector<1024x256xf32>, vector<256x128xf32>, vector<1024x128xf32> -> vector<1024x128xf32>
    %add3A_65 = arith.addf %add3A_54, %dot_general3A_64 : vector<1024x128xf32>
    %slice3A_66 = vector.extract_strided_slice %get3A_4 {offsets = [0, 1, 1, 0, 0], sizes = [2, 8, 8, 8, 256], strides = [1, 1, 1, 1, 1]} : vector<2x10x10x10x256xf32> to vector<2x8x8x8x256xf32>
    %reshape3A_67 = vector.shape_cast %slice3A_66 : vector<2x8x8x8x256xf32> to vector<1024x256xf32>
    %get3A_68 = arith.constant 7 : index
    %get3A_69 = arith.constant 1 : index
    %get3A_70 = arith.constant 0 : index
    %get3A_71 = arith.constant 0 : index
    %get3A_72 = vector.load %arg2[%get3A_68, %get3A_69, %get3A_70, %get3A_71] : memref<8x8x256x128xf32, #tpu.memory_space<vmem>>, vector<1x1x256x128xf32>
    %get3A_73 = vector.shape_cast %get3A_72 : vector<1x1x256x128xf32> to vector<256x128xf32>
    %dot_general3A_74 = arith.constant dense<0.000000e+00> : vector<1024x128xf32>
    %dot_general3A_75 = tpu.matmul %reshape3A_67, %get3A_73, %dot_general3A_74 {dimension_numbers = #tpu.dot_dimension_numbers<[1], [0], [0], [1], [0, 0, 1, 1], [], []>, transpose_lhs_hint = false} : vector<1024x256xf32>, vector<256x128xf32>, vector<1024x128xf32> -> vector<1024x128xf32>
    %add3A_76 = arith.addf %add3A_65, %dot_general3A_75 : vector<1024x128xf32>
    %slice3A_77 = vector.extract_strided_slice %get3A_4 {offsets = [0, 1, 1, 1, 0], sizes = [2, 8, 8, 8, 256], strides = [1, 1, 1, 1, 1]} : vector<2x10x10x10x256xf32> to vector<2x8x8x8x256xf32>
    %reshape3A_78 = vector.shape_cast %slice3A_77 : vector<2x8x8x8x256xf32> to vector<1024x256xf32>
    %get3A_79 = arith.constant 7 : index
    %get3A_80 = arith.constant 0 : index
    %get3A_81 = arith.constant 0 : index
    %get3A_82 = arith.constant 0 : index
    %get3A_83 = vector.load %arg2[%get3A_79, %get3A_80, %get3A_81, %get3A_82] : memref<8x8x256x128xf32, #tpu.memory_space<vmem>>, vector<1x1x256x128xf32>
    %get3A_84 = vector.shape_cast %get3A_83 : vector<1x1x256x128xf32> to vector<256x128xf32>
    %dot_general3A_85 = arith.constant dense<0.000000e+00> : vector<1024x128xf32>
    %dot_general3A_86 = tpu.matmul %reshape3A_78, %get3A_84, %dot_general3A_85 {dimension_numbers = #tpu.dot_dimension_numbers<[1], [0], [0], [1], [0, 0, 1, 1], [], []>, transpose_lhs_hint = false} : vector<1024x256xf32>, vector<256x128xf32>, vector<1024x128xf32> -> vector<1024x128xf32>
    %add3A_87 = arith.addf %add3A_76, %dot_general3A_86 : vector<1024x128xf32>
    %get3A_88 = arith.constant 0 : index
    %get3A_89 = arith.constant 0 : index
    %get3A_90 = vector.load %arg3[%get3A_88, %get3A_89] : memref<1x128xf32, #tpu.memory_space<vmem>>, vector<1x128xf32>
    %add3A_91 = vector.broadcast %get3A_90 : vector<1x128xf32> to vector<1024x128xf32>
    %add3A_92 = arith.addf %add3A_87, %add3A_91 : vector<1024x128xf32>
    %max3A = arith.constant 0.000000e+00 : f32
    %max3A_93 = vector.broadcast %max3A : f32 to vector<1024x128xf32>
    %max3A_94 = arith.maximumf %add3A_92, %max3A_93 : vector<1024x128xf32>
    %swap3A = arith.constant 0 : index
    %swap3A_95 = arith.constant 0 : index
    %swap3A_96 = arith.constant 0 : index
    %swap3A_97 = vector.load %arg4[%swap3A, %swap3A_95, %swap3A_96] : memref<8x1024x128xf32, #tpu.memory_space<vmem>>, vector<1x1024x128xf32>
    %swap3A_98 = vector.shape_cast %swap3A_97 : vector<1x1024x128xf32> to vector<1024x128xf32>
    %swap3A_99 = vector.shape_cast %max3A_94 : vector<1024x128xf32> to vector<1x1024x128xf32>
    tpu.vector_store %arg4[%swap3A, %swap3A_95, %swap3A_96], %swap3A_99 {strides = array<i32>} : memref<8x1024x128xf32, #tpu.memory_space<vmem>>, vector<1x1024x128xf32>,
    %slice3A_100 = vector.extract_strided_slice %get3A_4 {offsets = [0, 0, 0, 1, 0], sizes = [2, 8, 8, 8, 256], strides = [1, 1, 1, 1, 1]} : vector<2x10x10x10x256xf32> to vector<2x8x8x8x256xf32>
    %reshape3A_101 = vector.shape_cast %slice3A_100 : vector<2x8x8x8x256xf32> to vector<1024x256xf32>
    %get3A_102 = arith.constant 6 : index
    %get3A_103 = arith.constant 7 : index
    %get3A_104 = arith.constant 0 : index
    %get3A_105 = arith.constant 0 : index
    %get3A_106 = vector.load %arg2[%get3A_102, %get3A_103, %get3A_104, %get3A_105] : memref<8x8x256x128xf32, #tpu.memory_space<vmem>>, vector<1x1x256x128xf32>
    %get3A_107 = vector.shape_cast %get3A_106 : vector<1x1x256x128xf32> to vector<256x128xf32>
    %dot_general3A_108 = arith.constant dense<0.000000e+00> : vector<1024x128xf32>
    %dot_general3A_109 = tpu.matmul %reshape3A_101, %get3A_107, %dot_general3A_108 {dimension_numbers = #tpu.dot_dimension_numbers<[1], [0], [0], [1], [0, 0, 1, 1], [], []>, transpose_lhs_hint = false} : vector<1024x256xf32>, vector<256x128xf32>, vector<1024x128xf32> -> vector<1024x128xf32>
    %slice3A_110 = vector.extract_strided_slice %get3A_4 {offsets = [0, 0, 0, 2, 0], sizes = [2, 8, 8, 8, 256], strides = [1, 1, 1, 1, 1]} : vector<2x10x10x10x256xf32> to vector<2x8x8x8x256xf32>
    %reshape3A_111 = vector.shape_cast %slice3A_110 : vector<2x8x8x8x256xf32> to vector<1024x256xf32>
    %get3A_112 = arith.constant 6 : index
    %get3A_113 = arith.constant 6 : index
    %get3A_114 = arith.constant 0 : index
    %get3A_115 = arith.constant 0 : index
    %get3A_116 = vector.load %arg2[%get3A_112, %get3A_113, %get3A_114, %get3A_115] : memref<8x8x256x128xf32, #tpu.memory_space<vmem>>, vector<1x1x256x128xf32>
    %get3A_117 = vector.shape_cast %get3A_116 : vector<1x1x256x128xf32> to vector<256x128xf32>
    %dot_general3A_118 = arith.constant dense<0.000000e+00> : vector<1024x128xf32>
    %dot_general3A_119 = tpu.matmul %reshape3A_111, %get3A_117, %dot_general3A_118 {dimension_numbers = #tpu.dot_dimension_numbers<[1], [0], [0], [1], [0, 0, 1, 1], [], []>, transpose_lhs_hint = false} : vector<1024x256xf32>, vector<256x128xf32>, vector<1024x128xf32> -> vector<1024x128xf32>
    %add3A_120 = arith.addf %dot_general3A_109, %dot_general3A_119 : vector<1024x128xf32>
    %slice3A_121 = vector.extract_strided_slice %get3A_4 {offsets = [0, 0, 1, 1, 0], sizes = [2, 8, 8, 8, 256], strides = [1, 1, 1, 1, 1]} : vector<2x10x10x10x256xf32> to vector<2x8x8x8x256xf32>
    %reshape3A_122 = vector.shape_cast %slice3A_121 : vector<2x8x8x8x256xf32> to vector<1024x256xf32>
    %get3A_123 = arith.constant 6 : index
    %get3A_124 = arith.constant 5 : index
    %get3A_125 = arith.constant 0 : index
    %get3A_126 = arith.constant 0 : index
    %get3A_127 = vector.load %arg2[%get3A_123, %get3A_124, %get3A_125, %get3A_126] : memref<8x8x256x128xf32, #tpu.memory_space<vmem>>, vector<1x1x256x128xf32>
    %get3A_128 = vector.shape_cast %get3A_127 : vector<1x1x256x128xf32> to vector<256x128xf32>
    %dot_general3A_129 = arith.constant dense<0.000000e+00> : vector<1024x128xf32>
    %dot_general3A_130 = tpu.matmul %reshape3A_122, %get3A_128, %dot_general3A_129 {dimension_numbers = #tpu.dot_dimension_numbers<[1], [0], [0], [1], [0, 0, 1, 1], [], []>, transpose_lhs_hint = false} : vector<1024x256xf32>, vector<256x128xf32>, vector<1024x128xf32> -> vector<1024x128xf32>
    %add3A_131 = arith.addf %add3A_120, %dot_general3A_130 : vector<1024x128xf32>
    %slice3A_132 = vector.extract_strided_slice %get3A_4 {offsets = [0, 0, 1, 2, 0], sizes = [2, 8, 8, 8, 256], strides = [1, 1, 1, 1, 1]} : vector<2x10x10x10x256xf32> to vector<2x8x8x8x256xf32>
    %reshape3A_133 = vector.shape_cast %slice3A_132 : vector<2x8x8x8x256xf32> to vector<1024x256xf32>
    %get3A_134 = arith.constant 6 : index
    %get3A_135 = arith.constant 4 : index
    %get3A_136 = arith.constant 0 : index
    %get3A_137 = arith.constant 0 : index
    %get3A_138 = vector.load %arg2[%get3A_134, %get3A_135, %get3A_136, %get3A_137] : memref<8x8x256x128xf32, #tpu.memory_space<vmem>>, vector<1x1x256x128xf32>
    %get3A_139 = vector.shape_cast %get3A_138 : vector<1x1x256x128xf32> to vector<256x128xf32>
    %dot_general3A_140 = arith.constant dense<0.000000e+00> : vector<1024x128xf32>
    %dot_general3A_141 = tpu.matmul %reshape3A_133, %get3A_139, %dot_general3A_140 {dimension_numbers = #tpu.dot_dimension_numbers<[1], [0], [0], [1], [0, 0, 1, 1], [], []>, transpose_lhs_hint = false} : vector<1024x256xf32>, vector<256x128xf32>, vector<1024x128xf32> -> vector<1024x128xf32>
    %add3A_142 = arith.addf %add3A_131, %dot_general3A_141 : vector<1024x128xf32>
    %slice3A_143 = vector.extract_strided_slice %get3A_4 {offsets = [0, 1, 0, 1, 0], sizes = [2, 8, 8, 8, 256], strides = [1, 1, 1, 1, 1]} : vector<2x10x10x10x256xf32> to vector<2x8x8x8x256xf32>
    %reshape3A_144 = vector.shape_cast %slice3A_143 : vector<2x8x8x8x256xf32> to vector<1024x256xf32>
    %get3A_145 = arith.constant 6 : index
    %get3A_146 = arith.constant 3 : index
    %get3A_147 = arith.constant 0 : index
    %get3A_148 = arith.constant 0 : index
    %get3A_149 = vector.load %arg2[%get3A_145, %get3A_146, %get3A_147, %get3A_148] : memref<8x8x256x128xf32, #tpu.memory_space<vmem>>, vector<1x1x256x128xf32>
    %get3A_150 = vector.shape_cast %get3A_149 : vector<1x1x256x128xf32> to vector<256x128xf32>
    %dot_general3A_151 = arith.constant dense<0.000000e+00> : vector<1024x128xf32>
    %dot_general3A_152 = tpu.matmul %reshape3A_144, %get3A_150, %dot_general3A_151 {dimension_numbers = #tpu.dot_dimension_numbers<[1], [0], [0], [1], [0, 0, 1, 1], [], []>, transpose_lhs_hint = false} : vector<1024x256xf32>, vector<256x128xf32>, vector<1024x128xf32> -> vector<1024x128xf32>
    %add3A_153 = arith.addf %add3A_142, %dot_general3A_152 : vector<1024x128xf32>
    %slice3A_154 = vector.extract_strided_slice %get3A_4 {offsets = [0, 1, 0, 2, 0], sizes = [2, 8, 8, 8, 256], strides = [1, 1, 1, 1, 1]} : vector<2x10x10x10x256xf32> to vector<2x8x8x8x256xf32>
    %reshape3A_155 = vector.shape_cast %slice3A_154 : vector<2x8x8x8x256xf32> to vector<1024x256xf32>
    %get3A_156 = arith.constant 6 : index
    %get3A_157 = arith.constant 2 : index
    %get3A_158 = arith.constant 0 : index
    %get3A_159 = arith.constant 0 : index
    %get3A_160 = vector.load %arg2[%get3A_156, %get3A_157, %get3A_158, %get3A_159] : memref<8x8x256x128xf32, #tpu.memory_space<vmem>>, vector<1x1x256x128xf32>
    %get3A_161 = vector.shape_cast %get3A_160 : vector<1x1x256x128xf32> to vector<256x128xf32>
    %dot_general3A_162 = arith.constant dense<0.000000e+00> : vector<1024x128xf32>
    %dot_general3A_163 = tpu.matmul %reshape3A_155, %get3A_161, %dot_general3A_162 {dimension_numbers = #tpu.dot_dimension_numbers<[1], [0], [0], [1], [0, 0, 1, 1], [], []>, transpose_lhs_hint = false} : vector<1024x256xf32>, vector<256x128xf32>, vector<1024x128xf32> -> vector<1024x128xf32>
    %add3A_164 = arith.addf %add3A_153, %dot_general3A_163 : vector<1024x128xf32>
    %slice3A_165 = vector.extract_strided_slice %get3A_4 {offsets = [0, 1, 1, 1, 0], sizes = [2, 8, 8, 8, 256], strides = [1, 1, 1, 1, 1]} : vector<2x10x10x10x256xf32> to vector<2x8x8x8x256xf32>
    %reshape3A_166 = vector.shape_cast %slice3A_165 : vector<2x8x8x8x256xf32> to vector<1024x256xf32>
    %get3A_167 = arith.constant 6 : index
    %get3A_168 = arith.constant 1 : index
    %get3A_169 = arith.constant 0 : index
    %get3A_170 = arith.constant 0 : index
    %get3A_171 = vector.load %arg2[%get3A_167, %get3A_168, %get3A_169, %get3A_170] : memref<8x8x256x128xf32, #tpu.memory_space<vmem>>, vector<1x1x256x128xf32>
    %get3A_172 = vector.shape_cast %get3A_171 : vector<1x1x256x128xf32> to vector<256x128xf32>
    %dot_general3A_173 = arith.constant dense<0.000000e+00> : vector<1024x128xf32>
    %dot_general3A_174 = tpu.matmul %reshape3A_166, %get3A_172, %dot_general3A_173 {dimension_numbers = #tpu.dot_dimension_numbers<[1], [0], [0], [1], [0, 0, 1, 1], [], []>, transpose_lhs_hint = false} : vector<1024x256xf32>, vector<256x128xf32>, vector<1024x128xf32> -> vector<1024x128xf32>
    %add3A_175 = arith.addf %add3A_164, %dot_general3A_174 : vector<1024x128xf32>
    %slice3A_176 = vector.extract_strided_slice %get3A_4 {offsets = [0, 1, 1, 2, 0], sizes = [2, 8, 8, 8, 256], strides = [1, 1, 1, 1, 1]} : vector<2x10x10x10x256xf32> to vector<2x8x8x8x256xf32>
    %reshape3A_177 = vector.shape_cast %slice3A_176 : vector<2x8x8x8x256xf32> to vector<1024x256xf32>
    %get3A_178 = arith.constant 6 : index
    %get3A_179 = arith.constant 0 : index
    %get3A_180 = arith.constant 0 : index
    %get3A_181 = arith.constant 0 : index
    %get3A_182 = vector.load %arg2[%get3A_178, %get3A_179, %get3A_180, %get3A_181] : memref<8x8x256x128xf32, #tpu.memory_space<vmem>>, vector<1x1x256x128xf32>
    %get3A_183 = vector.shape_cast %get3A_182 : vector<1x1x256x128xf32> to vector<256x128xf32>
    %dot_general3A_184 = arith.constant dense<0.000000e+00> : vector<1024x128xf32>
    %dot_general3A_185 = tpu.matmul %reshape3A_177, %get3A_183, %dot_general3A_184 {dimension_numbers = #tpu.dot_dimension_numbers<[1], [0], [0], [1], [0, 0, 1, 1], [], []>, transpose_lhs_hint = false} : vector<1024x256xf32>, vector<256x128xf32>, vector<1024x128xf32> -> vector<1024x128xf32>
    %add3A_186 = arith.addf %add3A_175, %dot_general3A_185 : vector<1024x128xf32>
    %get3A_187 = arith.constant 0 : index
    %get3A_188 = arith.constant 0 : index
    %get3A_189 = vector.load %arg3[%get3A_187, %get3A_188] : memref<1x128xf32, #tpu.memory_space<vmem>>, vector<1x128xf32>
    %add3A_190 = vector.broadcast %get3A_189 : vector<1x128xf32> to vector<1024x128xf32>
    %add3A_191 = arith.addf %add3A_186, %add3A_190 : vector<1024x128xf32>
    %max3A_192 = arith.constant 0.000000e+00 : f32
    %max3A_193 = vector.broadcast %max3A_192 : f32 to vector<1024x128xf32>
    %max3A_194 = arith.maximumf %add3A_191, %max3A_193 : vector<1024x128xf32>
    %swap3A_195 = arith.constant 1 : index
    %swap3A_196 = arith.constant 0 : index
    %swap3A_197 = arith.constant 0 : index
    %swap3A_198 = vector.load %arg4[%swap3A_195, %swap3A_196, %swap3A_197] : memref<8x1024x128xf32, #tpu.memory_space<vmem>>, vector<1x1024x128xf32>
    %swap3A_199 = vector.shape_cast %swap3A_198 : vector<1x1024x128xf32> to vector<1024x128xf32>
    %swap3A_200 = vector.shape_cast %max3A_194 : vector<1024x128xf32> to vector<1x1024x128xf32>
    tpu.vector_store %arg4[%swap3A_195, %swap3A_196, %swap3A_197], %swap3A_200 {strides = array<i32>} : memref<8x1024x128xf32, #tpu.memory_space<vmem>>, vector<1x1024x128xf32>,
    %slice3A_201 = vector.extract_strided_slice %get3A_4 {offsets = [0, 0, 1, 0, 0], sizes = [2, 8, 8, 8, 256], strides = [1, 1, 1, 1, 1]} : vector<2x10x10x10x256xf32> to vector<2x8x8x8x256xf32>
    %reshape3A_202 = vector.shape_cast %slice3A_201 : vector<2x8x8x8x256xf32> to vector<1024x256xf32>
    %get3A_203 = arith.constant 5 : index
    %get3A_204 = arith.constant 7 : index
    %get3A_205 = arith.constant 0 : index
    %get3A_206 = arith.constant 0 : index
    %get3A_207 = vector.load %arg2[%get3A_203, %get3A_204, %get3A_205, %get3A_206] : memref<8x8x256x128xf32, #tpu.memory_space<vmem>>, vector<1x1x256x128xf32>
    %get3A_208 = vector.shape_cast %get3A_207 : vector<1x1x256x128xf32> to vector<256x128xf32>
    %dot_general3A_209 = arith.constant dense<0.000000e+00> : vector<1024x128xf32>
    %dot_general3A_210 = tpu.matmul %reshape3A_202, %get3A_208, %dot_general3A_209 {dimension_numbers = #tpu.dot_dimension_numbers<[1], [0], [0], [1], [0, 0, 1, 1], [], []>, transpose_lhs_hint = false} : vector<1024x256xf32>, vector<256x128xf32>, vector<1024x128xf32> -> vector<1024x128xf32>
    %slice3A_211 = vector.extract_strided_slice %get3A_4 {offsets = [0, 0, 1, 1, 0], sizes = [2, 8, 8, 8, 256], strides = [1, 1, 1, 1, 1]} : vector<2x10x10x10x256xf32> to vector<2x8x8x8x256xf32>
    %reshape3A_212 = vector.shape_cast %slice3A_211 : vector<2x8x8x8x256xf32> to vector<1024x256xf32>
    %get3A_213 = arith.constant 5 : index
    %get3A_214 = arith.constant 6 : index
    %get3A_215 = arith.constant 0 : index
    %get3A_216 = arith.constant 0 : index
    %get3A_217 = vector.load %arg2[%get3A_213, %get3A_214, %get3A_215, %get3A_216] : memref<8x8x256x128xf32, #tpu.memory_space<vmem>>, vector<1x1x256x128xf32>
    %get3A_218 = vector.shape_cast %get3A_217 : vector<1x1x256x128xf32> to vector<256x128xf32>
    %dot_general3A_219 = arith.constant dense<0.000000e+00> : vector<1024x128xf32>
    %dot_general3A_220 = tpu.matmul %reshape3A_212, %get3A_218, %dot_general3A_219 {dimension_numbers = #tpu.dot_dimension_numbers<[1], [0], [0], [1], [0, 0, 1, 1], [], []>, transpose_lhs_hint = false} : vector<1024x256xf32>, vector<256x128xf32>, vector<1024x128xf32> -> vector<1024x128xf32>
    %add3A_221 = arith.addf %dot_general3A_210, %dot_general3A_220 : vector<1024x128xf32>
    %slice3A_222 = vector.extract_strided_slice %get3A_4 {offsets = [0, 0, 2, 0, 0], sizes = [2, 8, 8, 8, 256], strides = [1, 1, 1, 1, 1]} : vector<2x10x10x10x256xf32> to vector<2x8x8x8x256xf32>
    %reshape3A_223 = vector.shape_cast %slice3A_222 : vector<2x8x8x8x256xf32> to vector<1024x256xf32>
    %get3A_224 = arith.constant 5 : index
    %get3A_225 = arith.constant 5 : index
    %get3A_226 = arith.constant 0 : index
    %get3A_227 = arith.constant 0 : index
    %get3A_228 = vector.load %arg2[%get3A_224, %get3A_225, %get3A_226, %get3A_227] : memref<8x8x256x128xf32, #tpu.memory_space<vmem>>, vector<1x1x256x128xf32>
    %get3A_229 = vector.shape_cast %get3A_228 : vector<1x1x256x128xf32> to vector<256x128xf32>
    %dot_general3A_230 = arith.constant dense<0.000000e+00> : vector<1024x128xf32>
    %dot_general3A_231 = tpu.matmul %reshape3A_223, %get3A_229, %dot_general3A_230 {dimension_numbers = #tpu.dot_dimension_numbers<[1], [0], [0], [1], [0, 0, 1, 1], [], []>, transpose_lhs_hint = false} : vector<1024x256xf32>, vector<256x128xf32>, vector<1024x128xf32> -> vector<1024x128xf32>
    %add3A_232 = arith.addf %add3A_221, %dot_general3A_231 : vector<1024x128xf32>
    %slice3A_233 = vector.extract_strided_slice %get3A_4 {offsets = [0, 0, 2, 1, 0], sizes = [2, 8, 8, 8, 256], strides = [1, 1, 1, 1, 1]} : vector<2x10x10x10x256xf32> to vector<2x8x8x8x256xf32>
    %reshape3A_234 = vector.shape_cast %slice3A_233 : vector<2x8x8x8x256xf32> to vector<1024x256xf32>
    %get3A_235 = arith.constant 5 : index
    %get3A_236 = arith.constant 4 : index
    %get3A_237 = arith.constant 0 : index
    %get3A_238 = arith.constant 0 : index
    %get3A_239 = vector.load %arg2[%get3A_235, %get3A_236, %get3A_237, %get3A_238] : memref<8x8x256x128xf32, #tpu.memory_space<vmem>>, vector<1x1x256x128xf32>
    %get3A_240 = vector.shape_cast %get3A_239 : vector<1x1x256x128xf32> to vector<256x128xf32>
    %dot_general3A_241 = arith.constant dense<0.000000e+00> : vector<1024x128xf32>
    %dot_general3A_242 = tpu.matmul %reshape3A_234, %get3A_240, %dot_general3A_241 {dimension_numbers = #tpu.dot_dimension_numbers<[1], [0], [0], [1], [0, 0, 1, 1], [], []>, transpose_lhs_hint = false} : vector<1024x256xf32>, vector<256x128xf32>, vector<1024x128xf32> -> vector<1024x128xf32>
    %add3A_243 = arith.addf %add3A_232, %dot_general3A_242 : vector<1024x128xf32>
    %slice3A_244 = vector.extract_strided_slice %get3A_4 {offsets = [0, 1, 1, 0, 0], sizes = [2, 8, 8, 8, 256], strides = [1, 1, 1, 1, 1]} : vector<2x10x10x10x256xf32> to vector<2x8x8x8x256xf32>
    %reshape3A_245 = vector.shape_cast %slice3A_244 : vector<2x8x8x8x256xf32> to vector<1024x256xf32>
    %get3A_246 = arith.constant 5 : index
    %get3A_247 = arith.constant 3 : index
    %get3A_248 = arith.constant 0 : index
    %get3A_249 = arith.constant 0 : index
    %get3A_250 = vector.load %arg2[%get3A_246, %get3A_247, %get3A_248, %get3A_249] : memref<8x8x256x128xf32, #tpu.memory_space<vmem>>, vector<1x1x256x128xf32>
    %get3A_251 = vector.shape_cast %get3A_250 : vector<1x1x256x128xf32> to vector<256x128xf32>
    %dot_general3A_252 = arith.constant dense<0.000000e+00> : vector<1024x128xf32>
    %dot_general3A_253 = tpu.matmul %reshape3A_245, %get3A_251, %dot_general3A_252 {dimension_numbers = #tpu.dot_dimension_numbers<[1], [0], [0], [1], [0, 0, 1, 1], [], []>, transpose_lhs_hint = false} : vector<1024x256xf32>, vector<256x128xf32>, vector<1024x128xf32> -> vector<1024x128xf32>
    %add3A_254 = arith.addf %add3A_243, %dot_general3A_253 : vector<1024x128xf32>
    %slice3A_255 = vector.extract_strided_slice %get3A_4 {offsets = [0, 1, 1, 1, 0], sizes = [2, 8, 8, 8, 256], strides = [1, 1, 1, 1, 1]} : vector<2x10x10x10x256xf32> to vector<2x8x8x8x256xf32>
    %reshape3A_256 = vector.shape_cast %slice3A_255 : vector<2x8x8x8x256xf32> to vector<1024x256xf32>
    %get3A_257 = arith.constant 5 : index
    %get3A_258 = arith.constant 2 : index
    %get3A_259 = arith.constant 0 : index
    %get3A_260 = arith.constant 0 : index
    %get3A_261 = vector.load %arg2[%get3A_257, %get3A_258, %get3A_259, %get3A_260] : memref<8x8x256x128xf32, #tpu.memory_space<vmem>>, vector<1x1x256x128xf32>
    %get3A_262 = vector.shape_cast %get3A_261 : vector<1x1x256x128xf32> to vector<256x128xf32>
    %dot_general3A_263 = arith.constant dense<0.000000e+00> : vector<1024x128xf32>
    %dot_general3A_264 = tpu.matmul %reshape3A_256, %get3A_262, %dot_general3A_263 {dimension_numbers = #tpu.dot_dimension_numbers<[1], [0], [0], [1], [0, 0, 1, 1], [], []>, transpose_lhs_hint = false} : vector<1024x256xf32>, vector<256x128xf32>, vector<1024x128xf32> -> vector<1024x128xf32>
    %add3A_265 = arith.addf %add3A_254, %dot_general3A_264 : vector<1024x128xf32>
    %slice3A_266 = vector.extract_strided_slice %get3A_4 {offsets = [0, 1, 2, 0, 0], sizes = [2, 8, 8, 8, 256], strides = [1, 1, 1, 1, 1]} : vector<2x10x10x10x256xf32> to vector<2x8x8x8x256xf32>
    %reshape3A_267 = vector.shape_cast %slice3A_266 : vector<2x8x8x8x256xf32> to vector<1024x256xf32>
    %get3A_268 = arith.constant 5 : index
    %get3A_269 = arith.constant 1 : index
    %get3A_270 = arith.constant 0 : index
    %get3A_271 = arith.constant 0 : index
    %get3A_272 = vector.load %arg2[%get3A_268, %get3A_269, %get3A_270, %get3A_271] : memref<8x8x256x128xf32, #tpu.memory_space<vmem>>, vector<1x1x256x128xf32>
    %get3A_273 = vector.shape_cast %get3A_272 : vector<1x1x256x128xf32> to vector<256x128xf32>
    %dot_general3A_274 = arith.constant dense<0.000000e+00> : vector<1024x128xf32>
    %dot_general3A_275 = tpu.matmul %reshape3A_267, %get3A_273, %dot_general3A_274 {dimension_numbers = #tpu.dot_dimension_numbers<[1], [0], [0], [1], [0, 0, 1, 1], [], []>, transpose_lhs_hint = false} : vector<1024x256xf32>, vector<256x128xf32>, vector<1024x128xf32> -> vector<1024x128xf32>
    %add3A_276 = arith.addf %add3A_265, %dot_general3A_275 : vector<1024x128xf32>
    %slice3A_277 = vector.extract_strided_slice %get3A_4 {offsets = [0, 1, 2, 1, 0], sizes = [2, 8, 8, 8, 256], strides = [1, 1, 1, 1, 1]} : vector<2x10x10x10x256xf32> to vector<2x8x8x8x256xf32>
    %reshape3A_278 = vector.shape_cast %slice3A_277 : vector<2x8x8x8x256xf32> to vector<1024x256xf32>
    %get3A_279 = arith.constant 5 : index
    %get3A_280 = arith.constant 0 : index
    %get3A_281 = arith.constant 0 : index
    %get3A_282 = arith.constant 0 : index
    %get3A_283 = vector.load %arg2[%get3A_279, %get3A_280, %get3A_281, %get3A_282] : memref<8x8x256x128xf32, #tpu.memory_space<vmem>>, vector<1x1x256x128xf32>
    %get3A_284 = vector.shape_cast %get3A_283 : vector<1x1x256x128xf32> to vector<256x128xf32>
    %dot_general3A_285 = arith.constant dense<0.000000e+00> : vector<1024x128xf32>
    %dot_general3A_286 = tpu.matmul %reshape3A_278, %get3A_284, %dot_general3A_285 {dimension_numbers = #tpu.dot_dimension_numbers<[1], [0], [0], [1], [0, 0, 1, 1], [], []>, transpose_lhs_hint = false} : vector<1024x256xf32>, vector<256x128xf32>, vector<1024x128xf32> -> vector<1024x128xf32>
    %add3A_287 = arith.addf %add3A_276, %dot_general3A_286 : vector<1024x128xf32>
    %get3A_288 = arith.constant 0 : index
    %get3A_289 = arith.constant 0 : index
    %get3A_290 = vector.load %arg3[%get3A_288, %get3A_289] : memref<1x128xf32, #tpu.memory_space<vmem>>, vector<1x128xf32>
    %add3A_291 = vector.broadcast %get3A_290 : vector<1x128xf32> to vector<1024x128xf32>
    %add3A_292 = arith.addf %add3A_287, %add3A_291 : vector<1024x128xf32>
    %max3A_293 = arith.constant 0.000000e+00 : f32
    %max3A_294 = vector.broadcast %max3A_293 : f32 to vector<1024x128xf32>
    %max3A_295 = arith.maximumf %add3A_292, %max3A_294 : vector<1024x128xf32>
    %swap3A_296 = arith.constant 2 : index
    %swap3A_297 = arith.constant 0 : index
    %swap3A_298 = arith.constant 0 : index
    %swap3A_299 = vector.load %arg4[%swap3A_296, %swap3A_297, %swap3A_298] : memref<8x1024x128xf32, #tpu.memory_space<vmem>>, vector<1x1024x128xf32>
    %swap3A_300 = vector.shape_cast %swap3A_299 : vector<1x1024x128xf32> to vector<1024x128xf32>
    %swap3A_301 = vector.shape_cast %max3A_295 : vector<1024x128xf32> to vector<1x1024x128xf32>
    tpu.vector_store %arg4[%swap3A_296, %swap3A_297, %swap3A_298], %swap3A_301 {strides = array<i32>} : memref<8x1024x128xf32, #tpu.memory_space<vmem>>, vector<1x1024x128xf32>,
    %slice3A_302 = vector.extract_strided_slice %get3A_4 {offsets = [0, 0, 1, 1, 0], sizes = [2, 8, 8, 8, 256], strides = [1, 1, 1, 1, 1]} : vector<2x10x10x10x256xf32> to vector<2x8x8x8x256xf32>
    %reshape3A_303 = vector.shape_cast %slice3A_302 : vector<2x8x8x8x256xf32> to vector<1024x256xf32>
    %get3A_304 = arith.constant 4 : index
    %get3A_305 = arith.constant 7 : index
    %get3A_306 = arith.constant 0 : index
    %get3A_307 = arith.constant 0 : index
    %get3A_308 = vector.load %arg2[%get3A_304, %get3A_305, %get3A_306, %get3A_307] : memref<8x8x256x128xf32, #tpu.memory_space<vmem>>, vector<1x1x256x128xf32>
    %get3A_309 = vector.shape_cast %get3A_308 : vector<1x1x256x128xf32> to vector<256x128xf32>
    %dot_general3A_310 = arith.constant dense<0.000000e+00> : vector<1024x128xf32>
    %dot_general3A_311 = tpu.matmul %reshape3A_303, %get3A_309, %dot_general3A_310 {dimension_numbers = #tpu.dot_dimension_numbers<[1], [0], [0], [1], [0, 0, 1, 1], [], []>, transpose_lhs_hint = false} : vector<1024x256xf32>, vector<256x128xf32>, vector<1024x128xf32> -> vector<1024x128xf32>
    %slice3A_312 = vector.extract_strided_slice %get3A_4 {offsets = [0, 0, 1, 2, 0], sizes = [2, 8, 8, 8, 256], strides = [1, 1, 1, 1, 1]} : vector<2x10x10x10x256xf32> to vector<2x8x8x8x256xf32>
    %reshape3A_313 = vector.shape_cast %slice3A_312 : vector<2x8x8x8x256xf32> to vector<1024x256xf32>
    %get3A_314 = arith.constant 4 : index
    %get3A_315 = arith.constant 6 : index
    %get3A_316 = arith.constant 0 : index
    %get3A_317 = arith.constant 0 : index
    %get3A_318 = vector.load %arg2[%get3A_314, %get3A_315, %get3A_316, %get3A_317] : memref<8x8x256x128xf32, #tpu.memory_space<vmem>>, vector<1x1x256x128xf32>
    %get3A_319 = vector.shape_cast %get3A_318 : vector<1x1x256x128xf32> to vector<256x128xf32>
    %dot_general3A_320 = arith.constant dense<0.000000e+00> : vector<1024x128xf32>
    %dot_general3A_321 = tpu.matmul %reshape3A_313, %get3A_319, %dot_general3A_320 {dimension_numbers = #tpu.dot_dimension_numbers<[1], [0], [0], [1], [0, 0, 1, 1], [], []>, transpose_lhs_hint = false} : vector<1024x256xf32>, vector<256x128xf32>, vector<1024x128xf32> -> vector<1024x128xf32>
    %add3A_322 = arith.addf %dot_general3A_311, %dot_general3A_321 : vector<1024x128xf32>
    %slice3A_323 = vector.extract_strided_slice %get3A_4 {offsets = [0, 0, 2, 1, 0], sizes = [2, 8, 8, 8, 256], strides = [1, 1, 1, 1, 1]} : vector<2x10x10x10x256xf32> to vector<2x8x8x8x256xf32>
    %reshape3A_324 = vector.shape_cast %slice3A_323 : vector<2x8x8x8x256xf32> to vector<1024x256xf32>
    %get3A_325 = arith.constant 4 : index
    %get3A_326 = arith.constant 5 : index
    %get3A_327 = arith.constant 0 : index
    %get3A_328 = arith.constant 0 : index
    %get3A_329 = vector.load %arg2[%get3A_325, %get3A_326, %get3A_327, %get3A_328] : memref<8x8x256x128xf32, #tpu.memory_space<vmem>>, vector<1x1x256x128xf32>
    %get3A_330 = vector.shape_cast %get3A_329 : vector<1x1x256x128xf32> to vector<256x128xf32>
    %dot_general3A_331 = arith.constant dense<0.000000e+00> : vector<1024x128xf32>
    %dot_general3A_332 = tpu.matmul %reshape3A_324, %get3A_330, %dot_general3A_331 {dimension_numbers = #tpu.dot_dimension_numbers<[1], [0], [0], [1], [0, 0, 1, 1], [], []>, transpose_lhs_hint = false} : vector<1024x256xf32>, vector<256x128xf32>, vector<1024x128xf32> -> vector<1024x128xf32>
    %add3A_333 = arith.addf %add3A_322, %dot_general3A_332 : vector<1024x128xf32>
    %slice3A_334 = vector.extract_strided_slice %get3A_4 {offsets = [0, 0, 2, 2, 0], sizes = [2, 8, 8, 8, 256], strides = [1, 1, 1, 1, 1]} : vector<2x10x10x10x256xf32> to vector<2x8x8x8x256xf32>
    %reshape3A_335 = vector.shape_cast %slice3A_334 : vector<2x8x8x8x256xf32> to vector<1024x256xf32>
    %get3A_336 = arith.constant 4 : index
    %get3A_337 = arith.constant 4 : index
    %get3A_338 = arith.constant 0 : index
    %get3A_339 = arith.constant 0 : index
    %get3A_340 = vector.load %arg2[%get3A_336, %get3A_337, %get3A_338, %get3A_339] : memref<8x8x256x128xf32, #tpu.memory_space<vmem>>, vector<1x1x256x128xf32>
    %get3A_341 = vector.shape_cast %get3A_340 : vector<1x1x256x128xf32> to vector<256x128xf32>
    %dot_general3A_342 = arith.constant dense<0.000000e+00> : vector<1024x128xf32>
    %dot_general3A_343 = tpu.matmul %reshape3A_335, %get3A_341, %dot_general3A_342 {dimension_numbers = #tpu.dot_dimension_numbers<[1], [0], [0], [1], [0, 0, 1, 1], [], []>, transpose_lhs_hint = false} : vector<1024x256xf32>, vector<256x128xf32>, vector<1024x128xf32> -> vector<1024x128xf32>
    %add3A_344 = arith.addf %add3A_333, %dot_general3A_343 : vector<1024x128xf32>
    %slice3A_345 = vector.extract_strided_slice %get3A_4 {offsets = [0, 1, 1, 1, 0], sizes = [2, 8, 8, 8, 256], strides = [1, 1, 1, 1, 1]} : vector<2x10x10x10x256xf32> to vector<2x8x8x8x256xf32>
    %reshape3A_346 = vector.shape_cast %slice3A_345 : vector<2x8x8x8x256xf32> to vector<1024x256xf32>
    %get3A_347 = arith.constant 4 : index
    %get3A_348 = arith.constant 3 : index
    %get3A_349 = arith.constant 0 : index
    %get3A_350 = arith.constant 0 : index
    %get3A_351 = vector.load %arg2[%get3A_347, %get3A_348, %get3A_349, %get3A_350] : memref<8x8x256x128xf32, #tpu.memory_space<vmem>>, vector<1x1x256x128xf32>
    %get3A_352 = vector.shape_cast %get3A_351 : vector<1x1x256x128xf32> to vector<256x128xf32>
    %dot_general3A_353 = arith.constant dense<0.000000e+00> : vector<1024x128xf32>
    %dot_general3A_354 = tpu.matmul %reshape3A_346, %get3A_352, %dot_general3A_353 {dimension_numbers = #tpu.dot_dimension_numbers<[1], [0], [0], [1], [0, 0, 1, 1], [], []>, transpose_lhs_hint = false} : vector<1024x256xf32>, vector<256x128xf32>, vector<1024x128xf32> -> vector<1024x128xf32>
    %add3A_355 = arith.addf %add3A_344, %dot_general3A_354 : vector<1024x128xf32>
    %slice3A_356 = vector.extract_strided_slice %get3A_4 {offsets = [0, 1, 1, 2, 0], sizes = [2, 8, 8, 8, 256], strides = [1, 1, 1, 1, 1]} : vector<2x10x10x10x256xf32> to vector<2x8x8x8x256xf32>
    %reshape3A_357 = vector.shape_cast %slice3A_356 : vector<2x8x8x8x256xf32> to vector<1024x256xf32>
    %get3A_358 = arith.constant 4 : index
    %get3A_359 = arith.constant 2 : index
    %get3A_360 = arith.constant 0 : index
    %get3A_361 = arith.constant 0 : index
    %get3A_362 = vector.load %arg2[%get3A_358, %get3A_359, %get3A_360, %get3A_361] : memref<8x8x256x128xf32, #tpu.memory_space<vmem>>, vector<1x1x256x128xf32>
    %get3A_363 = vector.shape_cast %get3A_362 : vector<1x1x256x128xf32> to vector<256x128xf32>
    %dot_general3A_364 = arith.constant dense<0.000000e+00> : vector<1024x128xf32>
    %dot_general3A_365 = tpu.matmul %reshape3A_357, %get3A_363, %dot_general3A_364 {dimension_numbers = #tpu.dot_dimension_numbers<[1], [0], [0], [1], [0, 0, 1, 1], [], []>, transpose_lhs_hint = false} : vector<1024x256xf32>, vector<256x128xf32>, vector<1024x128xf32> -> vector<1024x128xf32>
    %add3A_366 = arith.addf %add3A_355, %dot_general3A_365 : vector<1024x128xf32>
    %slice3A_367 = vector.extract_strided_slice %get3A_4 {offsets = [0, 1, 2, 1, 0], sizes = [2, 8, 8, 8, 256], strides = [1, 1, 1, 1, 1]} : vector<2x10x10x10x256xf32> to vector<2x8x8x8x256xf32>
    %reshape3A_368 = vector.shape_cast %slice3A_367 : vector<2x8x8x8x256xf32> to vector<1024x256xf32>
    %get3A_369 = arith.constant 4 : index
    %get3A_370 = arith.constant 1 : index
    %get3A_371 = arith.constant 0 : index
    %get3A_372 = arith.constant 0 : index
    %get3A_373 = vector.load %arg2[%get3A_369, %get3A_370, %get3A_371, %get3A_372] : memref<8x8x256x128xf32, #tpu.memory_space<vmem>>, vector<1x1x256x128xf32>
    %get3A_374 = vector.shape_cast %get3A_373 : vector<1x1x256x128xf32> to vector<256x128xf32>
    %dot_general3A_375 = arith.constant dense<0.000000e+00> : vector<1024x128xf32>
    %dot_general3A_376 = tpu.matmul %reshape3A_368, %get3A_374, %dot_general3A_375 {dimension_numbers = #tpu.dot_dimension_numbers<[1], [0], [0], [1], [0, 0, 1, 1], [], []>, transpose_lhs_hint = false} : vector<1024x256xf32>, vector<256x128xf32>, vector<1024x128xf32> -> vector<1024x128xf32>
    %add3A_377 = arith.addf %add3A_366, %dot_general3A_376 : vector<1024x128xf32>
    %slice3A_378 = vector.extract_strided_slice %get3A_4 {offsets = [0, 1, 2, 2, 0], sizes = [2, 8, 8, 8, 256], strides = [1, 1, 1, 1, 1]} : vector<2x10x10x10x256xf32> to vector<2x8x8x8x256xf32>
    %reshape3A_379 = vector.shape_cast %slice3A_378 : vector<2x8x8x8x256xf32> to vector<1024x256xf32>
    %get3A_380 = arith.constant 4 : index
    %get3A_381 = arith.constant 0 : index
    %get3A_382 = arith.constant 0 : index
    %get3A_383 = arith.constant 0 : index
    %get3A_384 = vector.load %arg2[%get3A_380, %get3A_381, %get3A_382, %get3A_383] : memref<8x8x256x128xf32, #tpu.memory_space<vmem>>, vector<1x1x256x128xf32>
    %get3A_385 = vector.shape_cast %get3A_384 : vector<1x1x256x128xf32> to vector<256x128xf32>
    %dot_general3A_386 = arith.constant dense<0.000000e+00> : vector<1024x128xf32>
    %dot_general3A_387 = tpu.matmul %reshape3A_379, %get3A_385, %dot_general3A_386 {dimension_numbers = #tpu.dot_dimension_numbers<[1], [0], [0], [1], [0, 0, 1, 1], [], []>, transpose_lhs_hint = false} : vector<1024x256xf32>, vector<256x128xf32>, vector<1024x128xf32> -> vector<1024x128xf32>
    %add3A_388 = arith.addf %add3A_377, %dot_general3A_387 : vector<1024x128xf32>
    %get3A_389 = arith.constant 0 : index
    %get3A_390 = arith.constant 0 : index
    %get3A_391 = vector.load %arg3[%get3A_389, %get3A_390] : memref<1x128xf32, #tpu.memory_space<vmem>>, vector<1x128xf32>
    %add3A_392 = vector.broadcast %get3A_391 : vector<1x128xf32> to vector<1024x128xf32>
    %add3A_393 = arith.addf %add3A_388, %add3A_392 : vector<1024x128xf32>
    %max3A_394 = arith.constant 0.000000e+00 : f32
    %max3A_395 = vector.broadcast %max3A_394 : f32 to vector<1024x128xf32>
    %max3A_396 = arith.maximumf %add3A_393, %max3A_395 : vector<1024x128xf32>
    %swap3A_397 = arith.constant 3 : index
    %swap3A_398 = arith.constant 0 : index
    %swap3A_399 = arith.constant 0 : index
    %swap3A_400 = vector.load %arg4[%swap3A_397, %swap3A_398, %swap3A_399] : memref<8x1024x128xf32, #tpu.memory_space<vmem>>, vector<1x1024x128xf32>
    %swap3A_401 = vector.shape_cast %swap3A_400 : vector<1x1024x128xf32> to vector<1024x128xf32>
    %swap3A_402 = vector.shape_cast %max3A_396 : vector<1024x128xf32> to vector<1x1024x128xf32>
    tpu.vector_store %arg4[%swap3A_397, %swap3A_398, %swap3A_399], %swap3A_402 {strides = array<i32>} : memref<8x1024x128xf32, #tpu.memory_space<vmem>>, vector<1x1024x128xf32>,
    %slice3A_403 = vector.extract_strided_slice %get3A_4 {offsets = [0, 1, 0, 0, 0], sizes = [2, 8, 8, 8, 256], strides = [1, 1, 1, 1, 1]} : vector<2x10x10x10x256xf32> to vector<2x8x8x8x256xf32>
    %reshape3A_404 = vector.shape_cast %slice3A_403 : vector<2x8x8x8x256xf32> to vector<1024x256xf32>
    %get3A_405 = arith.constant 3 : index
    %get3A_406 = arith.constant 7 : index
    %get3A_407 = arith.constant 0 : index
    %get3A_408 = arith.constant 0 : index
    %get3A_409 = vector.load %arg2[%get3A_405, %get3A_406, %get3A_407, %get3A_408] : memref<8x8x256x128xf32, #tpu.memory_space<vmem>>, vector<1x1x256x128xf32>
    %get3A_410 = vector.shape_cast %get3A_409 : vector<1x1x256x128xf32> to vector<256x128xf32>
    %dot_general3A_411 = arith.constant dense<0.000000e+00> : vector<1024x128xf32>
    %dot_general3A_412 = tpu.matmul %reshape3A_404, %get3A_410, %dot_general3A_411 {dimension_numbers = #tpu.dot_dimension_numbers<[1], [0], [0], [1], [0, 0, 1, 1], [], []>, transpose_lhs_hint = false} : vector<1024x256xf32>, vector<256x128xf32>, vector<1024x128xf32> -> vector<1024x128xf32>
    %slice3A_413 = vector.extract_strided_slice %get3A_4 {offsets = [0, 1, 0, 1, 0], sizes = [2, 8, 8, 8, 256], strides = [1, 1, 1, 1, 1]} : vector<2x10x10x10x256xf32> to vector<2x8x8x8x256xf32>
    %reshape3A_414 = vector.shape_cast %slice3A_413 : vector<2x8x8x8x256xf32> to vector<1024x256xf32>
    %get3A_415 = arith.constant 3 : index
    %get3A_416 = arith.constant 6 : index
    %get3A_417 = arith.constant 0 : index
    %get3A_418 = arith.constant 0 : index
    %get3A_419 = vector.load %arg2[%get3A_415, %get3A_416, %get3A_417, %get3A_418] : memref<8x8x256x128xf32, #tpu.memory_space<vmem>>, vector<1x1x256x128xf32>
    %get3A_420 = vector.shape_cast %get3A_419 : vector<1x1x256x128xf32> to vector<256x128xf32>
    %dot_general3A_421 = arith.constant dense<0.000000e+00> : vector<1024x128xf32>
    %dot_general3A_422 = tpu.matmul %reshape3A_414, %get3A_420, %dot_general3A_421 {dimension_numbers = #tpu.dot_dimension_numbers<[1], [0], [0], [1], [0, 0, 1, 1], [], []>, transpose_lhs_hint = false} : vector<1024x256xf32>, vector<256x128xf32>, vector<1024x128xf32> -> vector<1024x128xf32>
    %add3A_423 = arith.addf %dot_general3A_412, %dot_general3A_422 : vector<1024x128xf32>
    %slice3A_424 = vector.extract_strided_slice %get3A_4 {offsets = [0, 1, 1, 0, 0], sizes = [2, 8, 8, 8, 256], strides = [1, 1, 1, 1, 1]} : vector<2x10x10x10x256xf32> to vector<2x8x8x8x256xf32>
    %reshape3A_425 = vector.shape_cast %slice3A_424 : vector<2x8x8x8x256xf32> to vector<1024x256xf32>
    %get3A_426 = arith.constant 3 : index
    %get3A_427 = arith.constant 5 : index
    %get3A_428 = arith.constant 0 : index
    %get3A_429 = arith.constant 0 : index
    %get3A_430 = vector.load %arg2[%get3A_426, %get3A_427, %get3A_428, %get3A_429] : memref<8x8x256x128xf32, #tpu.memory_space<vmem>>, vector<1x1x256x128xf32>
    %get3A_431 = vector.shape_cast %get3A_430 : vector<1x1x256x128xf32> to vector<256x128xf32>
    %dot_general3A_432 = arith.constant dense<0.000000e+00> : vector<1024x128xf32>
    %dot_general3A_433 = tpu.matmul %reshape3A_425, %get3A_431, %dot_general3A_432 {dimension_numbers = #tpu.dot_dimension_numbers<[1], [0], [0], [1], [0, 0, 1, 1], [], []>, transpose_lhs_hint = false} : vector<1024x256xf32>, vector<256x128xf32>, vector<1024x128xf32> -> vector<1024x128xf32>
    %add3A_434 = arith.addf %add3A_423, %dot_general3A_433 : vector<1024x128xf32>
    %slice3A_435 = vector.extract_strided_slice %get3A_4 {offsets = [0, 1, 1, 1, 0], sizes = [2, 8, 8, 8, 256], strides = [1, 1, 1, 1, 1]} : vector<2x10x10x10x256xf32> to vector<2x8x8x8x256xf32>
    %reshape3A_436 = vector.shape_cast %slice3A_435 : vector<2x8x8x8x256xf32> to vector<1024x256xf32>
    %get3A_437 = arith.constant 3 : index
    %get3A_438 = arith.constant 4 : index
    %get3A_439 = arith.constant 0 : index
    %get3A_440 = arith.constant 0 : index
    %get3A_441 = vector.load %arg2[%get3A_437, %get3A_438, %get3A_439, %get3A_440] : memref<8x8x256x128xf32, #tpu.memory_space<vmem>>, vector<1x1x256x128xf32>
    %get3A_442 = vector.shape_cast %get3A_441 : vector<1x1x256x128xf32> to vector<256x128xf32>
    %dot_general3A_443 = arith.constant dense<0.000000e+00> : vector<1024x128xf32>
    %dot_general3A_444 = tpu.matmul %reshape3A_436, %get3A_442, %dot_general3A_443 {dimension_numbers = #tpu.dot_dimension_numbers<[1], [0], [0], [1], [0, 0, 1, 1], [], []>, transpose_lhs_hint = false} : vector<1024x256xf32>, vector<256x128xf32>, vector<1024x128xf32> -> vector<1024x128xf32>
    %add3A_445 = arith.addf %add3A_434, %dot_general3A_444 : vector<1024x128xf32>
    %slice3A_446 = vector.extract_strided_slice %get3A_4 {offsets = [0, 2, 0, 0, 0], sizes = [2, 8, 8, 8, 256], strides = [1, 1, 1, 1, 1]} : vector<2x10x10x10x256xf32> to vector<2x8x8x8x256xf32>
    %reshape3A_447 = vector.shape_cast %slice3A_446 : vector<2x8x8x8x256xf32> to vector<1024x256xf32>
    %get3A_448 = arith.constant 3 : index
    %get3A_449 = arith.constant 3 : index
    %get3A_450 = arith.constant 0 : index
    %get3A_451 = arith.constant 0 : index
    %get3A_452 = vector.load %arg2[%get3A_448, %get3A_449, %get3A_450, %get3A_451] : memref<8x8x256x128xf32, #tpu.memory_space<vmem>>, vector<1x1x256x128xf32>
    %get3A_453 = vector.shape_cast %get3A_452 : vector<1x1x256x128xf32> to vector<256x128xf32>
    %dot_general3A_454 = arith.constant dense<0.000000e+00> : vector<1024x128xf32>
    %dot_general3A_455 = tpu.matmul %reshape3A_447, %get3A_453, %dot_general3A_454 {dimension_numbers = #tpu.dot_dimension_numbers<[1], [0], [0], [1], [0, 0, 1, 1], [], []>, transpose_lhs_hint = false} : vector<1024x256xf32>, vector<256x128xf32>, vector<1024x128xf32> -> vector<1024x128xf32>
    %add3A_456 = arith.addf %add3A_445, %dot_general3A_455 : vector<1024x128xf32>
    %slice3A_457 = vector.extract_strided_slice %get3A_4 {offsets = [0, 2, 0, 1, 0], sizes = [2, 8, 8, 8, 256], strides = [1, 1, 1, 1, 1]} : vector<2x10x10x10x256xf32> to vector<2x8x8x8x256xf32>
    %reshape3A_458 = vector.shape_cast %slice3A_457 : vector<2x8x8x8x256xf32> to vector<1024x256xf32>
    %get3A_459 = arith.constant 3 : index
    %get3A_460 = arith.constant 2 : index
    %get3A_461 = arith.constant 0 : index
    %get3A_462 = arith.constant 0 : index
    %get3A_463 = vector.load %arg2[%get3A_459, %get3A_460, %get3A_461, %get3A_462] : memref<8x8x256x128xf32, #tpu.memory_space<vmem>>, vector<1x1x256x128xf32>
    %get3A_464 = vector.shape_cast %get3A_463 : vector<1x1x256x128xf32> to vector<256x128xf32>
    %dot_general3A_465 = arith.constant dense<0.000000e+00> : vector<1024x128xf32>
    %dot_general3A_466 = tpu.matmul %reshape3A_458, %get3A_464, %dot_general3A_465 {dimension_numbers = #tpu.dot_dimension_numbers<[1], [0], [0], [1], [0, 0, 1, 1], [], []>, transpose_lhs_hint = false} : vector<1024x256xf32>, vector<256x128xf32>, vector<1024x128xf32> -> vector<1024x128xf32>
    %add3A_467 = arith.addf %add3A_456, %dot_general3A_466 : vector<1024x128xf32>
    %slice3A_468 = vector.extract_strided_slice %get3A_4 {offsets = [0, 2, 1, 0, 0], sizes = [2, 8, 8, 8, 256], strides = [1, 1, 1, 1, 1]} : vector<2x10x10x10x256xf32> to vector<2x8x8x8x256xf32>
    %reshape3A_469 = vector.shape_cast %slice3A_468 : vector<2x8x8x8x256xf32> to vector<1024x256xf32>
    %get3A_470 = arith.constant 3 : index
    %get3A_471 = arith.constant 1 : index
    %get3A_472 = arith.constant 0 : index
    %get3A_473 = arith.constant 0 : index
    %get3A_474 = vector.load %arg2[%get3A_470, %get3A_471, %get3A_472, %get3A_473] : memref<8x8x256x128xf32, #tpu.memory_space<vmem>>, vector<1x1x256x128xf32>
    %get3A_475 = vector.shape_cast %get3A_474 : vector<1x1x256x128xf32> to vector<256x128xf32>
    %dot_general3A_476 = arith.constant dense<0.000000e+00> : vector<1024x128xf32>
    %dot_general3A_477 = tpu.matmul %reshape3A_469, %get3A_475, %dot_general3A_476 {dimension_numbers = #tpu.dot_dimension_numbers<[1], [0], [0], [1], [0, 0, 1, 1], [], []>, transpose_lhs_hint = false} : vector<1024x256xf32>, vector<256x128xf32>, vector<1024x128xf32> -> vector<1024x128xf32>
    %add3A_478 = arith.addf %add3A_467, %dot_general3A_477 : vector<1024x128xf32>
    %slice3A_479 = vector.extract_strided_slice %get3A_4 {offsets = [0, 2, 1, 1, 0], sizes = [2, 8, 8, 8, 256], strides = [1, 1, 1, 1, 1]} : vector<2x10x10x10x256xf32> to vector<2x8x8x8x256xf32>
    %reshape3A_480 = vector.shape_cast %slice3A_479 : vector<2x8x8x8x256xf32> to vector<1024x256xf32>
    %get3A_481 = arith.constant 3 : index
    %get3A_482 = arith.constant 0 : index
    %get3A_483 = arith.constant 0 : index
    %get3A_484 = arith.constant 0 : index
    %get3A_485 = vector.load %arg2[%get3A_481, %get3A_482, %get3A_483, %get3A_484] : memref<8x8x256x128xf32, #tpu.memory_space<vmem>>, vector<1x1x256x128xf32>
    %get3A_486 = vector.shape_cast %get3A_485 : vector<1x1x256x128xf32> to vector<256x128xf32>
    %dot_general3A_487 = arith.constant dense<0.000000e+00> : vector<1024x128xf32>
    %dot_general3A_488 = tpu.matmul %reshape3A_480, %get3A_486, %dot_general3A_487 {dimension_numbers = #tpu.dot_dimension_numbers<[1], [0], [0], [1], [0, 0, 1, 1], [], []>, transpose_lhs_hint = false} : vector<1024x256xf32>, vector<256x128xf32>, vector<1024x128xf32> -> vector<1024x128xf32>
    %add3A_489 = arith.addf %add3A_478, %dot_general3A_488 : vector<1024x128xf32>
    %get3A_490 = arith.constant 0 : index
    %get3A_491 = arith.constant 0 : index
    %get3A_492 = vector.load %arg3[%get3A_490, %get3A_491] : memref<1x128xf32, #tpu.memory_space<vmem>>, vector<1x128xf32>
    %add3A_493 = vector.broadcast %get3A_492 : vector<1x128xf32> to vector<1024x128xf32>
    %add3A_494 = arith.addf %add3A_489, %add3A_493 : vector<1024x128xf32>
    %max3A_495 = arith.constant 0.000000e+00 : f32
    %max3A_496 = vector.broadcast %max3A_495 : f32 to vector<1024x128xf32>
    %max3A_497 = arith.maximumf %add3A_494, %max3A_496 : vector<1024x128xf32>
    %swap3A_498 = arith.constant 4 : index
    %swap3A_499 = arith.constant 0 : index
    %swap3A_500 = arith.constant 0 : index
    %swap3A_501 = vector.load %arg4[%swap3A_498, %swap3A_499, %swap3A_500] : memref<8x1024x128xf32, #tpu.memory_space<vmem>>, vector<1x1024x128xf32>
    %swap3A_502 = vector.shape_cast %swap3A_501 : vector<1x1024x128xf32> to vector<1024x128xf32>
    %swap3A_503 = vector.shape_cast %max3A_497 : vector<1024x128xf32> to vector<1x1024x128xf32>
    tpu.vector_store %arg4[%swap3A_498, %swap3A_499, %swap3A_500], %swap3A_503 {strides = array<i32>} : memref<8x1024x128xf32, #tpu.memory_space<vmem>>, vector<1x1024x128xf32>,
    %slice3A_504 = vector.extract_strided_slice %get3A_4 {offsets = [0, 1, 0, 1, 0], sizes = [2, 8, 8, 8, 256], strides = [1, 1, 1, 1, 1]} : vector<2x10x10x10x256xf32> to vector<2x8x8x8x256xf32>
    %reshape3A_505 = vector.shape_cast %slice3A_504 : vector<2x8x8x8x256xf32> to vector<1024x256xf32>
    %get3A_506 = arith.constant 2 : index
    %get3A_507 = arith.constant 7 : index
    %get3A_508 = arith.constant 0 : index
    %get3A_509 = arith.constant 0 : index
    %get3A_510 = vector.load %arg2[%get3A_506, %get3A_507, %get3A_508, %get3A_509] : memref<8x8x256x128xf32, #tpu.memory_space<vmem>>, vector<1x1x256x128xf32>
    %get3A_511 = vector.shape_cast %get3A_510 : vector<1x1x256x128xf32> to vector<256x128xf32>
    %dot_general3A_512 = arith.constant dense<0.000000e+00> : vector<1024x128xf32>
    %dot_general3A_513 = tpu.matmul %reshape3A_505, %get3A_511, %dot_general3A_512 {dimension_numbers = #tpu.dot_dimension_numbers<[1], [0], [0], [1], [0, 0, 1, 1], [], []>, transpose_lhs_hint = false} : vector<1024x256xf32>, vector<256x128xf32>, vector<1024x128xf32> -> vector<1024x128xf32>
    %slice3A_514 = vector.extract_strided_slice %get3A_4 {offsets = [0, 1, 0, 2, 0], sizes = [2, 8, 8, 8, 256], strides = [1, 1, 1, 1, 1]} : vector<2x10x10x10x256xf32> to vector<2x8x8x8x256xf32>
    %reshape3A_515 = vector.shape_cast %slice3A_514 : vector<2x8x8x8x256xf32> to vector<1024x256xf32>
    %get3A_516 = arith.constant 2 : index
    %get3A_517 = arith.constant 6 : index
    %get3A_518 = arith.constant 0 : index
    %get3A_519 = arith.constant 0 : index
    %get3A_520 = vector.load %arg2[%get3A_516, %get3A_517, %get3A_518, %get3A_519] : memref<8x8x256x128xf32, #tpu.memory_space<vmem>>, vector<1x1x256x128xf32>
    %get3A_521 = vector.shape_cast %get3A_520 : vector<1x1x256x128xf32> to vector<256x128xf32>
    %dot_general3A_522 = arith.constant dense<0.000000e+00> : vector<1024x128xf32>
    %dot_general3A_523 = tpu.matmul %reshape3A_515, %get3A_521, %dot_general3A_522 {dimension_numbers = #tpu.dot_dimension_numbers<[1], [0], [0], [1], [0, 0, 1, 1], [], []>, transpose_lhs_hint = false} : vector<1024x256xf32>, vector<256x128xf32>, vector<1024x128xf32> -> vector<1024x128xf32>
    %add3A_524 = arith.addf %dot_general3A_513, %dot_general3A_523 : vector<1024x128xf32>
    %slice3A_525 = vector.extract_strided_slice %get3A_4 {offsets = [0, 1, 1, 1, 0], sizes = [2, 8, 8, 8, 256], strides = [1, 1, 1, 1, 1]} : vector<2x10x10x10x256xf32> to vector<2x8x8x8x256xf32>
    %reshape3A_526 = vector.shape_cast %slice3A_525 : vector<2x8x8x8x256xf32> to vector<1024x256xf32>
    %get3A_527 = arith.constant 2 : index
    %get3A_528 = arith.constant 5 : index
    %get3A_529 = arith.constant 0 : index
    %get3A_530 = arith.constant 0 : index
    %get3A_531 = vector.load %arg2[%get3A_527, %get3A_528, %get3A_529, %get3A_530] : memref<8x8x256x128xf32, #tpu.memory_space<vmem>>, vector<1x1x256x128xf32>
    %get3A_532 = vector.shape_cast %get3A_531 : vector<1x1x256x128xf32> to vector<256x128xf32>
    %dot_general3A_533 = arith.constant dense<0.000000e+00> : vector<1024x128xf32>
    %dot_general3A_534 = tpu.matmul %reshape3A_526, %get3A_532, %dot_general3A_533 {dimension_numbers = #tpu.dot_dimension_numbers<[1], [0], [0], [1], [0, 0, 1, 1], [], []>, transpose_lhs_hint = false} : vector<1024x256xf32>, vector<256x128xf32>, vector<1024x128xf32> -> vector<1024x128xf32>
    %add3A_535 = arith.addf %add3A_524, %dot_general3A_534 : vector<1024x128xf32>
    %slice3A_536 = vector.extract_strided_slice %get3A_4 {offsets = [0, 1, 1, 2, 0], sizes = [2, 8, 8, 8, 256], strides = [1, 1, 1, 1, 1]} : vector<2x10x10x10x256xf32> to vector<2x8x8x8x256xf32>
    %reshape3A_537 = vector.shape_cast %slice3A_536 : vector<2x8x8x8x256xf32> to vector<1024x256xf32>
    %get3A_538 = arith.constant 2 : index
    %get3A_539 = arith.constant 4 : index
    %get3A_540 = arith.constant 0 : index
    %get3A_541 = arith.constant 0 : index
    %get3A_542 = vector.load %arg2[%get3A_538, %get3A_539, %get3A_540, %get3A_541] : memref<8x8x256x128xf32, #tpu.memory_space<vmem>>, vector<1x1x256x128xf32>
    %get3A_543 = vector.shape_cast %get3A_542 : vector<1x1x256x128xf32> to vector<256x128xf32>
    %dot_general3A_544 = arith.constant dense<0.000000e+00> : vector<1024x128xf32>
    %dot_general3A_545 = tpu.matmul %reshape3A_537, %get3A_543, %dot_general3A_544 {dimension_numbers = #tpu.dot_dimension_numbers<[1], [0], [0], [1], [0, 0, 1, 1], [], []>, transpose_lhs_hint = false} : vector<1024x256xf32>, vector<256x128xf32>, vector<1024x128xf32> -> vector<1024x128xf32>
    %add3A_546 = arith.addf %add3A_535, %dot_general3A_545 : vector<1024x128xf32>
    %slice3A_547 = vector.extract_strided_slice %get3A_4 {offsets = [0, 2, 0, 1, 0], sizes = [2, 8, 8, 8, 256], strides = [1, 1, 1, 1, 1]} : vector<2x10x10x10x256xf32> to vector<2x8x8x8x256xf32>
    %reshape3A_548 = vector.shape_cast %slice3A_547 : vector<2x8x8x8x256xf32> to vector<1024x256xf32>
    %get3A_549 = arith.constant 2 : index
    %get3A_550 = arith.constant 3 : index
    %get3A_551 = arith.constant 0 : index
    %get3A_552 = arith.constant 0 : index
    %get3A_553 = vector.load %arg2[%get3A_549, %get3A_550, %get3A_551, %get3A_552] : memref<8x8x256x128xf32, #tpu.memory_space<vmem>>, vector<1x1x256x128xf32>
    %get3A_554 = vector.shape_cast %get3A_553 : vector<1x1x256x128xf32> to vector<256x128xf32>
    %dot_general3A_555 = arith.constant dense<0.000000e+00> : vector<1024x128xf32>
    %dot_general3A_556 = tpu.matmul %reshape3A_548, %get3A_554, %dot_general3A_555 {dimension_numbers = #tpu.dot_dimension_numbers<[1], [0], [0], [1], [0, 0, 1, 1], [], []>, transpose_lhs_hint = false} : vector<1024x256xf32>, vector<256x128xf32>, vector<1024x128xf32> -> vector<1024x128xf32>
    %add3A_557 = arith.addf %add3A_546, %dot_general3A_556 : vector<1024x128xf32>
    %slice3A_558 = vector.extract_strided_slice %get3A_4 {offsets = [0, 2, 0, 2, 0], sizes = [2, 8, 8, 8, 256], strides = [1, 1, 1, 1, 1]} : vector<2x10x10x10x256xf32> to vector<2x8x8x8x256xf32>
    %reshape3A_559 = vector.shape_cast %slice3A_558 : vector<2x8x8x8x256xf32> to vector<1024x256xf32>
    %get3A_560 = arith.constant 2 : index
    %get3A_561 = arith.constant 2 : index
    %get3A_562 = arith.constant 0 : index
    %get3A_563 = arith.constant 0 : index
    %get3A_564 = vector.load %arg2[%get3A_560, %get3A_561, %get3A_562, %get3A_563] : memref<8x8x256x128xf32, #tpu.memory_space<vmem>>, vector<1x1x256x128xf32>
    %get3A_565 = vector.shape_cast %get3A_564 : vector<1x1x256x128xf32> to vector<256x128xf32>
    %dot_general3A_566 = arith.constant dense<0.000000e+00> : vector<1024x128xf32>
    %dot_general3A_567 = tpu.matmul %reshape3A_559, %get3A_565, %dot_general3A_566 {dimension_numbers = #tpu.dot_dimension_numbers<[1], [0], [0], [1], [0, 0, 1, 1], [], []>, transpose_lhs_hint = false} : vector<1024x256xf32>, vector<256x128xf32>, vector<1024x128xf32> -> vector<1024x128xf32>
    %add3A_568 = arith.addf %add3A_557, %dot_general3A_567 : vector<1024x128xf32>
    %slice3A_569 = vector.extract_strided_slice %get3A_4 {offsets = [0, 2, 1, 1, 0], sizes = [2, 8, 8, 8, 256], strides = [1, 1, 1, 1, 1]} : vector<2x10x10x10x256xf32> to vector<2x8x8x8x256xf32>
    %reshape3A_570 = vector.shape_cast %slice3A_569 : vector<2x8x8x8x256xf32> to vector<1024x256xf32>
    %get3A_571 = arith.constant 2 : index
    %get3A_572 = arith.constant 1 : index
    %get3A_573 = arith.constant 0 : index
    %get3A_574 = arith.constant 0 : index
    %get3A_575 = vector.load %arg2[%get3A_571, %get3A_572, %get3A_573, %get3A_574] : memref<8x8x256x128xf32, #tpu.memory_space<vmem>>, vector<1x1x256x128xf32>
    %get3A_576 = vector.shape_cast %get3A_575 : vector<1x1x256x128xf32> to vector<256x128xf32>
    %dot_general3A_577 = arith.constant dense<0.000000e+00> : vector<1024x128xf32>
    %dot_general3A_578 = tpu.matmul %reshape3A_570, %get3A_576, %dot_general3A_577 {dimension_numbers = #tpu.dot_dimension_numbers<[1], [0], [0], [1], [0, 0, 1, 1], [], []>, transpose_lhs_hint = false} : vector<1024x256xf32>, vector<256x128xf32>, vector<1024x128xf32> -> vector<1024x128xf32>
    %add3A_579 = arith.addf %add3A_568, %dot_general3A_578 : vector<1024x128xf32>
    %slice3A_580 = vector.extract_strided_slice %get3A_4 {offsets = [0, 2, 1, 2, 0], sizes = [2, 8, 8, 8, 256], strides = [1, 1, 1, 1, 1]} : vector<2x10x10x10x256xf32> to vector<2x8x8x8x256xf32>
    %reshape3A_581 = vector.shape_cast %slice3A_580 : vector<2x8x8x8x256xf32> to vector<1024x256xf32>
    %get3A_582 = arith.constant 2 : index
    %get3A_583 = arith.constant 0 : index
    %get3A_584 = arith.constant 0 : index
    %get3A_585 = arith.constant 0 : index
    %get3A_586 = vector.load %arg2[%get3A_582, %get3A_583, %get3A_584, %get3A_585] : memref<8x8x256x128xf32, #tpu.memory_space<vmem>>, vector<1x1x256x128xf32>
    %get3A_587 = vector.shape_cast %get3A_586 : vector<1x1x256x128xf32> to vector<256x128xf32>
    %dot_general3A_588 = arith.constant dense<0.000000e+00> : vector<1024x128xf32>
    %dot_general3A_589 = tpu.matmul %reshape3A_581, %get3A_587, %dot_general3A_588 {dimension_numbers = #tpu.dot_dimension_numbers<[1], [0], [0], [1], [0, 0, 1, 1], [], []>, transpose_lhs_hint = false} : vector<1024x256xf32>, vector<256x128xf32>, vector<1024x128xf32> -> vector<1024x128xf32>
    %add3A_590 = arith.addf %add3A_579, %dot_general3A_589 : vector<1024x128xf32>
    %get3A_591 = arith.constant 0 : index
    %get3A_592 = arith.constant 0 : index
    %get3A_593 = vector.load %arg3[%get3A_591, %get3A_592] : memref<1x128xf32, #tpu.memory_space<vmem>>, vector<1x128xf32>
    %add3A_594 = vector.broadcast %get3A_593 : vector<1x128xf32> to vector<1024x128xf32>
    %add3A_595 = arith.addf %add3A_590, %add3A_594 : vector<1024x128xf32>
    %max3A_596 = arith.constant 0.000000e+00 : f32
    %max3A_597 = vector.broadcast %max3A_596 : f32 to vector<1024x128xf32>
    %max3A_598 = arith.maximumf %add3A_595, %max3A_597 : vector<1024x128xf32>
    %swap3A_599 = arith.constant 5 : index
    %swap3A_600 = arith.constant 0 : index
    %swap3A_601 = arith.constant 0 : index
    %swap3A_602 = vector.load %arg4[%swap3A_599, %swap3A_600, %swap3A_601] : memref<8x1024x128xf32, #tpu.memory_space<vmem>>, vector<1x1024x128xf32>
    %swap3A_603 = vector.shape_cast %swap3A_602 : vector<1x1024x128xf32> to vector<1024x128xf32>
    %swap3A_604 = vector.shape_cast %max3A_598 : vector<1024x128xf32> to vector<1x1024x128xf32>
    tpu.vector_store %arg4[%swap3A_599, %swap3A_600, %swap3A_601], %swap3A_604 {strides = array<i32>} : memref<8x1024x128xf32, #tpu.memory_space<vmem>>, vector<1x1024x128xf32>,
    %slice3A_605 = vector.extract_strided_slice %get3A_4 {offsets = [0, 1, 1, 0, 0], sizes = [2, 8, 8, 8, 256], strides = [1, 1, 1, 1, 1]} : vector<2x10x10x10x256xf32> to vector<2x8x8x8x256xf32>
    %reshape3A_606 = vector.shape_cast %slice3A_605 : vector<2x8x8x8x256xf32> to vector<1024x256xf32>
    %get3A_607 = arith.constant 1 : index
    %get3A_608 = arith.constant 7 : index
    %get3A_609 = arith.constant 0 : index
    %get3A_610 = arith.constant 0 : index
    %get3A_611 = vector.load %arg2[%get3A_607, %get3A_608, %get3A_609, %get3A_610] : memref<8x8x256x128xf32, #tpu.memory_space<vmem>>, vector<1x1x256x128xf32>
    %get3A_612 = vector.shape_cast %get3A_611 : vector<1x1x256x128xf32> to vector<256x128xf32>
    %dot_general3A_613 = arith.constant dense<0.000000e+00> : vector<1024x128xf32>
    %dot_general3A_614 = tpu.matmul %reshape3A_606, %get3A_612, %dot_general3A_613 {dimension_numbers = #tpu.dot_dimension_numbers<[1], [0], [0], [1], [0, 0, 1, 1], [], []>, transpose_lhs_hint = false} : vector<1024x256xf32>, vector<256x128xf32>, vector<1024x128xf32> -> vector<1024x128xf32>
    %slice3A_615 = vector.extract_strided_slice %get3A_4 {offsets = [0, 1, 1, 1, 0], sizes = [2, 8, 8, 8, 256], strides = [1, 1, 1, 1, 1]} : vector<2x10x10x10x256xf32> to vector<2x8x8x8x256xf32>
    %reshape3A_616 = vector.shape_cast %slice3A_615 : vector<2x8x8x8x256xf32> to vector<1024x256xf32>
    %get3A_617 = arith.constant 1 : index
    %get3A_618 = arith.constant 6 : index
    %get3A_619 = arith.constant 0 : index
    %get3A_620 = arith.constant 0 : index
    %get3A_621 = vector.load %arg2[%get3A_617, %get3A_618, %get3A_619, %get3A_620] : memref<8x8x256x128xf32, #tpu.memory_space<vmem>>, vector<1x1x256x128xf32>
    %get3A_622 = vector.shape_cast %get3A_621 : vector<1x1x256x128xf32> to vector<256x128xf32>
    %dot_general3A_623 = arith.constant dense<0.000000e+00> : vector<1024x128xf32>
    %dot_general3A_624 = tpu.matmul %reshape3A_616, %get3A_622, %dot_general3A_623 {dimension_numbers = #tpu.dot_dimension_numbers<[1], [0], [0], [1], [0, 0, 1, 1], [], []>, transpose_lhs_hint = false} : vector<1024x256xf32>, vector<256x128xf32>, vector<1024x128xf32> -> vector<1024x128xf32>
    %add3A_625 = arith.addf %dot_general3A_614, %dot_general3A_624 : vector<1024x128xf32>
    %slice3A_626 = vector.extract_strided_slice %get3A_4 {offsets = [0, 1, 2, 0, 0], sizes = [2, 8, 8, 8, 256], strides = [1, 1, 1, 1, 1]} : vector<2x10x10x10x256xf32> to vector<2x8x8x8x256xf32>
    %reshape3A_627 = vector.shape_cast %slice3A_626 : vector<2x8x8x8x256xf32> to vector<1024x256xf32>
    %get3A_628 = arith.constant 1 : index
    %get3A_629 = arith.constant 5 : index
    %get3A_630 = arith.constant 0 : index
    %get3A_631 = arith.constant 0 : index
    %get3A_632 = vector.load %arg2[%get3A_628, %get3A_629, %get3A_630, %get3A_631] : memref<8x8x256x128xf32, #tpu.memory_space<vmem>>, vector<1x1x256x128xf32>
    %get3A_633 = vector.shape_cast %get3A_632 : vector<1x1x256x128xf32> to vector<256x128xf32>
    %dot_general3A_634 = arith.constant dense<0.000000e+00> : vector<1024x128xf32>
    %dot_general3A_635 = tpu.matmul %reshape3A_627, %get3A_633, %dot_general3A_634 {dimension_numbers = #tpu.dot_dimension_numbers<[1], [0], [0], [1], [0, 0, 1, 1], [], []>, transpose_lhs_hint = false} : vector<1024x256xf32>, vector<256x128xf32>, vector<1024x128xf32> -> vector<1024x128xf32>
    %add3A_636 = arith.addf %add3A_625, %dot_general3A_635 : vector<1024x128xf32>
    %slice3A_637 = vector.extract_strided_slice %get3A_4 {offsets = [0, 1, 2, 1, 0], sizes = [2, 8, 8, 8, 256], strides = [1, 1, 1, 1, 1]} : vector<2x10x10x10x256xf32> to vector<2x8x8x8x256xf32>
    %reshape3A_638 = vector.shape_cast %slice3A_637 : vector<2x8x8x8x256xf32> to vector<1024x256xf32>
    %get3A_639 = arith.constant 1 : index
    %get3A_640 = arith.constant 4 : index
    %get3A_641 = arith.constant 0 : index
    %get3A_642 = arith.constant 0 : index
    %get3A_643 = vector.load %arg2[%get3A_639, %get3A_640, %get3A_641, %get3A_642] : memref<8x8x256x128xf32, #tpu.memory_space<vmem>>, vector<1x1x256x128xf32>
    %get3A_644 = vector.shape_cast %get3A_643 : vector<1x1x256x128xf32> to vector<256x128xf32>
    %dot_general3A_645 = arith.constant dense<0.000000e+00> : vector<1024x128xf32>
    %dot_general3A_646 = tpu.matmul %reshape3A_638, %get3A_644, %dot_general3A_645 {dimension_numbers = #tpu.dot_dimension_numbers<[1], [0], [0], [1], [0, 0, 1, 1], [], []>, transpose_lhs_hint = false} : vector<1024x256xf32>, vector<256x128xf32>, vector<1024x128xf32> -> vector<1024x128xf32>
    %add3A_647 = arith.addf %add3A_636, %dot_general3A_646 : vector<1024x128xf32>
    %slice3A_648 = vector.extract_strided_slice %get3A_4 {offsets = [0, 2, 1, 0, 0], sizes = [2, 8, 8, 8, 256], strides = [1, 1, 1, 1, 1]} : vector<2x10x10x10x256xf32> to vector<2x8x8x8x256xf32>
    %reshape3A_649 = vector.shape_cast %slice3A_648 : vector<2x8x8x8x256xf32> to vector<1024x256xf32>
    %get3A_650 = arith.constant 1 : index
    %get3A_651 = arith.constant 3 : index
    %get3A_652 = arith.constant 0 : index
    %get3A_653 = arith.constant 0 : index
    %get3A_654 = vector.load %arg2[%get3A_650, %get3A_651, %get3A_652, %get3A_653] : memref<8x8x256x128xf32, #tpu.memory_space<vmem>>, vector<1x1x256x128xf32>
    %get3A_655 = vector.shape_cast %get3A_654 : vector<1x1x256x128xf32> to vector<256x128xf32>
    %dot_general3A_656 = arith.constant dense<0.000000e+00> : vector<1024x128xf32>
    %dot_general3A_657 = tpu.matmul %reshape3A_649, %get3A_655, %dot_general3A_656 {dimension_numbers = #tpu.dot_dimension_numbers<[1], [0], [0], [1], [0, 0, 1, 1], [], []>, transpose_lhs_hint = false} : vector<1024x256xf32>, vector<256x128xf32>, vector<1024x128xf32> -> vector<1024x128xf32>
    %add3A_658 = arith.addf %add3A_647, %dot_general3A_657 : vector<1024x128xf32>
    %slice3A_659 = vector.extract_strided_slice %get3A_4 {offsets = [0, 2, 1, 1, 0], sizes = [2, 8, 8, 8, 256], strides = [1, 1, 1, 1, 1]} : vector<2x10x10x10x256xf32> to vector<2x8x8x8x256xf32>
    %reshape3A_660 = vector.shape_cast %slice3A_659 : vector<2x8x8x8x256xf32> to vector<1024x256xf32>
    %get3A_661 = arith.constant 1 : index
    %get3A_662 = arith.constant 2 : index
    %get3A_663 = arith.constant 0 : index
    %get3A_664 = arith.constant 0 : index
    %get3A_665 = vector.load %arg2[%get3A_661, %get3A_662, %get3A_663, %get3A_664] : memref<8x8x256x128xf32, #tpu.memory_space<vmem>>, vector<1x1x256x128xf32>
    %get3A_666 = vector.shape_cast %get3A_665 : vector<1x1x256x128xf32> to vector<256x128xf32>
    %dot_general3A_667 = arith.constant dense<0.000000e+00> : vector<1024x128xf32>
    %dot_general3A_668 = tpu.matmul %reshape3A_660, %get3A_666, %dot_general3A_667 {dimension_numbers = #tpu.dot_dimension_numbers<[1], [0], [0], [1], [0, 0, 1, 1], [], []>, transpose_lhs_hint = false} : vector<1024x256xf32>, vector<256x128xf32>, vector<1024x128xf32> -> vector<1024x128xf32>
    %add3A_669 = arith.addf %add3A_658, %dot_general3A_668 : vector<1024x128xf32>
    %slice3A_670 = vector.extract_strided_slice %get3A_4 {offsets = [0, 2, 2, 0, 0], sizes = [2, 8, 8, 8, 256], strides = [1, 1, 1, 1, 1]} : vector<2x10x10x10x256xf32> to vector<2x8x8x8x256xf32>
    %reshape3A_671 = vector.shape_cast %slice3A_670 : vector<2x8x8x8x256xf32> to vector<1024x256xf32>
    %get3A_672 = arith.constant 1 : index
    %get3A_673 = arith.constant 1 : index
    %get3A_674 = arith.constant 0 : index
    %get3A_675 = arith.constant 0 : index
    %get3A_676 = vector.load %arg2[%get3A_672, %get3A_673, %get3A_674, %get3A_675] : memref<8x8x256x128xf32, #tpu.memory_space<vmem>>, vector<1x1x256x128xf32>
    %get3A_677 = vector.shape_cast %get3A_676 : vector<1x1x256x128xf32> to vector<256x128xf32>
    %dot_general3A_678 = arith.constant dense<0.000000e+00> : vector<1024x128xf32>
    %dot_general3A_679 = tpu.matmul %reshape3A_671, %get3A_677, %dot_general3A_678 {dimension_numbers = #tpu.dot_dimension_numbers<[1], [0], [0], [1], [0, 0, 1, 1], [], []>, transpose_lhs_hint = false} : vector<1024x256xf32>, vector<256x128xf32>, vector<1024x128xf32> -> vector<1024x128xf32>
    %add3A_680 = arith.addf %add3A_669, %dot_general3A_679 : vector<1024x128xf32>
    %slice3A_681 = vector.extract_strided_slice %get3A_4 {offsets = [0, 2, 2, 1, 0], sizes = [2, 8, 8, 8, 256], strides = [1, 1, 1, 1, 1]} : vector<2x10x10x10x256xf32> to vector<2x8x8x8x256xf32>
    %reshape3A_682 = vector.shape_cast %slice3A_681 : vector<2x8x8x8x256xf32> to vector<1024x256xf32>
    %get3A_683 = arith.constant 1 : index
    %get3A_684 = arith.constant 0 : index
    %get3A_685 = arith.constant 0 : index
    %get3A_686 = arith.constant 0 : index
    %get3A_687 = vector.load %arg2[%get3A_683, %get3A_684, %get3A_685, %get3A_686] : memref<8x8x256x128xf32, #tpu.memory_space<vmem>>, vector<1x1x256x128xf32>
    %get3A_688 = vector.shape_cast %get3A_687 : vector<1x1x256x128xf32> to vector<256x128xf32>
    %dot_general3A_689 = arith.constant dense<0.000000e+00> : vector<1024x128xf32>
    %dot_general3A_690 = tpu.matmul %reshape3A_682, %get3A_688, %dot_general3A_689 {dimension_numbers = #tpu.dot_dimension_numbers<[1], [0], [0], [1], [0, 0, 1, 1], [], []>, transpose_lhs_hint = false} : vector<1024x256xf32>, vector<256x128xf32>, vector<1024x128xf32> -> vector<1024x128xf32>
    %add3A_691 = arith.addf %add3A_680, %dot_general3A_690 : vector<1024x128xf32>
    %get3A_692 = arith.constant 0 : index
    %get3A_693 = arith.constant 0 : index
    %get3A_694 = vector.load %arg3[%get3A_692, %get3A_693] : memref<1x128xf32, #tpu.memory_space<vmem>>, vector<1x128xf32>
    %add3A_695 = vector.broadcast %get3A_694 : vector<1x128xf32> to vector<1024x128xf32>
    %add3A_696 = arith.addf %add3A_691, %add3A_695 : vector<1024x128xf32>
    %max3A_697 = arith.constant 0.000000e+00 : f32
    %max3A_698 = vector.broadcast %max3A_697 : f32 to vector<1024x128xf32>
    %max3A_699 = arith.maximumf %add3A_696, %max3A_698 : vector<1024x128xf32>
    %swap3A_700 = arith.constant 6 : index
    %swap3A_701 = arith.constant 0 : index
    %swap3A_702 = arith.constant 0 : index
    %swap3A_703 = vector.load %arg4[%swap3A_700, %swap3A_701, %swap3A_702] : memref<8x1024x128xf32, #tpu.memory_space<vmem>>, vector<1x1024x128xf32>
    %swap3A_704 = vector.shape_cast %swap3A_703 : vector<1x1024x128xf32> to vector<1024x128xf32>
    %swap3A_705 = vector.shape_cast %max3A_699 : vector<1024x128xf32> to vector<1x1024x128xf32>
    tpu.vector_store %arg4[%swap3A_700, %swap3A_701, %swap3A_702], %swap3A_705 {strides = array<i32>} : memref<8x1024x128xf32, #tpu.memory_space<vmem>>, vector<1x1024x128xf32>,
    %slice3A_706 = vector.extract_strided_slice %get3A_4 {offsets = [0, 1, 1, 1, 0], sizes = [2, 8, 8, 8, 256], strides = [1, 1, 1, 1, 1]} : vector<2x10x10x10x256xf32> to vector<2x8x8x8x256xf32>
    %reshape3A_707 = vector.shape_cast %slice3A_706 : vector<2x8x8x8x256xf32> to vector<1024x256xf32>
    %get3A_708 = arith.constant 0 : index
    %get3A_709 = arith.constant 7 : index
    %get3A_710 = arith.constant 0 : index
    %get3A_711 = arith.constant 0 : index
    %get3A_712 = vector.load %arg2[%get3A_708, %get3A_709, %get3A_710, %get3A_711] : memref<8x8x256x128xf32, #tpu.memory_space<vmem>>, vector<1x1x256x128xf32>
    %get3A_713 = vector.shape_cast %get3A_712 : vector<1x1x256x128xf32> to vector<256x128xf32>
    %dot_general3A_714 = arith.constant dense<0.000000e+00> : vector<1024x128xf32>
    %dot_general3A_715 = tpu.matmul %reshape3A_707, %get3A_713, %dot_general3A_714 {dimension_numbers = #tpu.dot_dimension_numbers<[1], [0], [0], [1], [0, 0, 1, 1], [], []>, transpose_lhs_hint = false} : vector<1024x256xf32>, vector<256x128xf32>, vector<1024x128xf32> -> vector<1024x128xf32>
    %slice3A_716 = vector.extract_strided_slice %get3A_4 {offsets = [0, 1, 1, 2, 0], sizes = [2, 8, 8, 8, 256], strides = [1, 1, 1, 1, 1]} : vector<2x10x10x10x256xf32> to vector<2x8x8x8x256xf32>
    %reshape3A_717 = vector.shape_cast %slice3A_716 : vector<2x8x8x8x256xf32> to vector<1024x256xf32>
    %get3A_718 = arith.constant 0 : index
    %get3A_719 = arith.constant 6 : index
    %get3A_720 = arith.constant 0 : index
    %get3A_721 = arith.constant 0 : index
    %get3A_722 = vector.load %arg2[%get3A_718, %get3A_719, %get3A_720, %get3A_721] : memref<8x8x256x128xf32, #tpu.memory_space<vmem>>, vector<1x1x256x128xf32>
    %get3A_723 = vector.shape_cast %get3A_722 : vector<1x1x256x128xf32> to vector<256x128xf32>
    %dot_general3A_724 = arith.constant dense<0.000000e+00> : vector<1024x128xf32>
    %dot_general3A_725 = tpu.matmul %reshape3A_717, %get3A_723, %dot_general3A_724 {dimension_numbers = #tpu.dot_dimension_numbers<[1], [0], [0], [1], [0, 0, 1, 1], [], []>, transpose_lhs_hint = false} : vector<1024x256xf32>, vector<256x128xf32>, vector<1024x128xf32> -> vector<1024x128xf32>
    %add3A_726 = arith.addf %dot_general3A_715, %dot_general3A_725 : vector<1024x128xf32>
    %slice3A_727 = vector.extract_strided_slice %get3A_4 {offsets = [0, 1, 2, 1, 0], sizes = [2, 8, 8, 8, 256], strides = [1, 1, 1, 1, 1]} : vector<2x10x10x10x256xf32> to vector<2x8x8x8x256xf32>
    %reshape3A_728 = vector.shape_cast %slice3A_727 : vector<2x8x8x8x256xf32> to vector<1024x256xf32>
    %get3A_729 = arith.constant 0 : index
    %get3A_730 = arith.constant 5 : index
    %get3A_731 = arith.constant 0 : index
    %get3A_732 = arith.constant 0 : index
    %get3A_733 = vector.load %arg2[%get3A_729, %get3A_730, %get3A_731, %get3A_732] : memref<8x8x256x128xf32, #tpu.memory_space<vmem>>, vector<1x1x256x128xf32>
    %get3A_734 = vector.shape_cast %get3A_733 : vector<1x1x256x128xf32> to vector<256x128xf32>
    %dot_general3A_735 = arith.constant dense<0.000000e+00> : vector<1024x128xf32>
    %dot_general3A_736 = tpu.matmul %reshape3A_728, %get3A_734, %dot_general3A_735 {dimension_numbers = #tpu.dot_dimension_numbers<[1], [0], [0], [1], [0, 0, 1, 1], [], []>, transpose_lhs_hint = false} : vector<1024x256xf32>, vector<256x128xf32>, vector<1024x128xf32> -> vector<1024x128xf32>
    %add3A_737 = arith.addf %add3A_726, %dot_general3A_736 : vector<1024x128xf32>
    %slice3A_738 = vector.extract_strided_slice %get3A_4 {offsets = [0, 1, 2, 2, 0], sizes = [2, 8, 8, 8, 256], strides = [1, 1, 1, 1, 1]} : vector<2x10x10x10x256xf32> to vector<2x8x8x8x256xf32>
    %reshape3A_739 = vector.shape_cast %slice3A_738 : vector<2x8x8x8x256xf32> to vector<1024x256xf32>
    %get3A_740 = arith.constant 0 : index
    %get3A_741 = arith.constant 4 : index
    %get3A_742 = arith.constant 0 : index
    %get3A_743 = arith.constant 0 : index
    %get3A_744 = vector.load %arg2[%get3A_740, %get3A_741, %get3A_742, %get3A_743] : memref<8x8x256x128xf32, #tpu.memory_space<vmem>>, vector<1x1x256x128xf32>
    %get3A_745 = vector.shape_cast %get3A_744 : vector<1x1x256x128xf32> to vector<256x128xf32>
    %dot_general3A_746 = arith.constant dense<0.000000e+00> : vector<1024x128xf32>
    %dot_general3A_747 = tpu.matmul %reshape3A_739, %get3A_745, %dot_general3A_746 {dimension_numbers = #tpu.dot_dimension_numbers<[1], [0], [0], [1], [0, 0, 1, 1], [], []>, transpose_lhs_hint = false} : vector<1024x256xf32>, vector<256x128xf32>, vector<1024x128xf32> -> vector<1024x128xf32>
    %add3A_748 = arith.addf %add3A_737, %dot_general3A_747 : vector<1024x128xf32>
    %slice3A_749 = vector.extract_strided_slice %get3A_4 {offsets = [0, 2, 1, 1, 0], sizes = [2, 8, 8, 8, 256], strides = [1, 1, 1, 1, 1]} : vector<2x10x10x10x256xf32> to vector<2x8x8x8x256xf32>
    %reshape3A_750 = vector.shape_cast %slice3A_749 : vector<2x8x8x8x256xf32> to vector<1024x256xf32>
    %get3A_751 = arith.constant 0 : index
    %get3A_752 = arith.constant 3 : index
    %get3A_753 = arith.constant 0 : index
    %get3A_754 = arith.constant 0 : index
    %get3A_755 = vector.load %arg2[%get3A_751, %get3A_752, %get3A_753, %get3A_754] : memref<8x8x256x128xf32, #tpu.memory_space<vmem>>, vector<1x1x256x128xf32>
    %get3A_756 = vector.shape_cast %get3A_755 : vector<1x1x256x128xf32> to vector<256x128xf32>
    %dot_general3A_757 = arith.constant dense<0.000000e+00> : vector<1024x128xf32>
    %dot_general3A_758 = tpu.matmul %reshape3A_750, %get3A_756, %dot_general3A_757 {dimension_numbers = #tpu.dot_dimension_numbers<[1], [0], [0], [1], [0, 0, 1, 1], [], []>, transpose_lhs_hint = false} : vector<1024x256xf32>, vector<256x128xf32>, vector<1024x128xf32> -> vector<1024x128xf32>
    %add3A_759 = arith.addf %add3A_748, %dot_general3A_758 : vector<1024x128xf32>
    %slice3A_760 = vector.extract_strided_slice %get3A_4 {offsets = [0, 2, 1, 2, 0], sizes = [2, 8, 8, 8, 256], strides = [1, 1, 1, 1, 1]} : vector<2x10x10x10x256xf32> to vector<2x8x8x8x256xf32>
    %reshape3A_761 = vector.shape_cast %slice3A_760 : vector<2x8x8x8x256xf32> to vector<1024x256xf32>
    %get3A_762 = arith.constant 0 : index
    %get3A_763 = arith.constant 2 : index
    %get3A_764 = arith.constant 0 : index
    %get3A_765 = arith.constant 0 : index
    %get3A_766 = vector.load %arg2[%get3A_762, %get3A_763, %get3A_764, %get3A_765] : memref<8x8x256x128xf32, #tpu.memory_space<vmem>>, vector<1x1x256x128xf32>
    %get3A_767 = vector.shape_cast %get3A_766 : vector<1x1x256x128xf32> to vector<256x128xf32>
    %dot_general3A_768 = arith.constant dense<0.000000e+00> : vector<1024x128xf32>
    %dot_general3A_769 = tpu.matmul %reshape3A_761, %get3A_767, %dot_general3A_768 {dimension_numbers = #tpu.dot_dimension_numbers<[1], [0], [0], [1], [0, 0, 1, 1], [], []>, transpose_lhs_hint = false} : vector<1024x256xf32>, vector<256x128xf32>, vector<1024x128xf32> -> vector<1024x128xf32>
    %add3A_770 = arith.addf %add3A_759, %dot_general3A_769 : vector<1024x128xf32>
    %slice3A_771 = vector.extract_strided_slice %get3A_4 {offsets = [0, 2, 2, 1, 0], sizes = [2, 8, 8, 8, 256], strides = [1, 1, 1, 1, 1]} : vector<2x10x10x10x256xf32> to vector<2x8x8x8x256xf32>
    %reshape3A_772 = vector.shape_cast %slice3A_771 : vector<2x8x8x8x256xf32> to vector<1024x256xf32>
    %get3A_773 = arith.constant 0 : index
    %get3A_774 = arith.constant 1 : index
    %get3A_775 = arith.constant 0 : index
    %get3A_776 = arith.constant 0 : index
    %get3A_777 = vector.load %arg2[%get3A_773, %get3A_774, %get3A_775, %get3A_776] : memref<8x8x256x128xf32, #tpu.memory_space<vmem>>, vector<1x1x256x128xf32>
    %get3A_778 = vector.shape_cast %get3A_777 : vector<1x1x256x128xf32> to vector<256x128xf32>
    %dot_general3A_779 = arith.constant dense<0.000000e+00> : vector<1024x128xf32>
    %dot_general3A_780 = tpu.matmul %reshape3A_772, %get3A_778, %dot_general3A_779 {dimension_numbers = #tpu.dot_dimension_numbers<[1], [0], [0], [1], [0, 0, 1, 1], [], []>, transpose_lhs_hint = false} : vector<1024x256xf32>, vector<256x128xf32>, vector<1024x128xf32> -> vector<1024x128xf32>
    %add3A_781 = arith.addf %add3A_770, %dot_general3A_780 : vector<1024x128xf32>
    %slice3A_782 = vector.extract_strided_slice %get3A_4 {offsets = [0, 2, 2, 2, 0], sizes = [2, 8, 8, 8, 256], strides = [1, 1, 1, 1, 1]} : vector<2x10x10x10x256xf32> to vector<2x8x8x8x256xf32>
    %reshape3A_783 = vector.shape_cast %slice3A_782 : vector<2x8x8x8x256xf32> to vector<1024x256xf32>
    %get3A_784 = arith.constant 0 : index
    %get3A_785 = arith.constant 0 : index
    %get3A_786 = arith.constant 0 : index
    %get3A_787 = arith.constant 0 : index
    %get3A_788 = vector.load %arg2[%get3A_784, %get3A_785, %get3A_786, %get3A_787] : memref<8x8x256x128xf32, #tpu.memory_space<vmem>>, vector<1x1x256x128xf32>
    %get3A_789 = vector.shape_cast %get3A_788 : vector<1x1x256x128xf32> to vector<256x128xf32>
    %dot_general3A_790 = arith.constant dense<0.000000e+00> : vector<1024x128xf32>
    %dot_general3A_791 = tpu.matmul %reshape3A_783, %get3A_789, %dot_general3A_790 {dimension_numbers = #tpu.dot_dimension_numbers<[1], [0], [0], [1], [0, 0, 1, 1], [], []>, transpose_lhs_hint = false} : vector<1024x256xf32>, vector<256x128xf32>, vector<1024x128xf32> -> vector<1024x128xf32>
    %add3A_792 = arith.addf %add3A_781, %dot_general3A_791 : vector<1024x128xf32>
    %get3A_793 = arith.constant 0 : index
    %get3A_794 = arith.constant 0 : index
    %get3A_795 = vector.load %arg3[%get3A_793, %get3A_794] : memref<1x128xf32, #tpu.memory_space<vmem>>, vector<1x128xf32>
    %add3A_796 = vector.broadcast %get3A_795 : vector<1x128xf32> to vector<1024x128xf32>
    %add3A_797 = arith.addf %add3A_792, %add3A_796 : vector<1024x128xf32>
    %max3A_798 = arith.constant 0.000000e+00 : f32
    %max3A_799 = vector.broadcast %max3A_798 : f32 to vector<1024x128xf32>
    %max3A_800 = arith.maximumf %add3A_797, %max3A_799 : vector<1024x128xf32>
    %swap3A_801 = arith.constant 7 : index
    %swap3A_802 = arith.constant 0 : index
    %swap3A_803 = arith.constant 0 : index
    %swap3A_804 = vector.load %arg4[%swap3A_801, %swap3A_802, %swap3A_803] : memref<8x1024x128xf32, #tpu.memory_space<vmem>>, vector<1x1024x128xf32>
    %swap3A_805 = vector.shape_cast %swap3A_804 : vector<1x1024x128xf32> to vector<1024x128xf32>
    %swap3A_806 = vector.shape_cast %max3A_800 : vector<1024x128xf32> to vector<1x1024x128xf32>
    tpu.vector_store %arg4[%swap3A_801, %swap3A_802, %swap3A_803], %swap3A_806 {strides = array<i32>} : memref<8x1024x128xf32, #tpu.memory_space<vmem>>, vector<1x1024x128xf32>,
    return
  }
  func.func @transform_0(%arg0: i32) -> (i32, i32, i32, i32, i32) {
    %c0_i32 = arith.constant 0 : i32
    %c0_i32_0 = arith.constant 0 : i32
    %c0_i32_1 = arith.constant 0 : i32
    %c0_i32_2 = arith.constant 0 : i32
    %c0_i32_3 = arith.constant 0 : i32
    return %arg0, %c0_i32, %c0_i32_0, %c0_i32_1, %c0_i32_2 : i32, i32, i32, i32, i32
  }
  func.func @transform_1(%arg0: i32) -> (i32, i32, i32, i32) {
    %c0_i32 = arith.constant 0 : i32
    %c0_i32_0 = arith.constant 0 : i32
    %c0_i32_1 = arith.constant 0 : i32
    %c0_i32_2 = arith.constant 0 : i32
    %c0_i32_3 = arith.constant 0 : i32
    return %c0_i32, %c0_i32_0, %c0_i32_1, %c0_i32_2 : i32, i32, i32, i32
  }
  func.func @transform_2(%arg0: i32) -> (i32, i32) {
    %c0_i32 = arith.constant 0 : i32
    %c0_i32_0 = arith.constant 0 : i32
    %c0_i32_1 = arith.constant 0 : i32
    return %c0_i32, %c0_i32_0 : i32, i32
  }
  func.func @transform_3(%arg0: i32) -> (i32, i32, i32) {
    %c0_i32 = arith.constant 0 : i32
    %c0_i32_0 = arith.constant 0 : i32
    %c0_i32_1 = arith.constant 0 : i32
    return %c0_i32, %arg0, %c0_i32_0 : i32, i32, i32
  }
}

module attributes {stable_mosaic.version = 14 : i64} {
  func.func @_dconv3_body(%arg0: i32, %arg1: memref<1x18x18x18x128xf32, #tpu.memory_space<vmem>>, %arg2: memref<27x128x8xf32, #tpu.memory_space<vmem>>, %arg3: memref<1x8xf32, #tpu.memory_space<vmem>>, %arg4: memref<1x4096x8xf32, #tpu.memory_space<vmem>>) attributes {dimension_semantics = [#tpu.dimension_semantics<arbitrary>], iteration_bounds = array<i64: 8>, scalar_prefetch = 0 : i64, scratch_operands = 0 : i64, tpu.core_type = #tpu.core_type<tc>, window_params = [{transform_indices = @transform_0, window_bounds = array<i64: 1, 18, 18, 18, 128>}, {pipeline_mode = #tpu.pipeline_mode<synchronous>, transform_indices = @transform_1, window_bounds = array<i64: 27, 128, 8>}, {pipeline_mode = #tpu.pipeline_mode<synchronous>, transform_indices = @transform_2, window_bounds = array<i64: 1, 8>}, {transform_indices = @transform_3, window_bounds = array<i64: 1, 4096, 8>}]} {
    %get3A = arith.constant 0 : index
    %get3A_0 = arith.constant 0 : index
    %get3A_1 = arith.constant 0 : index
    %get3A_2 = arith.constant 0 : index
    %get3A_3 = arith.constant 0 : index
    %get3A_4 = vector.load %arg1[%get3A, %get3A_0, %get3A_1, %get3A_2, %get3A_3] : memref<1x18x18x18x128xf32, #tpu.memory_space<vmem>>, vector<1x18x18x18x128xf32>
    %get3A_5 = vector.shape_cast %get3A_4 : vector<1x18x18x18x128xf32> to vector<18x18x18x128xf32>
    %slice3A = vector.extract_strided_slice %get3A_5 {offsets = [0, 0, 0, 0], sizes = [16, 16, 16, 128], strides = [1, 1, 1, 1]} : vector<18x18x18x128xf32> to vector<16x16x16x128xf32>
    %reshape3A = vector.shape_cast %slice3A : vector<16x16x16x128xf32> to vector<4096x128xf32>
    %get3A_6 = arith.constant 0 : index
    %get3A_7 = arith.constant 0 : index
    %get3A_8 = arith.constant 0 : index
    %get3A_9 = vector.load %arg2[%get3A_6, %get3A_7, %get3A_8] : memref<27x128x8xf32, #tpu.memory_space<vmem>>, vector<1x128x8xf32>
    %get3A_10 = vector.shape_cast %get3A_9 : vector<1x128x8xf32> to vector<128x8xf32>
    %dot_general3A = arith.constant dense<0.000000e+00> : vector<4096x8xf32>
    %dot_general3A_11 = tpu.matmul %reshape3A, %get3A_10, %dot_general3A {dimension_numbers = #tpu.dot_dimension_numbers<[1], [0], [0], [1], [0, 0, 1, 1], [], []>, transpose_lhs_hint = false} : vector<4096x128xf32>, vector<128x8xf32>, vector<4096x8xf32> -> vector<4096x8xf32>
    %slice3A_12 = vector.extract_strided_slice %get3A_5 {offsets = [0, 0, 1, 0], sizes = [16, 16, 16, 128], strides = [1, 1, 1, 1]} : vector<18x18x18x128xf32> to vector<16x16x16x128xf32>
    %reshape3A_13 = vector.shape_cast %slice3A_12 : vector<16x16x16x128xf32> to vector<4096x128xf32>
    %get3A_14 = arith.constant 1 : index
    %get3A_15 = arith.constant 0 : index
    %get3A_16 = arith.constant 0 : index
    %get3A_17 = vector.load %arg2[%get3A_14, %get3A_15, %get3A_16] : memref<27x128x8xf32, #tpu.memory_space<vmem>>, vector<1x128x8xf32>
    %get3A_18 = vector.shape_cast %get3A_17 : vector<1x128x8xf32> to vector<128x8xf32>
    %dot_general3A_19 = arith.constant dense<0.000000e+00> : vector<4096x8xf32>
    %dot_general3A_20 = tpu.matmul %reshape3A_13, %get3A_18, %dot_general3A_19 {dimension_numbers = #tpu.dot_dimension_numbers<[1], [0], [0], [1], [0, 0, 1, 1], [], []>, transpose_lhs_hint = false} : vector<4096x128xf32>, vector<128x8xf32>, vector<4096x8xf32> -> vector<4096x8xf32>
    %add3A = arith.addf %dot_general3A_11, %dot_general3A_20 : vector<4096x8xf32>
    %slice3A_21 = vector.extract_strided_slice %get3A_5 {offsets = [0, 0, 2, 0], sizes = [16, 16, 16, 128], strides = [1, 1, 1, 1]} : vector<18x18x18x128xf32> to vector<16x16x16x128xf32>
    %reshape3A_22 = vector.shape_cast %slice3A_21 : vector<16x16x16x128xf32> to vector<4096x128xf32>
    %get3A_23 = arith.constant 2 : index
    %get3A_24 = arith.constant 0 : index
    %get3A_25 = arith.constant 0 : index
    %get3A_26 = vector.load %arg2[%get3A_23, %get3A_24, %get3A_25] : memref<27x128x8xf32, #tpu.memory_space<vmem>>, vector<1x128x8xf32>
    %get3A_27 = vector.shape_cast %get3A_26 : vector<1x128x8xf32> to vector<128x8xf32>
    %dot_general3A_28 = arith.constant dense<0.000000e+00> : vector<4096x8xf32>
    %dot_general3A_29 = tpu.matmul %reshape3A_22, %get3A_27, %dot_general3A_28 {dimension_numbers = #tpu.dot_dimension_numbers<[1], [0], [0], [1], [0, 0, 1, 1], [], []>, transpose_lhs_hint = false} : vector<4096x128xf32>, vector<128x8xf32>, vector<4096x8xf32> -> vector<4096x8xf32>
    %add3A_30 = arith.addf %add3A, %dot_general3A_29 : vector<4096x8xf32>
    %slice3A_31 = vector.extract_strided_slice %get3A_5 {offsets = [0, 1, 0, 0], sizes = [16, 16, 16, 128], strides = [1, 1, 1, 1]} : vector<18x18x18x128xf32> to vector<16x16x16x128xf32>
    %reshape3A_32 = vector.shape_cast %slice3A_31 : vector<16x16x16x128xf32> to vector<4096x128xf32>
    %get3A_33 = arith.constant 3 : index
    %get3A_34 = arith.constant 0 : index
    %get3A_35 = arith.constant 0 : index
    %get3A_36 = vector.load %arg2[%get3A_33, %get3A_34, %get3A_35] : memref<27x128x8xf32, #tpu.memory_space<vmem>>, vector<1x128x8xf32>
    %get3A_37 = vector.shape_cast %get3A_36 : vector<1x128x8xf32> to vector<128x8xf32>
    %dot_general3A_38 = arith.constant dense<0.000000e+00> : vector<4096x8xf32>
    %dot_general3A_39 = tpu.matmul %reshape3A_32, %get3A_37, %dot_general3A_38 {dimension_numbers = #tpu.dot_dimension_numbers<[1], [0], [0], [1], [0, 0, 1, 1], [], []>, transpose_lhs_hint = false} : vector<4096x128xf32>, vector<128x8xf32>, vector<4096x8xf32> -> vector<4096x8xf32>
    %add3A_40 = arith.addf %add3A_30, %dot_general3A_39 : vector<4096x8xf32>
    %slice3A_41 = vector.extract_strided_slice %get3A_5 {offsets = [0, 1, 1, 0], sizes = [16, 16, 16, 128], strides = [1, 1, 1, 1]} : vector<18x18x18x128xf32> to vector<16x16x16x128xf32>
    %reshape3A_42 = vector.shape_cast %slice3A_41 : vector<16x16x16x128xf32> to vector<4096x128xf32>
    %get3A_43 = arith.constant 4 : index
    %get3A_44 = arith.constant 0 : index
    %get3A_45 = arith.constant 0 : index
    %get3A_46 = vector.load %arg2[%get3A_43, %get3A_44, %get3A_45] : memref<27x128x8xf32, #tpu.memory_space<vmem>>, vector<1x128x8xf32>
    %get3A_47 = vector.shape_cast %get3A_46 : vector<1x128x8xf32> to vector<128x8xf32>
    %dot_general3A_48 = arith.constant dense<0.000000e+00> : vector<4096x8xf32>
    %dot_general3A_49 = tpu.matmul %reshape3A_42, %get3A_47, %dot_general3A_48 {dimension_numbers = #tpu.dot_dimension_numbers<[1], [0], [0], [1], [0, 0, 1, 1], [], []>, transpose_lhs_hint = false} : vector<4096x128xf32>, vector<128x8xf32>, vector<4096x8xf32> -> vector<4096x8xf32>
    %add3A_50 = arith.addf %add3A_40, %dot_general3A_49 : vector<4096x8xf32>
    %slice3A_51 = vector.extract_strided_slice %get3A_5 {offsets = [0, 1, 2, 0], sizes = [16, 16, 16, 128], strides = [1, 1, 1, 1]} : vector<18x18x18x128xf32> to vector<16x16x16x128xf32>
    %reshape3A_52 = vector.shape_cast %slice3A_51 : vector<16x16x16x128xf32> to vector<4096x128xf32>
    %get3A_53 = arith.constant 5 : index
    %get3A_54 = arith.constant 0 : index
    %get3A_55 = arith.constant 0 : index
    %get3A_56 = vector.load %arg2[%get3A_53, %get3A_54, %get3A_55] : memref<27x128x8xf32, #tpu.memory_space<vmem>>, vector<1x128x8xf32>
    %get3A_57 = vector.shape_cast %get3A_56 : vector<1x128x8xf32> to vector<128x8xf32>
    %dot_general3A_58 = arith.constant dense<0.000000e+00> : vector<4096x8xf32>
    %dot_general3A_59 = tpu.matmul %reshape3A_52, %get3A_57, %dot_general3A_58 {dimension_numbers = #tpu.dot_dimension_numbers<[1], [0], [0], [1], [0, 0, 1, 1], [], []>, transpose_lhs_hint = false} : vector<4096x128xf32>, vector<128x8xf32>, vector<4096x8xf32> -> vector<4096x8xf32>
    %add3A_60 = arith.addf %add3A_50, %dot_general3A_59 : vector<4096x8xf32>
    %slice3A_61 = vector.extract_strided_slice %get3A_5 {offsets = [0, 2, 0, 0], sizes = [16, 16, 16, 128], strides = [1, 1, 1, 1]} : vector<18x18x18x128xf32> to vector<16x16x16x128xf32>
    %reshape3A_62 = vector.shape_cast %slice3A_61 : vector<16x16x16x128xf32> to vector<4096x128xf32>
    %get3A_63 = arith.constant 6 : index
    %get3A_64 = arith.constant 0 : index
    %get3A_65 = arith.constant 0 : index
    %get3A_66 = vector.load %arg2[%get3A_63, %get3A_64, %get3A_65] : memref<27x128x8xf32, #tpu.memory_space<vmem>>, vector<1x128x8xf32>
    %get3A_67 = vector.shape_cast %get3A_66 : vector<1x128x8xf32> to vector<128x8xf32>
    %dot_general3A_68 = arith.constant dense<0.000000e+00> : vector<4096x8xf32>
    %dot_general3A_69 = tpu.matmul %reshape3A_62, %get3A_67, %dot_general3A_68 {dimension_numbers = #tpu.dot_dimension_numbers<[1], [0], [0], [1], [0, 0, 1, 1], [], []>, transpose_lhs_hint = false} : vector<4096x128xf32>, vector<128x8xf32>, vector<4096x8xf32> -> vector<4096x8xf32>
    %add3A_70 = arith.addf %add3A_60, %dot_general3A_69 : vector<4096x8xf32>
    %slice3A_71 = vector.extract_strided_slice %get3A_5 {offsets = [0, 2, 1, 0], sizes = [16, 16, 16, 128], strides = [1, 1, 1, 1]} : vector<18x18x18x128xf32> to vector<16x16x16x128xf32>
    %reshape3A_72 = vector.shape_cast %slice3A_71 : vector<16x16x16x128xf32> to vector<4096x128xf32>
    %get3A_73 = arith.constant 7 : index
    %get3A_74 = arith.constant 0 : index
    %get3A_75 = arith.constant 0 : index
    %get3A_76 = vector.load %arg2[%get3A_73, %get3A_74, %get3A_75] : memref<27x128x8xf32, #tpu.memory_space<vmem>>, vector<1x128x8xf32>
    %get3A_77 = vector.shape_cast %get3A_76 : vector<1x128x8xf32> to vector<128x8xf32>
    %dot_general3A_78 = arith.constant dense<0.000000e+00> : vector<4096x8xf32>
    %dot_general3A_79 = tpu.matmul %reshape3A_72, %get3A_77, %dot_general3A_78 {dimension_numbers = #tpu.dot_dimension_numbers<[1], [0], [0], [1], [0, 0, 1, 1], [], []>, transpose_lhs_hint = false} : vector<4096x128xf32>, vector<128x8xf32>, vector<4096x8xf32> -> vector<4096x8xf32>
    %add3A_80 = arith.addf %add3A_70, %dot_general3A_79 : vector<4096x8xf32>
    %slice3A_81 = vector.extract_strided_slice %get3A_5 {offsets = [0, 2, 2, 0], sizes = [16, 16, 16, 128], strides = [1, 1, 1, 1]} : vector<18x18x18x128xf32> to vector<16x16x16x128xf32>
    %reshape3A_82 = vector.shape_cast %slice3A_81 : vector<16x16x16x128xf32> to vector<4096x128xf32>
    %get3A_83 = arith.constant 8 : index
    %get3A_84 = arith.constant 0 : index
    %get3A_85 = arith.constant 0 : index
    %get3A_86 = vector.load %arg2[%get3A_83, %get3A_84, %get3A_85] : memref<27x128x8xf32, #tpu.memory_space<vmem>>, vector<1x128x8xf32>
    %get3A_87 = vector.shape_cast %get3A_86 : vector<1x128x8xf32> to vector<128x8xf32>
    %dot_general3A_88 = arith.constant dense<0.000000e+00> : vector<4096x8xf32>
    %dot_general3A_89 = tpu.matmul %reshape3A_82, %get3A_87, %dot_general3A_88 {dimension_numbers = #tpu.dot_dimension_numbers<[1], [0], [0], [1], [0, 0, 1, 1], [], []>, transpose_lhs_hint = false} : vector<4096x128xf32>, vector<128x8xf32>, vector<4096x8xf32> -> vector<4096x8xf32>
    %add3A_90 = arith.addf %add3A_80, %dot_general3A_89 : vector<4096x8xf32>
    %slice3A_91 = vector.extract_strided_slice %get3A_5 {offsets = [1, 0, 0, 0], sizes = [16, 16, 16, 128], strides = [1, 1, 1, 1]} : vector<18x18x18x128xf32> to vector<16x16x16x128xf32>
    %reshape3A_92 = vector.shape_cast %slice3A_91 : vector<16x16x16x128xf32> to vector<4096x128xf32>
    %get3A_93 = arith.constant 9 : index
    %get3A_94 = arith.constant 0 : index
    %get3A_95 = arith.constant 0 : index
    %get3A_96 = vector.load %arg2[%get3A_93, %get3A_94, %get3A_95] : memref<27x128x8xf32, #tpu.memory_space<vmem>>, vector<1x128x8xf32>
    %get3A_97 = vector.shape_cast %get3A_96 : vector<1x128x8xf32> to vector<128x8xf32>
    %dot_general3A_98 = arith.constant dense<0.000000e+00> : vector<4096x8xf32>
    %dot_general3A_99 = tpu.matmul %reshape3A_92, %get3A_97, %dot_general3A_98 {dimension_numbers = #tpu.dot_dimension_numbers<[1], [0], [0], [1], [0, 0, 1, 1], [], []>, transpose_lhs_hint = false} : vector<4096x128xf32>, vector<128x8xf32>, vector<4096x8xf32> -> vector<4096x8xf32>
    %add3A_100 = arith.addf %add3A_90, %dot_general3A_99 : vector<4096x8xf32>
    %slice3A_101 = vector.extract_strided_slice %get3A_5 {offsets = [1, 0, 1, 0], sizes = [16, 16, 16, 128], strides = [1, 1, 1, 1]} : vector<18x18x18x128xf32> to vector<16x16x16x128xf32>
    %reshape3A_102 = vector.shape_cast %slice3A_101 : vector<16x16x16x128xf32> to vector<4096x128xf32>
    %get3A_103 = arith.constant 10 : index
    %get3A_104 = arith.constant 0 : index
    %get3A_105 = arith.constant 0 : index
    %get3A_106 = vector.load %arg2[%get3A_103, %get3A_104, %get3A_105] : memref<27x128x8xf32, #tpu.memory_space<vmem>>, vector<1x128x8xf32>
    %get3A_107 = vector.shape_cast %get3A_106 : vector<1x128x8xf32> to vector<128x8xf32>
    %dot_general3A_108 = arith.constant dense<0.000000e+00> : vector<4096x8xf32>
    %dot_general3A_109 = tpu.matmul %reshape3A_102, %get3A_107, %dot_general3A_108 {dimension_numbers = #tpu.dot_dimension_numbers<[1], [0], [0], [1], [0, 0, 1, 1], [], []>, transpose_lhs_hint = false} : vector<4096x128xf32>, vector<128x8xf32>, vector<4096x8xf32> -> vector<4096x8xf32>
    %add3A_110 = arith.addf %add3A_100, %dot_general3A_109 : vector<4096x8xf32>
    %slice3A_111 = vector.extract_strided_slice %get3A_5 {offsets = [1, 0, 2, 0], sizes = [16, 16, 16, 128], strides = [1, 1, 1, 1]} : vector<18x18x18x128xf32> to vector<16x16x16x128xf32>
    %reshape3A_112 = vector.shape_cast %slice3A_111 : vector<16x16x16x128xf32> to vector<4096x128xf32>
    %get3A_113 = arith.constant 11 : index
    %get3A_114 = arith.constant 0 : index
    %get3A_115 = arith.constant 0 : index
    %get3A_116 = vector.load %arg2[%get3A_113, %get3A_114, %get3A_115] : memref<27x128x8xf32, #tpu.memory_space<vmem>>, vector<1x128x8xf32>
    %get3A_117 = vector.shape_cast %get3A_116 : vector<1x128x8xf32> to vector<128x8xf32>
    %dot_general3A_118 = arith.constant dense<0.000000e+00> : vector<4096x8xf32>
    %dot_general3A_119 = tpu.matmul %reshape3A_112, %get3A_117, %dot_general3A_118 {dimension_numbers = #tpu.dot_dimension_numbers<[1], [0], [0], [1], [0, 0, 1, 1], [], []>, transpose_lhs_hint = false} : vector<4096x128xf32>, vector<128x8xf32>, vector<4096x8xf32> -> vector<4096x8xf32>
    %add3A_120 = arith.addf %add3A_110, %dot_general3A_119 : vector<4096x8xf32>
    %slice3A_121 = vector.extract_strided_slice %get3A_5 {offsets = [1, 1, 0, 0], sizes = [16, 16, 16, 128], strides = [1, 1, 1, 1]} : vector<18x18x18x128xf32> to vector<16x16x16x128xf32>
    %reshape3A_122 = vector.shape_cast %slice3A_121 : vector<16x16x16x128xf32> to vector<4096x128xf32>
    %get3A_123 = arith.constant 12 : index
    %get3A_124 = arith.constant 0 : index
    %get3A_125 = arith.constant 0 : index
    %get3A_126 = vector.load %arg2[%get3A_123, %get3A_124, %get3A_125] : memref<27x128x8xf32, #tpu.memory_space<vmem>>, vector<1x128x8xf32>
    %get3A_127 = vector.shape_cast %get3A_126 : vector<1x128x8xf32> to vector<128x8xf32>
    %dot_general3A_128 = arith.constant dense<0.000000e+00> : vector<4096x8xf32>
    %dot_general3A_129 = tpu.matmul %reshape3A_122, %get3A_127, %dot_general3A_128 {dimension_numbers = #tpu.dot_dimension_numbers<[1], [0], [0], [1], [0, 0, 1, 1], [], []>, transpose_lhs_hint = false} : vector<4096x128xf32>, vector<128x8xf32>, vector<4096x8xf32> -> vector<4096x8xf32>
    %add3A_130 = arith.addf %add3A_120, %dot_general3A_129 : vector<4096x8xf32>
    %slice3A_131 = vector.extract_strided_slice %get3A_5 {offsets = [1, 1, 1, 0], sizes = [16, 16, 16, 128], strides = [1, 1, 1, 1]} : vector<18x18x18x128xf32> to vector<16x16x16x128xf32>
    %reshape3A_132 = vector.shape_cast %slice3A_131 : vector<16x16x16x128xf32> to vector<4096x128xf32>
    %get3A_133 = arith.constant 13 : index
    %get3A_134 = arith.constant 0 : index
    %get3A_135 = arith.constant 0 : index
    %get3A_136 = vector.load %arg2[%get3A_133, %get3A_134, %get3A_135] : memref<27x128x8xf32, #tpu.memory_space<vmem>>, vector<1x128x8xf32>
    %get3A_137 = vector.shape_cast %get3A_136 : vector<1x128x8xf32> to vector<128x8xf32>
    %dot_general3A_138 = arith.constant dense<0.000000e+00> : vector<4096x8xf32>
    %dot_general3A_139 = tpu.matmul %reshape3A_132, %get3A_137, %dot_general3A_138 {dimension_numbers = #tpu.dot_dimension_numbers<[1], [0], [0], [1], [0, 0, 1, 1], [], []>, transpose_lhs_hint = false} : vector<4096x128xf32>, vector<128x8xf32>, vector<4096x8xf32> -> vector<4096x8xf32>
    %add3A_140 = arith.addf %add3A_130, %dot_general3A_139 : vector<4096x8xf32>
    %slice3A_141 = vector.extract_strided_slice %get3A_5 {offsets = [1, 1, 2, 0], sizes = [16, 16, 16, 128], strides = [1, 1, 1, 1]} : vector<18x18x18x128xf32> to vector<16x16x16x128xf32>
    %reshape3A_142 = vector.shape_cast %slice3A_141 : vector<16x16x16x128xf32> to vector<4096x128xf32>
    %get3A_143 = arith.constant 14 : index
    %get3A_144 = arith.constant 0 : index
    %get3A_145 = arith.constant 0 : index
    %get3A_146 = vector.load %arg2[%get3A_143, %get3A_144, %get3A_145] : memref<27x128x8xf32, #tpu.memory_space<vmem>>, vector<1x128x8xf32>
    %get3A_147 = vector.shape_cast %get3A_146 : vector<1x128x8xf32> to vector<128x8xf32>
    %dot_general3A_148 = arith.constant dense<0.000000e+00> : vector<4096x8xf32>
    %dot_general3A_149 = tpu.matmul %reshape3A_142, %get3A_147, %dot_general3A_148 {dimension_numbers = #tpu.dot_dimension_numbers<[1], [0], [0], [1], [0, 0, 1, 1], [], []>, transpose_lhs_hint = false} : vector<4096x128xf32>, vector<128x8xf32>, vector<4096x8xf32> -> vector<4096x8xf32>
    %add3A_150 = arith.addf %add3A_140, %dot_general3A_149 : vector<4096x8xf32>
    %slice3A_151 = vector.extract_strided_slice %get3A_5 {offsets = [1, 2, 0, 0], sizes = [16, 16, 16, 128], strides = [1, 1, 1, 1]} : vector<18x18x18x128xf32> to vector<16x16x16x128xf32>
    %reshape3A_152 = vector.shape_cast %slice3A_151 : vector<16x16x16x128xf32> to vector<4096x128xf32>
    %get3A_153 = arith.constant 15 : index
    %get3A_154 = arith.constant 0 : index
    %get3A_155 = arith.constant 0 : index
    %get3A_156 = vector.load %arg2[%get3A_153, %get3A_154, %get3A_155] : memref<27x128x8xf32, #tpu.memory_space<vmem>>, vector<1x128x8xf32>
    %get3A_157 = vector.shape_cast %get3A_156 : vector<1x128x8xf32> to vector<128x8xf32>
    %dot_general3A_158 = arith.constant dense<0.000000e+00> : vector<4096x8xf32>
    %dot_general3A_159 = tpu.matmul %reshape3A_152, %get3A_157, %dot_general3A_158 {dimension_numbers = #tpu.dot_dimension_numbers<[1], [0], [0], [1], [0, 0, 1, 1], [], []>, transpose_lhs_hint = false} : vector<4096x128xf32>, vector<128x8xf32>, vector<4096x8xf32> -> vector<4096x8xf32>
    %add3A_160 = arith.addf %add3A_150, %dot_general3A_159 : vector<4096x8xf32>
    %slice3A_161 = vector.extract_strided_slice %get3A_5 {offsets = [1, 2, 1, 0], sizes = [16, 16, 16, 128], strides = [1, 1, 1, 1]} : vector<18x18x18x128xf32> to vector<16x16x16x128xf32>
    %reshape3A_162 = vector.shape_cast %slice3A_161 : vector<16x16x16x128xf32> to vector<4096x128xf32>
    %get3A_163 = arith.constant 16 : index
    %get3A_164 = arith.constant 0 : index
    %get3A_165 = arith.constant 0 : index
    %get3A_166 = vector.load %arg2[%get3A_163, %get3A_164, %get3A_165] : memref<27x128x8xf32, #tpu.memory_space<vmem>>, vector<1x128x8xf32>
    %get3A_167 = vector.shape_cast %get3A_166 : vector<1x128x8xf32> to vector<128x8xf32>
    %dot_general3A_168 = arith.constant dense<0.000000e+00> : vector<4096x8xf32>
    %dot_general3A_169 = tpu.matmul %reshape3A_162, %get3A_167, %dot_general3A_168 {dimension_numbers = #tpu.dot_dimension_numbers<[1], [0], [0], [1], [0, 0, 1, 1], [], []>, transpose_lhs_hint = false} : vector<4096x128xf32>, vector<128x8xf32>, vector<4096x8xf32> -> vector<4096x8xf32>
    %add3A_170 = arith.addf %add3A_160, %dot_general3A_169 : vector<4096x8xf32>
    %slice3A_171 = vector.extract_strided_slice %get3A_5 {offsets = [1, 2, 2, 0], sizes = [16, 16, 16, 128], strides = [1, 1, 1, 1]} : vector<18x18x18x128xf32> to vector<16x16x16x128xf32>
    %reshape3A_172 = vector.shape_cast %slice3A_171 : vector<16x16x16x128xf32> to vector<4096x128xf32>
    %get3A_173 = arith.constant 17 : index
    %get3A_174 = arith.constant 0 : index
    %get3A_175 = arith.constant 0 : index
    %get3A_176 = vector.load %arg2[%get3A_173, %get3A_174, %get3A_175] : memref<27x128x8xf32, #tpu.memory_space<vmem>>, vector<1x128x8xf32>
    %get3A_177 = vector.shape_cast %get3A_176 : vector<1x128x8xf32> to vector<128x8xf32>
    %dot_general3A_178 = arith.constant dense<0.000000e+00> : vector<4096x8xf32>
    %dot_general3A_179 = tpu.matmul %reshape3A_172, %get3A_177, %dot_general3A_178 {dimension_numbers = #tpu.dot_dimension_numbers<[1], [0], [0], [1], [0, 0, 1, 1], [], []>, transpose_lhs_hint = false} : vector<4096x128xf32>, vector<128x8xf32>, vector<4096x8xf32> -> vector<4096x8xf32>
    %add3A_180 = arith.addf %add3A_170, %dot_general3A_179 : vector<4096x8xf32>
    %slice3A_181 = vector.extract_strided_slice %get3A_5 {offsets = [2, 0, 0, 0], sizes = [16, 16, 16, 128], strides = [1, 1, 1, 1]} : vector<18x18x18x128xf32> to vector<16x16x16x128xf32>
    %reshape3A_182 = vector.shape_cast %slice3A_181 : vector<16x16x16x128xf32> to vector<4096x128xf32>
    %get3A_183 = arith.constant 18 : index
    %get3A_184 = arith.constant 0 : index
    %get3A_185 = arith.constant 0 : index
    %get3A_186 = vector.load %arg2[%get3A_183, %get3A_184, %get3A_185] : memref<27x128x8xf32, #tpu.memory_space<vmem>>, vector<1x128x8xf32>
    %get3A_187 = vector.shape_cast %get3A_186 : vector<1x128x8xf32> to vector<128x8xf32>
    %dot_general3A_188 = arith.constant dense<0.000000e+00> : vector<4096x8xf32>
    %dot_general3A_189 = tpu.matmul %reshape3A_182, %get3A_187, %dot_general3A_188 {dimension_numbers = #tpu.dot_dimension_numbers<[1], [0], [0], [1], [0, 0, 1, 1], [], []>, transpose_lhs_hint = false} : vector<4096x128xf32>, vector<128x8xf32>, vector<4096x8xf32> -> vector<4096x8xf32>
    %add3A_190 = arith.addf %add3A_180, %dot_general3A_189 : vector<4096x8xf32>
    %slice3A_191 = vector.extract_strided_slice %get3A_5 {offsets = [2, 0, 1, 0], sizes = [16, 16, 16, 128], strides = [1, 1, 1, 1]} : vector<18x18x18x128xf32> to vector<16x16x16x128xf32>
    %reshape3A_192 = vector.shape_cast %slice3A_191 : vector<16x16x16x128xf32> to vector<4096x128xf32>
    %get3A_193 = arith.constant 19 : index
    %get3A_194 = arith.constant 0 : index
    %get3A_195 = arith.constant 0 : index
    %get3A_196 = vector.load %arg2[%get3A_193, %get3A_194, %get3A_195] : memref<27x128x8xf32, #tpu.memory_space<vmem>>, vector<1x128x8xf32>
    %get3A_197 = vector.shape_cast %get3A_196 : vector<1x128x8xf32> to vector<128x8xf32>
    %dot_general3A_198 = arith.constant dense<0.000000e+00> : vector<4096x8xf32>
    %dot_general3A_199 = tpu.matmul %reshape3A_192, %get3A_197, %dot_general3A_198 {dimension_numbers = #tpu.dot_dimension_numbers<[1], [0], [0], [1], [0, 0, 1, 1], [], []>, transpose_lhs_hint = false} : vector<4096x128xf32>, vector<128x8xf32>, vector<4096x8xf32> -> vector<4096x8xf32>
    %add3A_200 = arith.addf %add3A_190, %dot_general3A_199 : vector<4096x8xf32>
    %slice3A_201 = vector.extract_strided_slice %get3A_5 {offsets = [2, 0, 2, 0], sizes = [16, 16, 16, 128], strides = [1, 1, 1, 1]} : vector<18x18x18x128xf32> to vector<16x16x16x128xf32>
    %reshape3A_202 = vector.shape_cast %slice3A_201 : vector<16x16x16x128xf32> to vector<4096x128xf32>
    %get3A_203 = arith.constant 20 : index
    %get3A_204 = arith.constant 0 : index
    %get3A_205 = arith.constant 0 : index
    %get3A_206 = vector.load %arg2[%get3A_203, %get3A_204, %get3A_205] : memref<27x128x8xf32, #tpu.memory_space<vmem>>, vector<1x128x8xf32>
    %get3A_207 = vector.shape_cast %get3A_206 : vector<1x128x8xf32> to vector<128x8xf32>
    %dot_general3A_208 = arith.constant dense<0.000000e+00> : vector<4096x8xf32>
    %dot_general3A_209 = tpu.matmul %reshape3A_202, %get3A_207, %dot_general3A_208 {dimension_numbers = #tpu.dot_dimension_numbers<[1], [0], [0], [1], [0, 0, 1, 1], [], []>, transpose_lhs_hint = false} : vector<4096x128xf32>, vector<128x8xf32>, vector<4096x8xf32> -> vector<4096x8xf32>
    %add3A_210 = arith.addf %add3A_200, %dot_general3A_209 : vector<4096x8xf32>
    %slice3A_211 = vector.extract_strided_slice %get3A_5 {offsets = [2, 1, 0, 0], sizes = [16, 16, 16, 128], strides = [1, 1, 1, 1]} : vector<18x18x18x128xf32> to vector<16x16x16x128xf32>
    %reshape3A_212 = vector.shape_cast %slice3A_211 : vector<16x16x16x128xf32> to vector<4096x128xf32>
    %get3A_213 = arith.constant 21 : index
    %get3A_214 = arith.constant 0 : index
    %get3A_215 = arith.constant 0 : index
    %get3A_216 = vector.load %arg2[%get3A_213, %get3A_214, %get3A_215] : memref<27x128x8xf32, #tpu.memory_space<vmem>>, vector<1x128x8xf32>
    %get3A_217 = vector.shape_cast %get3A_216 : vector<1x128x8xf32> to vector<128x8xf32>
    %dot_general3A_218 = arith.constant dense<0.000000e+00> : vector<4096x8xf32>
    %dot_general3A_219 = tpu.matmul %reshape3A_212, %get3A_217, %dot_general3A_218 {dimension_numbers = #tpu.dot_dimension_numbers<[1], [0], [0], [1], [0, 0, 1, 1], [], []>, transpose_lhs_hint = false} : vector<4096x128xf32>, vector<128x8xf32>, vector<4096x8xf32> -> vector<4096x8xf32>
    %add3A_220 = arith.addf %add3A_210, %dot_general3A_219 : vector<4096x8xf32>
    %slice3A_221 = vector.extract_strided_slice %get3A_5 {offsets = [2, 1, 1, 0], sizes = [16, 16, 16, 128], strides = [1, 1, 1, 1]} : vector<18x18x18x128xf32> to vector<16x16x16x128xf32>
    %reshape3A_222 = vector.shape_cast %slice3A_221 : vector<16x16x16x128xf32> to vector<4096x128xf32>
    %get3A_223 = arith.constant 22 : index
    %get3A_224 = arith.constant 0 : index
    %get3A_225 = arith.constant 0 : index
    %get3A_226 = vector.load %arg2[%get3A_223, %get3A_224, %get3A_225] : memref<27x128x8xf32, #tpu.memory_space<vmem>>, vector<1x128x8xf32>
    %get3A_227 = vector.shape_cast %get3A_226 : vector<1x128x8xf32> to vector<128x8xf32>
    %dot_general3A_228 = arith.constant dense<0.000000e+00> : vector<4096x8xf32>
    %dot_general3A_229 = tpu.matmul %reshape3A_222, %get3A_227, %dot_general3A_228 {dimension_numbers = #tpu.dot_dimension_numbers<[1], [0], [0], [1], [0, 0, 1, 1], [], []>, transpose_lhs_hint = false} : vector<4096x128xf32>, vector<128x8xf32>, vector<4096x8xf32> -> vector<4096x8xf32>
    %add3A_230 = arith.addf %add3A_220, %dot_general3A_229 : vector<4096x8xf32>
    %slice3A_231 = vector.extract_strided_slice %get3A_5 {offsets = [2, 1, 2, 0], sizes = [16, 16, 16, 128], strides = [1, 1, 1, 1]} : vector<18x18x18x128xf32> to vector<16x16x16x128xf32>
    %reshape3A_232 = vector.shape_cast %slice3A_231 : vector<16x16x16x128xf32> to vector<4096x128xf32>
    %get3A_233 = arith.constant 23 : index
    %get3A_234 = arith.constant 0 : index
    %get3A_235 = arith.constant 0 : index
    %get3A_236 = vector.load %arg2[%get3A_233, %get3A_234, %get3A_235] : memref<27x128x8xf32, #tpu.memory_space<vmem>>, vector<1x128x8xf32>
    %get3A_237 = vector.shape_cast %get3A_236 : vector<1x128x8xf32> to vector<128x8xf32>
    %dot_general3A_238 = arith.constant dense<0.000000e+00> : vector<4096x8xf32>
    %dot_general3A_239 = tpu.matmul %reshape3A_232, %get3A_237, %dot_general3A_238 {dimension_numbers = #tpu.dot_dimension_numbers<[1], [0], [0], [1], [0, 0, 1, 1], [], []>, transpose_lhs_hint = false} : vector<4096x128xf32>, vector<128x8xf32>, vector<4096x8xf32> -> vector<4096x8xf32>
    %add3A_240 = arith.addf %add3A_230, %dot_general3A_239 : vector<4096x8xf32>
    %slice3A_241 = vector.extract_strided_slice %get3A_5 {offsets = [2, 2, 0, 0], sizes = [16, 16, 16, 128], strides = [1, 1, 1, 1]} : vector<18x18x18x128xf32> to vector<16x16x16x128xf32>
    %reshape3A_242 = vector.shape_cast %slice3A_241 : vector<16x16x16x128xf32> to vector<4096x128xf32>
    %get3A_243 = arith.constant 24 : index
    %get3A_244 = arith.constant 0 : index
    %get3A_245 = arith.constant 0 : index
    %get3A_246 = vector.load %arg2[%get3A_243, %get3A_244, %get3A_245] : memref<27x128x8xf32, #tpu.memory_space<vmem>>, vector<1x128x8xf32>
    %get3A_247 = vector.shape_cast %get3A_246 : vector<1x128x8xf32> to vector<128x8xf32>
    %dot_general3A_248 = arith.constant dense<0.000000e+00> : vector<4096x8xf32>
    %dot_general3A_249 = tpu.matmul %reshape3A_242, %get3A_247, %dot_general3A_248 {dimension_numbers = #tpu.dot_dimension_numbers<[1], [0], [0], [1], [0, 0, 1, 1], [], []>, transpose_lhs_hint = false} : vector<4096x128xf32>, vector<128x8xf32>, vector<4096x8xf32> -> vector<4096x8xf32>
    %add3A_250 = arith.addf %add3A_240, %dot_general3A_249 : vector<4096x8xf32>
    %slice3A_251 = vector.extract_strided_slice %get3A_5 {offsets = [2, 2, 1, 0], sizes = [16, 16, 16, 128], strides = [1, 1, 1, 1]} : vector<18x18x18x128xf32> to vector<16x16x16x128xf32>
    %reshape3A_252 = vector.shape_cast %slice3A_251 : vector<16x16x16x128xf32> to vector<4096x128xf32>
    %get3A_253 = arith.constant 25 : index
    %get3A_254 = arith.constant 0 : index
    %get3A_255 = arith.constant 0 : index
    %get3A_256 = vector.load %arg2[%get3A_253, %get3A_254, %get3A_255] : memref<27x128x8xf32, #tpu.memory_space<vmem>>, vector<1x128x8xf32>
    %get3A_257 = vector.shape_cast %get3A_256 : vector<1x128x8xf32> to vector<128x8xf32>
    %dot_general3A_258 = arith.constant dense<0.000000e+00> : vector<4096x8xf32>
    %dot_general3A_259 = tpu.matmul %reshape3A_252, %get3A_257, %dot_general3A_258 {dimension_numbers = #tpu.dot_dimension_numbers<[1], [0], [0], [1], [0, 0, 1, 1], [], []>, transpose_lhs_hint = false} : vector<4096x128xf32>, vector<128x8xf32>, vector<4096x8xf32> -> vector<4096x8xf32>
    %add3A_260 = arith.addf %add3A_250, %dot_general3A_259 : vector<4096x8xf32>
    %slice3A_261 = vector.extract_strided_slice %get3A_5 {offsets = [2, 2, 2, 0], sizes = [16, 16, 16, 128], strides = [1, 1, 1, 1]} : vector<18x18x18x128xf32> to vector<16x16x16x128xf32>
    %reshape3A_262 = vector.shape_cast %slice3A_261 : vector<16x16x16x128xf32> to vector<4096x128xf32>
    %get3A_263 = arith.constant 26 : index
    %get3A_264 = arith.constant 0 : index
    %get3A_265 = arith.constant 0 : index
    %get3A_266 = vector.load %arg2[%get3A_263, %get3A_264, %get3A_265] : memref<27x128x8xf32, #tpu.memory_space<vmem>>, vector<1x128x8xf32>
    %get3A_267 = vector.shape_cast %get3A_266 : vector<1x128x8xf32> to vector<128x8xf32>
    %dot_general3A_268 = arith.constant dense<0.000000e+00> : vector<4096x8xf32>
    %dot_general3A_269 = tpu.matmul %reshape3A_262, %get3A_267, %dot_general3A_268 {dimension_numbers = #tpu.dot_dimension_numbers<[1], [0], [0], [1], [0, 0, 1, 1], [], []>, transpose_lhs_hint = false} : vector<4096x128xf32>, vector<128x8xf32>, vector<4096x8xf32> -> vector<4096x8xf32>
    %add3A_270 = arith.addf %add3A_260, %dot_general3A_269 : vector<4096x8xf32>
    %get3A_271 = arith.constant 0 : index
    %get3A_272 = arith.constant 0 : index
    %get3A_273 = vector.load %arg3[%get3A_271, %get3A_272] : memref<1x8xf32, #tpu.memory_space<vmem>>, vector<1x8xf32>
    %add3A_274 = vector.broadcast %get3A_273 : vector<1x8xf32> to vector<4096x8xf32>
    %add3A_275 = arith.addf %add3A_270, %add3A_274 : vector<4096x8xf32>
    %swap3A = arith.constant 0 : index
    %swap3A_276 = arith.constant 0 : index
    %swap3A_277 = arith.constant 0 : index
    %swap3A_278 = vector.load %arg4[%swap3A, %swap3A_276, %swap3A_277] : memref<1x4096x8xf32, #tpu.memory_space<vmem>>, vector<1x4096x8xf32>
    %swap3A_279 = vector.shape_cast %swap3A_278 : vector<1x4096x8xf32> to vector<4096x8xf32>
    %swap3A_280 = vector.shape_cast %add3A_275 : vector<4096x8xf32> to vector<1x4096x8xf32>
    tpu.vector_store %arg4[%swap3A, %swap3A_276, %swap3A_277], %swap3A_280 {strides = array<i32>} : memref<1x4096x8xf32, #tpu.memory_space<vmem>>, vector<1x4096x8xf32>,
    return
  }
  func.func @transform_0(%arg0: i32) -> (i32, i32, i32, i32, i32) {
    %c0_i32 = arith.constant 0 : i32
    %c0_i32_0 = arith.constant 0 : i32
    %c0_i32_1 = arith.constant 0 : i32
    %c0_i32_2 = arith.constant 0 : i32
    %c0_i32_3 = arith.constant 0 : i32
    return %arg0, %c0_i32, %c0_i32_0, %c0_i32_1, %c0_i32_2 : i32, i32, i32, i32, i32
  }
  func.func @transform_1(%arg0: i32) -> (i32, i32, i32) {
    %c0_i32 = arith.constant 0 : i32
    %c0_i32_0 = arith.constant 0 : i32
    %c0_i32_1 = arith.constant 0 : i32
    %c0_i32_2 = arith.constant 0 : i32
    return %c0_i32, %c0_i32_0, %c0_i32_1 : i32, i32, i32
  }
  func.func @transform_2(%arg0: i32) -> (i32, i32) {
    %c0_i32 = arith.constant 0 : i32
    %c0_i32_0 = arith.constant 0 : i32
    %c0_i32_1 = arith.constant 0 : i32
    return %c0_i32, %c0_i32_0 : i32, i32
  }
  func.func @transform_3(%arg0: i32) -> (i32, i32, i32) {
    %c0_i32 = arith.constant 0 : i32
    %c0_i32_0 = arith.constant 0 : i32
    %c0_i32_1 = arith.constant 0 : i32
    return %arg0, %c0_i32, %c0_i32_0 : i32, i32, i32
  }
}

module attributes {stable_mosaic.version = 14 : i64} {
  func.func @_loss_body(%arg0: memref<1024x128xf32, #tpu.memory_space<vmem>>, %arg1: memref<1024x128xf32, #tpu.memory_space<vmem>>, %arg2: memref<1x1xf32, #tpu.memory_space<vmem>>) attributes {dimension_semantics = [], scalar_prefetch = 0 : i64, scratch_operands = 0 : i64, tpu.core_type = #tpu.core_type<tc>} {
    %get3A = arith.constant 0 : index
    %get3A_0 = arith.constant 0 : index
    %get3A_1 = vector.load %arg1[%get3A, %get3A_0] : memref<1024x128xf32, #tpu.memory_space<vmem>>, vector<1024x128xf32>
    %get3A_2 = arith.constant 0 : index
    %get3A_3 = arith.constant 0 : index
    %get3A_4 = vector.load %arg0[%get3A_2, %get3A_3] : memref<1024x128xf32, #tpu.memory_space<vmem>>, vector<1024x128xf32>
    %sub3A = arith.subf %get3A_1, %get3A_4 : vector<1024x128xf32>
    %mul3A = arith.mulf %sub3A, %sub3A : vector<1024x128xf32>
    %reduce_sum3A = vector.shape_cast %mul3A : vector<1024x128xf32> to vector<1x1024x128xf32>
    %reduce_sum3A_5 = arith.constant dense<0.000000e+00> : vector<1xf32>
    %reduce_sum3A_6 = vector.multi_reduction <add>, %reduce_sum3A, %reduce_sum3A_5 [1, 2] : vector<1x1024x128xf32> to vector<1xf32>
    %reduce_sum3A_7 = vector.shape_cast %reduce_sum3A_6 : vector<1xf32> to vector<1x1x1xf32>
    %reduce_sum3A_8 = vector.extract %reduce_sum3A_7[0, 0, 0] : f32 from vector<1x1x1xf32>
    %mul3A_9 = arith.constant 1.250000e+00 : f32
    %mul3A_10 = arith.mulf %mul3A_9, %reduce_sum3A_8 : f32
    %div3A = arith.constant 1.310720e+05 : f32
    %div3A_11 = arith.divf %mul3A_10, %div3A : f32
    %reshape3A = vector.broadcast %div3A_11 : f32 to vector<1x1xf32>
    %swap3A = arith.constant 0 : index
    %swap3A_12 = arith.constant 0 : index
    %swap3A_13 = vector.load %arg2[%swap3A, %swap3A_12] : memref<1x1xf32, #tpu.memory_space<vmem>>, vector<1x1xf32>
    tpu.vector_store %arg2[%swap3A, %swap3A_12], %reshape3A {strides = array<i32>} : memref<1x1xf32, #tpu.memory_space<vmem>>, vector<1x1xf32>,
    return
  }
}

</mosaic_0001>

<sc_bundles>
// kernel: kernel.10.cloned.1.call-start
scs
__scs_entry_jumppad:
0x0: {  	(pc) =	sbr.rel $0x88, $3  }
0x1: {  	(tag) =	ssettag $0x0;
	lr =	simm.s32 $0x1  }
0x2: {  	[smem:$0x3F91] =	sst lr;
	_ =	strace $0xD0000000  }
0x3: {  	_ = 	snop  }
0x4: {  	_ = 	snop  }
0x5: {  	_ = 	snop  }
0x6: {  	_ = 	snop  }
0x7: {  	_ = 	snop  }
__scs_overlays_trampoline_lowered:
0x8: {  	[smem:$0x3FA0] =	sst s0  }
0x9: {  	[smem:$0x3FA1] =	sst s1  }
0xa: {  	[smem:$0x3FA2] =	sst s2  }
0xb: {  	[smem:$0x3FA3] =	sst s3  }
0xc: {  	[smem:$0x3FA4] =	sst s4  }
0xd: {  	[smem:$0x3FA5] =	sst s5  }
0xe: {  	[smem:$0x3FA6] =	sst s6  }
0xf: {  	[smem:$0x3FA7] =	sst s7  }
0x10: {  	[smem:$0x3FA8] =	sst s8  }
0x11: {  	[smem:$0x3FA9] =	sst s9;
	s0 =	simm.s32 @!p0 $0x0  }
0x12: {  	s1 =	sld [smem:$0x3F8F];
	s0 =	simm.s32 @p0 $0x1  }
0x13: {  	[smem:$0x3FAA] =	sst s0;
	s0 =	simm.s32 @!p1 $0x0  }
0x14: {  	s2 =	sld [smem:$0x3F8E];
	s0 =	simm.s32 @p1 $0x1  }
0x15: {  	[smem:$0x3FAB] =	sst s0;
	s0 =	simm.s32 @!p2 $0x0  }
0x16: {  	s3 =	sld [smem:$0x3FDB];
	s0 =	simm.s32 @p2 $0x1  }
0x17: {  	s4 =	simm.s32 $0x1BF5;
	[smem:$0x3FAD] =	sst s0  }
0x18: {  	s0 =	sld [smem:$0x3F90];
	_ =	swait.ge [sflag:s4], $0x0  }
0x19: {  	s7 =	sld [smem:$0x3F91]  }
0x1a: {  	s8 =	sadd.s32 $0xFFFFE003, lr  }
0x1b: {  	s9 =	sadd.s32 $0xFFFFFEF7, lr;
	s5 =	simm.s32 $0xFFFFFFFF;
	p2 =	slt.u32 s8, $0xFFFFF086  }
0x1c: {  	p1 =	slt.u32 s9, $0xF7A;
	s5 =	simm.s32 @!p2 $0x0  }
0x1d: {  	s5 =	simm.s32 @p1 $0x1;
	p0 =	seq.s32 s7, s2  }
0x1e: {  	s7 =	smul.u32 @!p0 $0xF7A, s2;
	p2 =	seq.s32 @!p0 s5, $0x0  }
0x1f: {  	s9 =	smul.u32 $0xF7A, s1;
	s8 =	simm.s32 @!p0 $0x1BF5;
	p2 =	por !p2, p0  }
0x20: {  	[sflag:s8] =	ssyncset.s32 @!p0 $0xFFFFF086;
	s6 =	sadd.s32 @!p0 s3, s7;
	s7 =	simm.s32 @!p0 $0x108  }
0x21: {  	s3 =	sadd.s32 s3, s9;
	s6 =	sadd.s32 @!p0 $0x88, s6;
	s7 =	simm.s32 @p2 $0x1082  }
0x22: {  	[simem:s7], [sflag:s8] =	dma.local @!p0 [hbm:s6], $0xF7A  }
0x23: {  	s9 =	sor.u32 $0xD0000000, s2;
	s6 =	simm.s32 $0x108;
	_ =	swait.ge @!p0 [sflag:s8], $0x0  }
0x24: {  	s3 =	sadd.s32 $0x88, s3;
	s6 =	simm.s32 @!p1 $0x1082;
	[sflag:s4] =	ssyncset.s32 $0xFFFFF086  }
0x25: {  	[simem:s6], [sflag:s4] =	dma.local [hbm:s3], $0xF7A  }
0x26: {  	[smem:$0x3F91] =	sst s1;
	(tag) =	ssettag s2;
	_ =	strace s9  }
0x27: {  	s1 =	sld [smem:$0x3FA1]  }
0x28: {  	s2 =	sld [smem:$0x3FA2]  }
0x29: {  	s4 =	sld [smem:$0x3FA4]  }
0x2a: {  	p0 =	seq.s32 s5, $0x0;
	s5 =	sld [smem:$0x3FA5]  }
0x2b: {  	s6 =	sld [smem:$0x3FA6]  }
0x2c: {  	s7 =	sld [smem:$0x3FA7]  }
0x2d: {  	s3 =	simm.s32 $0x108;
	s8 =	sld [smem:$0x3FA8]  }
0x2e: {  	s3 =	simm.s32 @!p0 $0x1082;
	s9 =	sld [smem:$0x3FA9]  }
0x2f: {  	lr =	sadd.s32 s0, s3;
	s0 =	sld [smem:$0x3FA0]  }
0x30: {  	s3 =	sld [smem:$0x3FA3]  }
0x31: {  	[smem:$0x3FAC] =	sst s10  }
0x32: {  	s10 =	sld [smem:$0x3FAA];
	_ =	sdelay $0x3  }
0x33: {  	p0 =	seq.s32 s10, $0x1;
	s10 =	sld [smem:$0x3FAC];
	_ =	sdelay $0x3  }
0x34: {  	[smem:$0x3FAC] =	sst s10  }
0x35: {  	s10 =	sld [smem:$0x3FAB];
	_ =	sdelay $0x3  }
0x36: {  	p1 =	seq.s32 s10, $0x1;
	s10 =	sld [smem:$0x3FAC];
	_ =	sdelay $0x3  }
0x37: {  	[smem:$0x3FAC] =	sst s10  }
0x38: {  	s10 =	sld [smem:$0x3FAD]  }
0x39: {  	_ = 	snop;
	(pc) =	sbr.ind lr, $3  }
0x3a: {  	_ = 	snop  }
0x3b: {  	_ = 	snop  }
0x3c: {  	p2 =	seq.s32 s10, $0x1;
	s10 =	sld [smem:$0x3FAC]  }
0x3d: {  	_ =	shalt  }
0x3e: {  	_ =	shalt  }
0x3f: {  	_ =	shalt  }
0x40: {  	_ =	shalt  }
0x41: {  	_ =	shalt  }
0x42: {  	_ =	shalt  }
0x43: {  	_ =	shalt  }
0x44: {  	_ =	shalt  }
0x45: {  	_ =	shalt  }
0x46: {  	_ =	shalt  }
0x47: {  	_ =	shalt  }
0x48: {  	_ =	shalt  }
0x49: {  	_ =	shalt  }
0x4a: {  	_ =	shalt  }
0x4b: {  	_ =	shalt  }
0x4c: {  	_ =	shalt  }
0x4d: {  	_ =	shalt  }
0x4e: {  	_ =	shalt  }
0x4f: {  	_ =	shalt  }
0x50: {  	_ =	shalt  }
0x51: {  	_ =	shalt  }
0x52: {  	_ =	shalt  }
0x53: {  	_ =	shalt  }
0x54: {  	_ =	shalt  }
0x55: {  	_ =	shalt  }
0x56: {  	_ =	shalt  }
0x57: {  	_ =	shalt  }
0x58: {  	_ =	shalt  }
0x59: {  	_ =	shalt  }
0x5a: {  	_ =	shalt  }
0x5b: {  	_ =	shalt  }
0x5c: {  	_ =	shalt  }
0x5d: {  	_ =	shalt  }
0x5e: {  	_ =	shalt  }
0x5f: {  	_ =	shalt  }
0x60: {  	_ =	shalt  }
0x61: {  	_ =	shalt  }
0x62: {  	_ =	shalt  }
0x63: {  	_ =	shalt  }
0x64: {  	_ =	shalt  }
0x65: {  	_ =	shalt  }
0x66: {  	_ =	shalt  }
0x67: {  	_ =	shalt  }
0x68: {  	_ =	shalt  }
0x69: {  	_ =	shalt  }
0x6a: {  	_ =	shalt  }
0x6b: {  	_ =	shalt  }
0x6c: {  	_ =	shalt  }
0x6d: {  	_ =	shalt  }
0x6e: {  	_ =	shalt  }
0x6f: {  	_ =	shalt  }
0x70: {  	_ =	shalt  }
0x71: {  	_ =	shalt  }
0x72: {  	_ =	shalt  }
0x73: {  	_ =	shalt  }
0x74: {  	_ =	shalt  }
0x75: {  	_ =	shalt  }
0x76: {  	_ =	shalt  }
0x77: {  	_ =	shalt  }
0x78: {  	_ =	shalt  }
0x79: {  	_ =	shalt  }
0x7a: {  	_ =	shalt  }
0x7b: {  	_ =	shalt  }
0x7c: {  	_ =	shalt  }
0x7d: {  	_ =	shalt  }
0x7e: {  	_ =	shalt  }
0x7f: {  	_ =	shalt  }
0x80: {  	_ =	shalt  }
0x81: {  	_ =	shalt  }
0x82: {  	_ =	shalt  }
0x83: {  	_ =	shalt  }
0x84: {  	_ =	shalt  }
0x85: {  	_ =	shalt  }
0x86: {  	_ =	shalt  }
0x87: {  	_ =	shalt  }
.Lfunc_end0:
.L_simem_size_0:
called_computation_lowered:
.L_overlay_start_0:
0x88: {  	s2 =	sld [smem:$0x3FD9]  }
0x89: {  	s3 =	sld [smem:$0x3FFE];
	_ =	sdelay $0x1  }
0x8a: {  	s1 =	srdreg.scid  }
0x8b: {  	s0 =	sand.u32 $0x1, s1  }
0x8c: {  	s14 =	sshll.u32 s0, $0xA;
	s2 =	sadd.s32 s3, s2  }
0x8d: {  	s2 =	sadd.s32 s2, s14  }
0x8e: {  	[smem:$0x3FB8] =	sst s2  }
0x8f: {  	_ = 	snop  }
0x90: {  	s2 =	sld [smem:$0x3FD0];
	_ =	sdelay $0x2  }
0x91: {  	s4 =	simm.s32 $0xA;
	s5 =	simm.s32 $0x10;
	s15 =	sld [smem:$0x3FC8]  }
0x92: {  	[smem:s5], [sflag:s4] =	dma.local [hbm:s2], $0x1  }
0x93: {  	_ =	swait.eq [sflag:s4], $0x1  }
0x94: {  	[sflag:s4] =	ssyncset.done $0x0  }
0x95: {  	[sflag:s4] =	ssyncadd.s32 $0xFFFFFFFF  }
0x96: {  	s16 =	sld [smem:$0x11];
	(tm) =	ssettm $0x1  }
0x97: {  	s17 =	sld [smem:$0x3FFB];
	_ =	sdelay $0x3  }
0x98: {  	_ =	strace s17  }
0x99: {  	s4 =	sld [smem:$0x3FFC];
	_ =	sdelay $0x3  }
0x9a: {  	_ =	strace s4  }
0x9b: {  	s4 =	sld [smem:$0x3FFD];
	_ =	sdelay $0x3  }
0x9c: {  	_ =	strace s4  }
0x9d: {  	_ =	strace $0x8FFFFFFF  }
0x9e: {  	s18 =	sld [smem:$0x3FDB];
	_ =	sdelay $0x1  }
0x9f: {  	s19 =	simm.s32 $_scs_section_size  }
0xa0: {  	s6 =	simm.s32 $_size__tile_overlayer_lowered;
	s7 =	simm.s32 $_tile_overlayer_lowered  }
0xa1: {  	s22 =	simm.s32 $0x1BFF;
	s21 =	sshll.u32 s7, $0x1;
	s4 =	sadd.s32 s19, s18  }
0xa2: {  	s8 =	simm.s32 $0x0;
	s20 =	sshll.u32 s6, $0x1;
	s6 =	sadd.s32 s21, s4  }
0xa3: {  	[timem:s8], [sflag:s22] =	dma.local [hbm:s6], s20  }
0xa4: {  	_ =	swait.ge [sflag:s22], s20  }
0xa5: {  	s5 =	ssub.s32 $0x0, s20;
	[sflag:s22] =	ssyncset.done $0x0  }
0xa6: {  	[sflag:s22] =	ssyncadd.s32 s5;
	_ =	sdelay $0x1  }
0xa7: {  	s23 =	simm.s32 $0x1B8B  }
0xa8: {  	_ =	swait.ge [sflag:s23], $0x1  }
0xa9: {  	[sflag:s23] =	ssyncset.done $0x0  }
0xaa: {  	s25 =	simm.s32 $0x1B8E;
	s24 =	sld [smem:$0x3FFE];
	[sflag:s23] =	ssyncadd.s32 $0xFFFFFFFF  }
0xab: {  	s26 =	simm.s32 $execute0_lowered;
	[smem:$0x3FD2] =	sst s25  }
0xac: {  	s6 =	sshll.u32 s26, $0x1;
	_ =	strace $0x80000046;
	[dreg:$0x1] =	wrdreg $0xFFFFFFFF  }
0xad: {  	s28 =	simm.s32 $_size_execute0_lowered;
	s4 =	sadd.s32 s4, s6;
	[dreg:$0x0] =	wrdreg $0x0  }
0xae: {  	s6 =	sshll.u32 s28, $0x1;
	[dreg:$0x2] =	wrdreg s4  }
0xaf: {  	[dreg:$0x3] =	wrdreg s6  }
0xb0: {  	[dreg:$0x4] =	wrdreg $0xC0  }
0xb1: {  	_ =	task [dreg:s8], $0x5FFFF  }
0xb2: {  	[dreg:$0x1] =	wrdreg $0xFFFFFFFF  }
0xb3: {  	[dreg:$0x0] =	wrdreg $0x60  }
0xb4: {  	[dreg:$0x2] =	wrdreg s15  }
0xb5: {  	[dreg:$0x3] =	wrdreg s16  }
0xb6: {  	[dreg:$0x4] =	wrdreg s24  }
0xb7: {  	[dreg:$0x5] =	wrdreg $0x9  }
0xb8: {  	_ =	task.clear_ibuf [dreg:s8], $0x6FFFF;
	_ =	strace $0x90000046  }
0xb9: {  	s29 =	simm.s32 $0x9;
	_ =	strace $0x80000048  }
0xba: {  	_ =	swait.ge [sflag:s29], $0x1  }
0xbb: {  	[sflag:s29] =	ssyncadd.s32 $0xFFFFFFFF  }
0xbc: {  	_ =	strace $0x90000048  }
0xbd: {  	_ =	sfence  }
0xbe: {  	s30 =	sld [smem:$0x0];
	_ =	sdelay $0x2  }
0xbf: {  	s31 =	sshll.u32 s1, $0xD;
	s1 =	sshrl.u32 s1, $0x2  }
0xc0: {  	s3 =	sand.u32 $0x4000, s31;
	s1 =	sadd.s32 s1, s30  }
0xc1: {  	s0 =	sor.u32 s3, s0;
	s1 =	sshll.u32 s1, $0x11  }
0xc2: {  	s0 =	sor.u32 s1, s0  }
0xc3: {  	s0 =	sadd.s32 $0x8F2B, s0  }
0xc4: {  	[sflag:s0] =	ssyncadd.remote.s32 $0x1  }
0xc5: {  	_ =	sfence.sel $0xFFFF  }
0xc6: {  	[dreg:$0x0] =	wrdreg $0xFFFFFFFF;
	(pc) =	sbr.abs _section_cstart, $3  }
0xc7: {  	[dreg:$0x1] =	wrdreg $0xFFFFFFFF  }
0xc8: {  	_ =	task.clear_ibuf [dreg:s8], $0x2FFFF;
	_ =	strace $0x9FFFFFFF  }
0xc9: {  	(tm) =	ssettm $0x7FFFFFFF  }
tec
execute0_lowered:
.L_overlay_start_1:
0x0: {  	(tag) =	ssettag $0x1  }
0x1: {  	s1 =	rddreg [dreg:$0x0]  }
0x2: {  	s2 =	srdreg.scid;
	s4 =	rddreg [dreg:$0x1]  }
0x3: {  	s0 =	stileid.u32;
	s9 =	rddreg [dreg:$0x2];
	s6 =	sand.u32 $0x1, s2  }
0x4: {  	s3 =	simm.s32 $0x0;
	s5 =	sshll.u32 s0, $0x6;
	s7 =	sshll.u32 s6, $0x5  }
0x5: {  	[smem:$0x7FF] =	sst s3;
	s10 =	sor.u32 s7, s5  }
0x6: {  	s2 =	rddreg [dreg:$0x3];
	_ =	strace $0x80000047;
	s5 =	sshrl.u32 s10, $0x3  }
0x7: {  	s11 =	ssub.s32 $0x2, s6;
	s5 =	sadd.s32 s4, s5;
	s4 =	simm.s32 $0x2  }
0x8: {  	[tilespmem:s3], [sflag:$0x2] =	stream.linear.gather [hbm4b:s5+s3], $0x20, $0x38;
	[tilespmem:$0x1080] =	vst v63  }
0x9: {  	s8 =	simm.s32 $0x1;
	s12 =	sshrl.u32 s11, $0x1;
	_ =	swait.ge [sflag:s4], $0x20  }
0xa: {  	s6 =	simm.s32 $0x20;
	s11 =	ssub.s32 s11, s12;
	[sflag:s4] =	ssyncset.done $0x0  }
0xb: {  	s7 =	simm.s32 $0x80;
	s31 =	smax.u32 s11, $0x1;
	[sflag:s4] =	ssyncadd.s32 $0xFFFFFFE0  }
0xc: {  	[tilespmem:s7], [sflag:$0x1] =	stream.indirect.gather [hbm4b:s1+s6], $0x80, s3, s6, $0xb8;
	[tilespmem:$0x1080] =	vst v63  }
0xd: {  	p0 =	sne.s32 s31, $0x1;
	_ =	swait.ge [sflag:s8], $0x1000  }
.Ltmp0:
0xe: {  	s10 =	sshll.u32 s10, $0x4;
	[sflag:s8] =	ssyncset.done $0x0;
	(pc) =	sbr.rel @!p0 .LBB2_2-.Ltmp0, $4  }
0xf: {  	s9 =	sadd.s32 s9, s10;
	[sflag:s8] =	ssyncadd.s32 $0xFFFFF000  }
0x10: {  	[hbm4b:s9+s3] =	stream.linear.scatter [tilespmem:s7], [sflag:$0x2], $0x1000, $0x38;
	[tilespmem:$0x1080] =	vst v63  }
0x11: {  	_ =	swait.ge [sflag:s4], $0x1000  }
0x12: {  	s10 =	sadd.s32 $0xFFFFFFFF, s31;
	[sflag:s4] =	ssyncset.done $0x0  }
.LBB2_1:
0x13: {  	p0 =	sne.s32 s10, $0x1;
	s10 =	sadd.s32 $0xFFFFFFFF, s10;
	[sflag:s4] =	ssyncadd.s32 $0xFFFFF000  }
0x14: {  	[tilespmem:s3], [sflag:$0x2] =	stream.linear.gather [hbm4b:s5+s3], $0x20, $0x38;
	[tilespmem:$0x1080] =	vst v63  }
0x15: {  	_ =	swait.ge [sflag:s4], $0x20  }
0x16: {  	[sflag:s4] =	ssyncset.done $0x0  }
0x17: {  	[sflag:s4] =	ssyncadd.s32 $0xFFFFFFE0  }
0x18: {  	[tilespmem:s7], [sflag:$0x1] =	stream.indirect.gather [hbm4b:s1+s6], $0x80, s3, s6, $0xb8;
	[tilespmem:$0x1080] =	vst v63  }
0x19: {  	_ =	swait.ge [sflag:s8], $0x1000  }
.Ltmp1:
0x1a: {  	[sflag:s8] =	ssyncset.done $0x0;
	(pc) =	sbr.rel @p0 .LBB2_1-.Ltmp1, $4  }
0x1b: {  	[sflag:s8] =	ssyncadd.s32 $0xFFFFF000  }
0x1c: {  	[hbm4b:s9+s3] =	stream.linear.scatter [tilespmem:s7], [sflag:$0x2], $0x1000, $0x38;
	[tilespmem:$0x1080] =	vst v63  }
0x1d: {  	_ =	swait.ge [sflag:s4], $0x1000  }
0x1e: {  	[sflag:s4] =	ssyncset.done $0x0  }
.LBB2_2:
0x1f: {  	[sflag:s4] =	ssyncadd.s32 $0xFFFFF000  }
0x20: {  	_ =	sfence.sel $0x180000  }
0x21: {  	[bflag:$0x0] =	sbarrier.arrive $0xFFFF  }
0x22: {  	p0 =	sne.s32 s0, $0x0;
	_ =	strace $0x90000047  }
0x23: {  	s0 =	sadd.s32 @!p0 $0x100000, s2;
	[bflag:$0x2] =	sbarrier.arrive $0xFFFF  }
0x24: {  	[sflag:s0] =	ssyncadd.tile.s32 @!p0 $0x1;
	_ =	shalt  }
.Lfunc_end2:
_tile_overlayer_lowered:
.L_overlay_start_2:
0x25: {  	(tag) =	ssettag $0x2  }
0x26: {  	s0 =	rddreg [dreg:$0x0];
	s2 =	stileid.u32  }
0x27: {  	s1 =	rddreg [dreg:$0x1];
	p0 =	sne.s32 s2, $0x0  }
0x28: {  	s3 =	rddreg [dreg:$0x2];
	[bflag:$0x3] =	sbarrier.arrive $0xFFFF;
	s2 =	simm.s32 @!p0 $0x1C02  }
0x29: {  	[timem:s3], [sflag:s2] =	dma.local @!p0 [hbm:s0], s1  }
0x2a: {  	s0 =	simm.s32 @!p0 $0x2  }
0x2b: {  	_ =	swait.ge @!p0 [sflag:s0], s1  }
0x2c: {  	s1 =	ssub.s32 @!p0 $0x0, s1;
	[sflag:s0] =	ssyncset.done @!p0 $0x0  }
0x2d: {  	[sflag:s0] =	ssyncadd.s32 @!p0 s1  }
0x2e: {  	[bflag:$0x3] =	sbarrier.arrive $0xFFFF  }
0x2f: {  	_ =	shalt  }

</sc_bundles>
